<compile_context>
chip_gen: v7x
topology: tpu7x:2x2x1
jax: 0.10.2.dev20260603
libtpu: 0.0.44.dev20260713+nightly
codegen_flags: <defaults>
</compile_context>

<pallas_src>
import functools

import jax
import jax.numpy as jnp
from jax import lax
from jax.experimental import pallas as pl
from jax.experimental.pallas import tpu as pltpu
from jax.experimental.pallas import tpu_sc as plsc

_GAMMA = 12.0
_D = 64
_B = 4096
_NEG = 128
_NC = 2
_NS = 16
_NW = _NC * _NS
_BPW = _B // _NW
_L = 16


def _body(hidx_hbm, ridx_hbm, tp_hbm, ent_hbm, rel_hbm, out_hbm,
          tidx_v, hidx_v, ridx_v, hr_v, rel_v,
          tbuf0, tbuf1, tbuf2, tbuf3, score_v,
          sem0, sem1, sem2, sem3):
    wid = lax.axis_index("s") * _NC + lax.axis_index("c")
    base = wid * _BPW

    pltpu.sync_copy(hidx_hbm.at[pl.ds(base, _BPW)], hidx_v)
    pltpu.sync_copy(ridx_hbm.at[pl.ds(base, _BPW)], ridx_v)
    pltpu.sync_copy(tp_hbm.at[pl.ds(base * _NEG, _BPW * _NEG)], tidx_v)

    lanes = lax.iota(jnp.int32, _L)

    pltpu.async_copy(ent_hbm.at[hidx_v], hr_v, sem0).wait()
    pltpu.async_copy(rel_hbm.at[ridx_v], rel_v, sem0).wait()

    def hr_body(b, carry):
        for j in range(_D // _L):
            sl = pl.ds(j * _L, _L)
            hr_v[b, sl] = hr_v[b, sl] + rel_v[b, sl]
        return carry
    lax.fori_loop(0, _BPW, hr_body, 0, unroll=4)

    mask7 = lanes == (_L // 2 - 1)
    mask15 = lanes == (_L - 1)
    m715 = mask7 | mask15
    lane_lo = lanes < (_L // 2)
    is15 = mask15.astype(jnp.int32)

    def compute_b(b, tbuf):
        hr0 = hr_v[b, pl.ds(0, _L)]
        hr1 = hr_v[b, pl.ds(_L, _L)]
        hr2 = hr_v[b, pl.ds(2 * _L, _L)]
        hr3 = hr_v[b, pl.ds(3 * _L, _L)]
        bsplat = jnp.full((_L,), b, jnp.int32)

        def diffs(n):
            t0 = tbuf[n, pl.ds(0, _L)]
            t1 = tbuf[n, pl.ds(_L, _L)]
            t2 = tbuf[n, pl.ds(2 * _L, _L)]
            t3 = tbuf[n, pl.ds(3 * _L, _L)]
            return (jnp.abs(hr0 - t0) + jnp.abs(hr1 - t1)
                    + jnp.abs(hr2 - t2) + jnp.abs(hr3 - t3))

        def nbody(k, carry):
            n0 = 2 * k
            fa = diffs(n0)
            fb = diffs(n0 + 1)
            fa = fa + jnp.flip(fa)
            fb = fb + jnp.flip(fb)
            half = _GAMMA / (_L // 2)
            u = jnp.where(lane_lo, half - fa, half - fb)
            c = plsc.cumsum(u)
            n_idx = jnp.full((_L,), n0, jnp.int32) + is15
            plsc.store_scatter(score_v, [bsplat, n_idx], c, mask=m715)
            n1splat = jnp.full((_L,), n0 + 1, jnp.int32)
            plsc.addupdate_scatter(score_v, [bsplat, n1splat], -c, mask=mask7)
            return carry
        lax.fori_loop(0, _NEG // 2, nbody, 0, unroll=4)

    tbufs = (tbuf0, tbuf1, tbuf2, tbuf3)
    sems = (sem0, sem1, sem2, sem3)

    def gidx(p):
        return tidx_v.at[pl.ds(p * _NEG, _NEG)]

    for r in range(3):
        pltpu.async_copy(ent_hbm.at[gidx(r)], tbufs[r], sems[r])

    def outer(i, carry):
        for j in range(4):
            b = 4 * i + j
            nxt = (j + 3) % 4

            @pl.when(b + 3 < _BPW)
            def _():
                pltpu.async_copy(
                    ent_hbm.at[gidx(b + 3)], tbufs[nxt], sems[nxt])
            pltpu.make_async_copy(
                ent_hbm.at[gidx(b)], tbufs[j], sems[j]).wait()
            compute_b(b, tbufs[j])
        return carry
    lax.fori_loop(0, _BPW // 4, outer, 0)

    pltpu.sync_copy(score_v, out_hbm.at[pl.ds(base, _BPW)])


@functools.partial(
    pl.kernel,
    mesh=plsc.VectorSubcoreMesh(core_axis_name="c", subcore_axis_name="s"),
    out_type=jax.ShapeDtypeStruct((_B, _NEG), jnp.float32),
    compiler_params=pltpu.CompilerParams(
        needs_layout_passes=False, use_tc_tiling_on_sc=False),
    scratch_types=[
        pltpu.VMEM((_BPW * _NEG,), jnp.int32),
        pltpu.VMEM((_BPW,), jnp.int32),
        pltpu.VMEM((_BPW,), jnp.int32),
        pltpu.VMEM((_BPW, _D), jnp.float32),
        pltpu.VMEM((_BPW, _D), jnp.float32),
        pltpu.VMEM((_NEG, _D), jnp.float32),
        pltpu.VMEM((_NEG, _D), jnp.float32),
        pltpu.VMEM((_NEG, _D), jnp.float32),
        pltpu.VMEM((_NEG, _D), jnp.float32),
        pltpu.VMEM((_BPW, _NEG), jnp.float32),
        pltpu.SemaphoreType.DMA,
        pltpu.SemaphoreType.DMA,
        pltpu.SemaphoreType.DMA,
        pltpu.SemaphoreType.DMA,
    ],
)
def _kge_score(hidx, ridx, tp, ent, rel, out, *scratch):
    _body(hidx, ridx, tp, ent, rel, out, *scratch)


def kernel(head_part, tail_part, entity_embedding, relation_embedding):
    hp = head_part.astype(jnp.int32)
    ent_pad = jnp.pad(entity_embedding, ((0, 0), (0, _D)))
    ent_v = ent_pad.reshape(2 * entity_embedding.shape[0],
                            entity_embedding.shape[1])
    return _kge_score(hp[:, 0] * 2, hp[:, 1],
                      tail_part.astype(jnp.int32).reshape(-1) * 2,
                      ent_v, relation_embedding)

# --- scband reference (transcript-rebuilt; emitter-appended) ---
"""Pipeline reference for scband-kgemodel-12120397709402 (READ-ONLY COPY).

The authoritative reference and input builder live on the scoring server;
editing this copy changes nothing except your own understanding.
"""

import jax, jax.numpy as jnp
import numpy as np

NENTITY = 1000000
NRELATION = 1000
HIDDEN_DIM = 64
GAMMA = 12.0
EPSILON = 2.0
EMB_RANGE = (GAMMA + EPSILON) / HIDDEN_DIM
BATCH = 4096
NEG = 128

def setup_inputs(seed: int = 0) -> dict:
    key = jax.random.key(seed)
    k1, k2, k3, k4 = jax.random.split(key, 4)
    entity_embedding = jax.random.uniform(k1, (NENTITY, HIDDEN_DIM), dtype=jnp.float32, minval=-EMB_RANGE, maxval=EMB_RANGE)
    relation_embedding = jax.random.uniform(k2, (NRELATION, HIDDEN_DIM), dtype=jnp.float32, minval=-EMB_RANGE, maxval=EMB_RANGE)
    head_part = jax.random.randint(k3, (BATCH, 3), 0, NRELATION, dtype=jnp.int64 if jax.config.jax_enable_x64 else jnp.int32)
    tail_part = jax.random.randint(k4, (BATCH, NEG), 0, NENTITY, dtype=jnp.int64 if jax.config.jax_enable_x64 else jnp.int32)
    return {"head_part": head_part, "tail_part": tail_part, "entity_embedding": entity_embedding, "relation_embedding": relation_embedding}

def reference(head_part, tail_part, entity_embedding, relation_embedding):
    # KGEModel.forward with mode='tail-batch', model_name='TransE'
    # sample = (head_part, tail_part)
    batch_size, negative_sample_size = tail_part.shape
    head = jnp.take(entity_embedding, head_part[:, 0], axis=0)[:, None, :]           # [B, 1, d]
    relation = jnp.take(relation_embedding, head_part[:, 1], axis=0)[:, None, :]     # [B, 1, d]
    tail = jnp.take(entity_embedding, tail_part.reshape(-1), axis=0).reshape(batch_size, negative_sample_size, -1)  # [B, neg, d]
    # TransE (tail-batch): score = gamma - ||head + relation - tail||_1
    score = GAMMA - jnp.sum(jnp.abs(head + relation - tail), axis=2)                 # [B, neg]
    return score

if __name__ == "__main__":
    import jax
    _d = setup_inputs()
    print(jax.jit(kernel)(*tuple(_d.values())))

</pallas_src>

<mosaic_0001>
#map = affine_map<(d0, d1) -> (0)>
#map1 = affine_map<(d0, d1) -> (0, 0)>
module attributes {stable_mosaic.version = 14 : i64} {
  func.func @_kge_score(%arg0: i32, %arg1: i32, %arg2: memref<4096xi32, #tpu.memory_space<hbm>>, %arg3: memref<4096xi32, #tpu.memory_space<hbm>>, %arg4: memref<524288xi32, #tpu.memory_space<hbm>>, %arg5: memref<2000000x64xf32, #tpu.memory_space<hbm>>, %arg6: memref<1000x64xf32, #tpu.memory_space<hbm>>, %arg7: memref<4096x128xf32, #tpu.memory_space<hbm>>, %arg8: memref<16384xi32, #tpu.memory_space<vmem>>, %arg9: memref<128xi32, #tpu.memory_space<vmem>>, %arg10: memref<128xi32, #tpu.memory_space<vmem>>, %arg11: memref<128x64xf32, #tpu.memory_space<vmem>>, %arg12: memref<128x64xf32, #tpu.memory_space<vmem>>, %arg13: memref<128x64xf32, #tpu.memory_space<vmem>>, %arg14: memref<128x64xf32, #tpu.memory_space<vmem>>, %arg15: memref<128x64xf32, #tpu.memory_space<vmem>>, %arg16: memref<128x64xf32, #tpu.memory_space<vmem>>, %arg17: memref<128x128xf32, #tpu.memory_space<vmem>>, %arg18: memref<!tpu.dma_semaphore, #tpu.memory_space<semaphore_mem>>, %arg19: memref<!tpu.dma_semaphore, #tpu.memory_space<semaphore_mem>>, %arg20: memref<!tpu.dma_semaphore, #tpu.memory_space<semaphore_mem>>, %arg21: memref<!tpu.dma_semaphore, #tpu.memory_space<semaphore_mem>>) attributes {dimension_semantics = [#tpu.dimension_semantics<core_parallel>, #tpu.dimension_semantics<subcore_parallel>], iteration_bounds = array<i64: 2, 16>, scalar_prefetch = 0 : i64, scratch_operands = 14 : i64, tpu.core_type = #tpu.core_type<sc_vector_subcore>, window_params = [{transform_indices = #map}, {transform_indices = #map}, {transform_indices = #map}, {transform_indices = #map1}, {transform_indices = #map1}, {transform_indices = #map1}]} {
    %mul3A = arith.constant 2 : i32
    %mul3A_0 = arith.muli %arg1, %mul3A : i32
    %add3A = arith.addi %mul3A_0, %arg0 : i32
    %mul3A_1 = arith.constant 128 : i32
    %mul3A_2 = arith.muli %add3A, %mul3A_1 : i32
    "tpu.region"() ({
      %run_scoped3A = tpu.sem_alloc : memref<!tpu.dma_semaphore, #tpu.memory_space<semaphore_mem>>
      %dma_start3A_48 = tpu.memref_slice %arg2[%mul3A_2] : memref<4096xi32, #tpu.memory_space<hbm>> -> memref<128xi32, #tpu.memory_space<hbm>>
      %dma_start3A_49 = tpu.memref_slice %arg2[%mul3A_2] : memref<4096xi32, #tpu.memory_space<hbm>> -> memref<128xi32, #tpu.memory_space<hbm>>
      tpu.enqueue_dma source(%dma_start3A_49 : memref<128xi32, #tpu.memory_space<hbm>>) target(%arg9 : memref<128xi32, #tpu.memory_space<vmem>>) target_semaphore(%run_scoped3A : memref<!tpu.dma_semaphore, #tpu.memory_space<semaphore_mem>>)
      %dma_wait3A_50 = tpu.memref_slice %arg2[%mul3A_2] : memref<4096xi32, #tpu.memory_space<hbm>> -> memref<128xi32, #tpu.memory_space<hbm>>
      %dma_wait3A_51 = tpu.memref_slice %arg2[%mul3A_2] : memref<4096xi32, #tpu.memory_space<hbm>> -> memref<128xi32, #tpu.memory_space<hbm>>
      tpu.wait_dma2 semaphore(%run_scoped3A : memref<!tpu.dma_semaphore, #tpu.memory_space<semaphore_mem>>) src(%dma_wait3A_51 : memref<128xi32, #tpu.memory_space<hbm>>) dst(%arg9 : memref<128xi32, #tpu.memory_space<vmem>>)
      tpu.yield
    }) : () -> ()
    "tpu.region"() ({
      %run_scoped3A = tpu.sem_alloc : memref<!tpu.dma_semaphore, #tpu.memory_space<semaphore_mem>>
      %dma_start3A_48 = tpu.memref_slice %arg3[%mul3A_2] : memref<4096xi32, #tpu.memory_space<hbm>> -> memref<128xi32, #tpu.memory_space<hbm>>
      %dma_start3A_49 = tpu.memref_slice %arg3[%mul3A_2] : memref<4096xi32, #tpu.memory_space<hbm>> -> memref<128xi32, #tpu.memory_space<hbm>>
      tpu.enqueue_dma source(%dma_start3A_49 : memref<128xi32, #tpu.memory_space<hbm>>) target(%arg10 : memref<128xi32, #tpu.memory_space<vmem>>) target_semaphore(%run_scoped3A : memref<!tpu.dma_semaphore, #tpu.memory_space<semaphore_mem>>)
      %dma_wait3A_50 = tpu.memref_slice %arg3[%mul3A_2] : memref<4096xi32, #tpu.memory_space<hbm>> -> memref<128xi32, #tpu.memory_space<hbm>>
      %dma_wait3A_51 = tpu.memref_slice %arg3[%mul3A_2] : memref<4096xi32, #tpu.memory_space<hbm>> -> memref<128xi32, #tpu.memory_space<hbm>>
      tpu.wait_dma2 semaphore(%run_scoped3A : memref<!tpu.dma_semaphore, #tpu.memory_space<semaphore_mem>>) src(%dma_wait3A_51 : memref<128xi32, #tpu.memory_space<hbm>>) dst(%arg10 : memref<128xi32, #tpu.memory_space<vmem>>)
      tpu.yield
    }) : () -> ()
    %mul3A_3 = arith.constant 128 : i32
    %mul3A_4 = arith.muli %mul3A_2, %mul3A_3 : i32
    "tpu.region"() ({
      %run_scoped3A = tpu.sem_alloc : memref<!tpu.dma_semaphore, #tpu.memory_space<semaphore_mem>>
      %dma_start3A_48 = tpu.memref_slice %arg4[%mul3A_4] : memref<524288xi32, #tpu.memory_space<hbm>> -> memref<16384xi32, #tpu.memory_space<hbm>>
      %dma_start3A_49 = tpu.memref_slice %arg4[%mul3A_4] : memref<524288xi32, #tpu.memory_space<hbm>> -> memref<16384xi32, #tpu.memory_space<hbm>>
      tpu.enqueue_dma source(%dma_start3A_49 : memref<16384xi32, #tpu.memory_space<hbm>>) target(%arg8 : memref<16384xi32, #tpu.memory_space<vmem>>) target_semaphore(%run_scoped3A : memref<!tpu.dma_semaphore, #tpu.memory_space<semaphore_mem>>)
      %dma_wait3A_50 = tpu.memref_slice %arg4[%mul3A_4] : memref<524288xi32, #tpu.memory_space<hbm>> -> memref<16384xi32, #tpu.memory_space<hbm>>
      %dma_wait3A_51 = tpu.memref_slice %arg4[%mul3A_4] : memref<524288xi32, #tpu.memory_space<hbm>> -> memref<16384xi32, #tpu.memory_space<hbm>>
      tpu.wait_dma2 semaphore(%run_scoped3A : memref<!tpu.dma_semaphore, #tpu.memory_space<semaphore_mem>>) src(%dma_wait3A_51 : memref<16384xi32, #tpu.memory_space<hbm>>) dst(%arg8 : memref<16384xi32, #tpu.memory_space<vmem>>)
      tpu.yield
    }) : () -> ()
    %iota3A = tpu.iota {dimensions = array<i32: 0>} : vector<16xi32>
    %dma_start3A = arith.constant 0 : i32
    %dma_start3A_5 = arith.constant 0 : i32
    %dma_start3A_6 = tpu.memref_slice %arg5[%dma_start3A, %dma_start3A_5] : memref<2000000x64xf32, #tpu.memory_space<hbm>> -> memref<2000000x64xf32, #tpu.memory_space<hbm>>
    tpu.enqueue_indirect_dma source(%dma_start3A_6 : memref<2000000x64xf32, #tpu.memory_space<hbm>>) target(%arg11 : memref<128x64xf32, #tpu.memory_space<vmem>>) offsets(%arg9 : memref<128xi32, #tpu.memory_space<vmem>>) semaphore(%arg18 : memref<!tpu.dma_semaphore, #tpu.memory_space<semaphore_mem>>)
    %dma_wait3A = arith.constant 0 : i32
    %dma_wait3A_7 = arith.constant 0 : i32
    %dma_wait3A_8 = tpu.memref_slice %arg5[%dma_wait3A, %dma_wait3A_7] : memref<2000000x64xf32, #tpu.memory_space<hbm>> -> memref<2000000x64xf32, #tpu.memory_space<hbm>>
    tpu.wait_indirect_dma semaphore(%arg18 : memref<!tpu.dma_semaphore, #tpu.memory_space<semaphore_mem>>) src(%dma_wait3A_8 : memref<2000000x64xf32, #tpu.memory_space<hbm>>) dst(%arg11 : memref<128x64xf32, #tpu.memory_space<vmem>>)
    %dma_start3A_9 = arith.constant 0 : i32
    %dma_start3A_10 = arith.constant 0 : i32
    %dma_start3A_11 = tpu.memref_slice %arg6[%dma_start3A_9, %dma_start3A_10] : memref<1000x64xf32, #tpu.memory_space<hbm>> -> memref<1000x64xf32, #tpu.memory_space<hbm>>
    tpu.enqueue_indirect_dma source(%dma_start3A_11 : memref<1000x64xf32, #tpu.memory_space<hbm>>) target(%arg12 : memref<128x64xf32, #tpu.memory_space<vmem>>) offsets(%arg10 : memref<128xi32, #tpu.memory_space<vmem>>) semaphore(%arg18 : memref<!tpu.dma_semaphore, #tpu.memory_space<semaphore_mem>>)
    %dma_wait3A_12 = arith.constant 0 : i32
    %dma_wait3A_13 = arith.constant 0 : i32
    %dma_wait3A_14 = tpu.memref_slice %arg6[%dma_wait3A_12, %dma_wait3A_13] : memref<1000x64xf32, #tpu.memory_space<hbm>> -> memref<1000x64xf32, #tpu.memory_space<hbm>>
    tpu.wait_indirect_dma semaphore(%arg18 : memref<!tpu.dma_semaphore, #tpu.memory_space<semaphore_mem>>) src(%dma_wait3A_14 : memref<1000x64xf32, #tpu.memory_space<hbm>>) dst(%arg12 : memref<128x64xf32, #tpu.memory_space<vmem>>)
    %scan3A = arith.constant 0 : i32
    %scan3A_15 = arith.constant 0 : i32
    %scan3A_16 = arith.constant 128 : i32
    %scan3A_17 = arith.addi %scan3A_15, %scan3A_16 : i32
    %scan3A_18 = arith.constant 4 : i32
    scf.for %scan3A_48 = %scan3A_15 to %scan3A_17 step %scan3A_18  : i32 {
      %get3A = arith.index_cast %scan3A_48 : i32 to index
      %get3A_49 = arith.constant 0 : index
      %get3A_50 = tpu.vector_load %arg11[%get3A, %get3A_49] {strides = array<i32>} : memref<128x64xf32, #tpu.memory_space<vmem>>, vector<16xf32>,
      %get3A_51 = arith.index_cast %scan3A_48 : i32 to index
      %get3A_52 = arith.constant 0 : index
      %get3A_53 = tpu.vector_load %arg12[%get3A_51, %get3A_52] {strides = array<i32>} : memref<128x64xf32, #tpu.memory_space<vmem>>, vector<16xf32>,
      %add3A_54 = arith.addf %get3A_50, %get3A_53 : vector<16xf32>
      %swap3A = arith.index_cast %scan3A_48 : i32 to index
      %swap3A_55 = arith.constant 0 : index
      %swap3A_56 = tpu.vector_load %arg11[%swap3A, %swap3A_55] {strides = array<i32>} : memref<128x64xf32, #tpu.memory_space<vmem>>, vector<16xf32>,
      tpu.vector_store %arg11[%swap3A, %swap3A_55], %add3A_54 {strides = array<i32>} : memref<128x64xf32, #tpu.memory_space<vmem>>, vector<16xf32>,
      %get3A_57 = arith.index_cast %scan3A_48 : i32 to index
      %get3A_58 = arith.constant 16 : index
      %get3A_59 = tpu.vector_load %arg11[%get3A_57, %get3A_58] {strides = array<i32>} : memref<128x64xf32, #tpu.memory_space<vmem>>, vector<16xf32>,
      %get3A_60 = arith.index_cast %scan3A_48 : i32 to index
      %get3A_61 = arith.constant 16 : index
      %get3A_62 = tpu.vector_load %arg12[%get3A_60, %get3A_61] {strides = array<i32>} : memref<128x64xf32, #tpu.memory_space<vmem>>, vector<16xf32>,
      %add3A_63 = arith.addf %get3A_59, %get3A_62 : vector<16xf32>
      %swap3A_64 = arith.index_cast %scan3A_48 : i32 to index
      %swap3A_65 = arith.constant 16 : index
      %swap3A_66 = tpu.vector_load %arg11[%swap3A_64, %swap3A_65] {strides = array<i32>} : memref<128x64xf32, #tpu.memory_space<vmem>>, vector<16xf32>,
      tpu.vector_store %arg11[%swap3A_64, %swap3A_65], %add3A_63 {strides = array<i32>} : memref<128x64xf32, #tpu.memory_space<vmem>>, vector<16xf32>,
      %get3A_67 = arith.index_cast %scan3A_48 : i32 to index
      %get3A_68 = arith.constant 32 : index
      %get3A_69 = tpu.vector_load %arg11[%get3A_67, %get3A_68] {strides = array<i32>} : memref<128x64xf32, #tpu.memory_space<vmem>>, vector<16xf32>,
      %get3A_70 = arith.index_cast %scan3A_48 : i32 to index
      %get3A_71 = arith.constant 32 : index
      %get3A_72 = tpu.vector_load %arg12[%get3A_70, %get3A_71] {strides = array<i32>} : memref<128x64xf32, #tpu.memory_space<vmem>>, vector<16xf32>,
      %add3A_73 = arith.addf %get3A_69, %get3A_72 : vector<16xf32>
      %swap3A_74 = arith.index_cast %scan3A_48 : i32 to index
      %swap3A_75 = arith.constant 32 : index
      %swap3A_76 = tpu.vector_load %arg11[%swap3A_74, %swap3A_75] {strides = array<i32>} : memref<128x64xf32, #tpu.memory_space<vmem>>, vector<16xf32>,
      tpu.vector_store %arg11[%swap3A_74, %swap3A_75], %add3A_73 {strides = array<i32>} : memref<128x64xf32, #tpu.memory_space<vmem>>, vector<16xf32>,
      %get3A_77 = arith.index_cast %scan3A_48 : i32 to index
      %get3A_78 = arith.constant 48 : index
      %get3A_79 = tpu.vector_load %arg11[%get3A_77, %get3A_78] {strides = array<i32>} : memref<128x64xf32, #tpu.memory_space<vmem>>, vector<16xf32>,
      %get3A_80 = arith.index_cast %scan3A_48 : i32 to index
      %get3A_81 = arith.constant 48 : index
      %get3A_82 = tpu.vector_load %arg12[%get3A_80, %get3A_81] {strides = array<i32>} : memref<128x64xf32, #tpu.memory_space<vmem>>, vector<16xf32>,
      %add3A_83 = arith.addf %get3A_79, %get3A_82 : vector<16xf32>
      %swap3A_84 = arith.index_cast %scan3A_48 : i32 to index
      %swap3A_85 = arith.constant 48 : index
      %swap3A_86 = tpu.vector_load %arg11[%swap3A_84, %swap3A_85] {strides = array<i32>} : memref<128x64xf32, #tpu.memory_space<vmem>>, vector<16xf32>,
      tpu.vector_store %arg11[%swap3A_84, %swap3A_85], %add3A_83 {strides = array<i32>} : memref<128x64xf32, #tpu.memory_space<vmem>>, vector<16xf32>,
      %scan3A_87 = arith.constant 1 : i32
      %scan3A_88 = arith.addi %scan3A_48, %scan3A_87 : i32
      %get3A_89 = arith.index_cast %scan3A_88 : i32 to index
      %get3A_90 = arith.constant 0 : index
      %get3A_91 = tpu.vector_load %arg11[%get3A_89, %get3A_90] {strides = array<i32>} : memref<128x64xf32, #tpu.memory_space<vmem>>, vector<16xf32>,
      %get3A_92 = arith.index_cast %scan3A_88 : i32 to index
      %get3A_93 = arith.constant 0 : index
      %get3A_94 = tpu.vector_load %arg12[%get3A_92, %get3A_93] {strides = array<i32>} : memref<128x64xf32, #tpu.memory_space<vmem>>, vector<16xf32>,
      %add3A_95 = arith.addf %get3A_91, %get3A_94 : vector<16xf32>
      %swap3A_96 = arith.index_cast %scan3A_88 : i32 to index
      %swap3A_97 = arith.constant 0 : index
      %swap3A_98 = tpu.vector_load %arg11[%swap3A_96, %swap3A_97] {strides = array<i32>} : memref<128x64xf32, #tpu.memory_space<vmem>>, vector<16xf32>,
      tpu.vector_store %arg11[%swap3A_96, %swap3A_97], %add3A_95 {strides = array<i32>} : memref<128x64xf32, #tpu.memory_space<vmem>>, vector<16xf32>,
      %get3A_99 = arith.index_cast %scan3A_88 : i32 to index
      %get3A_100 = arith.constant 16 : index
      %get3A_101 = tpu.vector_load %arg11[%get3A_99, %get3A_100] {strides = array<i32>} : memref<128x64xf32, #tpu.memory_space<vmem>>, vector<16xf32>,
      %get3A_102 = arith.index_cast %scan3A_88 : i32 to index
      %get3A_103 = arith.constant 16 : index
      %get3A_104 = tpu.vector_load %arg12[%get3A_102, %get3A_103] {strides = array<i32>} : memref<128x64xf32, #tpu.memory_space<vmem>>, vector<16xf32>,
      %add3A_105 = arith.addf %get3A_101, %get3A_104 : vector<16xf32>
      %swap3A_106 = arith.index_cast %scan3A_88 : i32 to index
      %swap3A_107 = arith.constant 16 : index
      %swap3A_108 = tpu.vector_load %arg11[%swap3A_106, %swap3A_107] {strides = array<i32>} : memref<128x64xf32, #tpu.memory_space<vmem>>, vector<16xf32>,
      tpu.vector_store %arg11[%swap3A_106, %swap3A_107], %add3A_105 {strides = array<i32>} : memref<128x64xf32, #tpu.memory_space<vmem>>, vector<16xf32>,
      %get3A_109 = arith.index_cast %scan3A_88 : i32 to index
      %get3A_110 = arith.constant 32 : index
      %get3A_111 = tpu.vector_load %arg11[%get3A_109, %get3A_110] {strides = array<i32>} : memref<128x64xf32, #tpu.memory_space<vmem>>, vector<16xf32>,
      %get3A_112 = arith.index_cast %scan3A_88 : i32 to index
      %get3A_113 = arith.constant 32 : index
      %get3A_114 = tpu.vector_load %arg12[%get3A_112, %get3A_113] {strides = array<i32>} : memref<128x64xf32, #tpu.memory_space<vmem>>, vector<16xf32>,
      %add3A_115 = arith.addf %get3A_111, %get3A_114 : vector<16xf32>
      %swap3A_116 = arith.index_cast %scan3A_88 : i32 to index
      %swap3A_117 = arith.constant 32 : index
      %swap3A_118 = tpu.vector_load %arg11[%swap3A_116, %swap3A_117] {strides = array<i32>} : memref<128x64xf32, #tpu.memory_space<vmem>>, vector<16xf32>,
      tpu.vector_store %arg11[%swap3A_116, %swap3A_117], %add3A_115 {strides = array<i32>} : memref<128x64xf32, #tpu.memory_space<vmem>>, vector<16xf32>,
      %get3A_119 = arith.index_cast %scan3A_88 : i32 to index
      %get3A_120 = arith.constant 48 : index
      %get3A_121 = tpu.vector_load %arg11[%get3A_119, %get3A_120] {strides = array<i32>} : memref<128x64xf32, #tpu.memory_space<vmem>>, vector<16xf32>,
      %get3A_122 = arith.index_cast %scan3A_88 : i32 to index
      %get3A_123 = arith.constant 48 : index
      %get3A_124 = tpu.vector_load %arg12[%get3A_122, %get3A_123] {strides = array<i32>} : memref<128x64xf32, #tpu.memory_space<vmem>>, vector<16xf32>,
      %add3A_125 = arith.addf %get3A_121, %get3A_124 : vector<16xf32>
      %swap3A_126 = arith.index_cast %scan3A_88 : i32 to index
      %swap3A_127 = arith.constant 48 : index
      %swap3A_128 = tpu.vector_load %arg11[%swap3A_126, %swap3A_127] {strides = array<i32>} : memref<128x64xf32, #tpu.memory_space<vmem>>, vector<16xf32>,
      tpu.vector_store %arg11[%swap3A_126, %swap3A_127], %add3A_125 {strides = array<i32>} : memref<128x64xf32, #tpu.memory_space<vmem>>, vector<16xf32>,
      %scan3A_129 = arith.constant 2 : i32
      %scan3A_130 = arith.addi %scan3A_48, %scan3A_129 : i32
      %get3A_131 = arith.index_cast %scan3A_130 : i32 to index
      %get3A_132 = arith.constant 0 : index
      %get3A_133 = tpu.vector_load %arg11[%get3A_131, %get3A_132] {strides = array<i32>} : memref<128x64xf32, #tpu.memory_space<vmem>>, vector<16xf32>,
      %get3A_134 = arith.index_cast %scan3A_130 : i32 to index
      %get3A_135 = arith.constant 0 : index
      %get3A_136 = tpu.vector_load %arg12[%get3A_134, %get3A_135] {strides = array<i32>} : memref<128x64xf32, #tpu.memory_space<vmem>>, vector<16xf32>,
      %add3A_137 = arith.addf %get3A_133, %get3A_136 : vector<16xf32>
      %swap3A_138 = arith.index_cast %scan3A_130 : i32 to index
      %swap3A_139 = arith.constant 0 : index
      %swap3A_140 = tpu.vector_load %arg11[%swap3A_138, %swap3A_139] {strides = array<i32>} : memref<128x64xf32, #tpu.memory_space<vmem>>, vector<16xf32>,
      tpu.vector_store %arg11[%swap3A_138, %swap3A_139], %add3A_137 {strides = array<i32>} : memref<128x64xf32, #tpu.memory_space<vmem>>, vector<16xf32>,
      %get3A_141 = arith.index_cast %scan3A_130 : i32 to index
      %get3A_142 = arith.constant 16 : index
      %get3A_143 = tpu.vector_load %arg11[%get3A_141, %get3A_142] {strides = array<i32>} : memref<128x64xf32, #tpu.memory_space<vmem>>, vector<16xf32>,
      %get3A_144 = arith.index_cast %scan3A_130 : i32 to index
      %get3A_145 = arith.constant 16 : index
      %get3A_146 = tpu.vector_load %arg12[%get3A_144, %get3A_145] {strides = array<i32>} : memref<128x64xf32, #tpu.memory_space<vmem>>, vector<16xf32>,
      %add3A_147 = arith.addf %get3A_143, %get3A_146 : vector<16xf32>
      %swap3A_148 = arith.index_cast %scan3A_130 : i32 to index
      %swap3A_149 = arith.constant 16 : index
      %swap3A_150 = tpu.vector_load %arg11[%swap3A_148, %swap3A_149] {strides = array<i32>} : memref<128x64xf32, #tpu.memory_space<vmem>>, vector<16xf32>,
      tpu.vector_store %arg11[%swap3A_148, %swap3A_149], %add3A_147 {strides = array<i32>} : memref<128x64xf32, #tpu.memory_space<vmem>>, vector<16xf32>,
      %get3A_151 = arith.index_cast %scan3A_130 : i32 to index
      %get3A_152 = arith.constant 32 : index
      %get3A_153 = tpu.vector_load %arg11[%get3A_151, %get3A_152] {strides = array<i32>} : memref<128x64xf32, #tpu.memory_space<vmem>>, vector<16xf32>,
      %get3A_154 = arith.index_cast %scan3A_130 : i32 to index
      %get3A_155 = arith.constant 32 : index
      %get3A_156 = tpu.vector_load %arg12[%get3A_154, %get3A_155] {strides = array<i32>} : memref<128x64xf32, #tpu.memory_space<vmem>>, vector<16xf32>,
      %add3A_157 = arith.addf %get3A_153, %get3A_156 : vector<16xf32>
      %swap3A_158 = arith.index_cast %scan3A_130 : i32 to index
      %swap3A_159 = arith.constant 32 : index
      %swap3A_160 = tpu.vector_load %arg11[%swap3A_158, %swap3A_159] {strides = array<i32>} : memref<128x64xf32, #tpu.memory_space<vmem>>, vector<16xf32>,
      tpu.vector_store %arg11[%swap3A_158, %swap3A_159], %add3A_157 {strides = array<i32>} : memref<128x64xf32, #tpu.memory_space<vmem>>, vector<16xf32>,
      %get3A_161 = arith.index_cast %scan3A_130 : i32 to index
      %get3A_162 = arith.constant 48 : index
      %get3A_163 = tpu.vector_load %arg11[%get3A_161, %get3A_162] {strides = array<i32>} : memref<128x64xf32, #tpu.memory_space<vmem>>, vector<16xf32>,
      %get3A_164 = arith.index_cast %scan3A_130 : i32 to index
      %get3A_165 = arith.constant 48 : index
      %get3A_166 = tpu.vector_load %arg12[%get3A_164, %get3A_165] {strides = array<i32>} : memref<128x64xf32, #tpu.memory_space<vmem>>, vector<16xf32>,
      %add3A_167 = arith.addf %get3A_163, %get3A_166 : vector<16xf32>
      %swap3A_168 = arith.index_cast %scan3A_130 : i32 to index
      %swap3A_169 = arith.constant 48 : index
      %swap3A_170 = tpu.vector_load %arg11[%swap3A_168, %swap3A_169] {strides = array<i32>} : memref<128x64xf32, #tpu.memory_space<vmem>>, vector<16xf32>,
      tpu.vector_store %arg11[%swap3A_168, %swap3A_169], %add3A_167 {strides = array<i32>} : memref<128x64xf32, #tpu.memory_space<vmem>>, vector<16xf32>,
      %scan3A_171 = arith.constant 3 : i32
      %scan3A_172 = arith.addi %scan3A_48, %scan3A_171 : i32
      %get3A_173 = arith.index_cast %scan3A_172 : i32 to index
      %get3A_174 = arith.constant 0 : index
      %get3A_175 = tpu.vector_load %arg11[%get3A_173, %get3A_174] {strides = array<i32>} : memref<128x64xf32, #tpu.memory_space<vmem>>, vector<16xf32>,
      %get3A_176 = arith.index_cast %scan3A_172 : i32 to index
      %get3A_177 = arith.constant 0 : index
      %get3A_178 = tpu.vector_load %arg12[%get3A_176, %get3A_177] {strides = array<i32>} : memref<128x64xf32, #tpu.memory_space<vmem>>, vector<16xf32>,
      %add3A_179 = arith.addf %get3A_175, %get3A_178 : vector<16xf32>
      %swap3A_180 = arith.index_cast %scan3A_172 : i32 to index
      %swap3A_181 = arith.constant 0 : index
      %swap3A_182 = tpu.vector_load %arg11[%swap3A_180, %swap3A_181] {strides = array<i32>} : memref<128x64xf32, #tpu.memory_space<vmem>>, vector<16xf32>,
      tpu.vector_store %arg11[%swap3A_180, %swap3A_181], %add3A_179 {strides = array<i32>} : memref<128x64xf32, #tpu.memory_space<vmem>>, vector<16xf32>,
      %get3A_183 = arith.index_cast %scan3A_172 : i32 to index
      %get3A_184 = arith.constant 16 : index
      %get3A_185 = tpu.vector_load %arg11[%get3A_183, %get3A_184] {strides = array<i32>} : memref<128x64xf32, #tpu.memory_space<vmem>>, vector<16xf32>,
      %get3A_186 = arith.index_cast %scan3A_172 : i32 to index
      %get3A_187 = arith.constant 16 : index
      %get3A_188 = tpu.vector_load %arg12[%get3A_186, %get3A_187] {strides = array<i32>} : memref<128x64xf32, #tpu.memory_space<vmem>>, vector<16xf32>,
      %add3A_189 = arith.addf %get3A_185, %get3A_188 : vector<16xf32>
      %swap3A_190 = arith.index_cast %scan3A_172 : i32 to index
      %swap3A_191 = arith.constant 16 : index
      %swap3A_192 = tpu.vector_load %arg11[%swap3A_190, %swap3A_191] {strides = array<i32>} : memref<128x64xf32, #tpu.memory_space<vmem>>, vector<16xf32>,
      tpu.vector_store %arg11[%swap3A_190, %swap3A_191], %add3A_189 {strides = array<i32>} : memref<128x64xf32, #tpu.memory_space<vmem>>, vector<16xf32>,
      %get3A_193 = arith.index_cast %scan3A_172 : i32 to index
      %get3A_194 = arith.constant 32 : index
      %get3A_195 = tpu.vector_load %arg11[%get3A_193, %get3A_194] {strides = array<i32>} : memref<128x64xf32, #tpu.memory_space<vmem>>, vector<16xf32>,
      %get3A_196 = arith.index_cast %scan3A_172 : i32 to index
      %get3A_197 = arith.constant 32 : index
      %get3A_198 = tpu.vector_load %arg12[%get3A_196, %get3A_197] {strides = array<i32>} : memref<128x64xf32, #tpu.memory_space<vmem>>, vector<16xf32>,
      %add3A_199 = arith.addf %get3A_195, %get3A_198 : vector<16xf32>
      %swap3A_200 = arith.index_cast %scan3A_172 : i32 to index
      %swap3A_201 = arith.constant 32 : index
      %swap3A_202 = tpu.vector_load %arg11[%swap3A_200, %swap3A_201] {strides = array<i32>} : memref<128x64xf32, #tpu.memory_space<vmem>>, vector<16xf32>,
      tpu.vector_store %arg11[%swap3A_200, %swap3A_201], %add3A_199 {strides = array<i32>} : memref<128x64xf32, #tpu.memory_space<vmem>>, vector<16xf32>,
      %get3A_203 = arith.index_cast %scan3A_172 : i32 to index
      %get3A_204 = arith.constant 48 : index
      %get3A_205 = tpu.vector_load %arg11[%get3A_203, %get3A_204] {strides = array<i32>} : memref<128x64xf32, #tpu.memory_space<vmem>>, vector<16xf32>,
      %get3A_206 = arith.index_cast %scan3A_172 : i32 to index
      %get3A_207 = arith.constant 48 : index
      %get3A_208 = tpu.vector_load %arg12[%get3A_206, %get3A_207] {strides = array<i32>} : memref<128x64xf32, #tpu.memory_space<vmem>>, vector<16xf32>,
      %add3A_209 = arith.addf %get3A_205, %get3A_208 : vector<16xf32>
      %swap3A_210 = arith.index_cast %scan3A_172 : i32 to index
      %swap3A_211 = arith.constant 48 : index
      %swap3A_212 = tpu.vector_load %arg11[%swap3A_210, %swap3A_211] {strides = array<i32>} : memref<128x64xf32, #tpu.memory_space<vmem>>, vector<16xf32>,
      tpu.vector_store %arg11[%swap3A_210, %swap3A_211], %add3A_209 {strides = array<i32>} : memref<128x64xf32, #tpu.memory_space<vmem>>, vector<16xf32>,
    }
    %scan3A_19 = arith.constant 128 : i32
    %eq3A = arith.constant 7 : i32
    %eq3A_20 = vector.broadcast %eq3A : i32 to vector<16xi32>
    %eq3A_21 = arith.cmpi eq, %iota3A, %eq3A_20 : vector<16xi32>
    %eq3A_22 = arith.constant 15 : i32
    %eq3A_23 = vector.broadcast %eq3A_22 : i32 to vector<16xi32>
    %eq3A_24 = arith.cmpi eq, %iota3A, %eq3A_23 : vector<16xi32>
    %or3A = arith.ori %eq3A_21, %eq3A_24 : vector<16xi1>
    %lt3A = arith.constant 8 : i32
    %lt3A_25 = vector.broadcast %lt3A : i32 to vector<16xi32>
    %lt3A_26 = arith.cmpi slt, %iota3A, %lt3A_25 : vector<16xi32>
    %convert_element_type3A = arith.extui %eq3A_24 : vector<16xi1> to vector<16xi32>
    %dma_start3A_27 = arith.constant 0 : i32
    %dma_start3A_28 = tpu.memref_slice %arg8[%dma_start3A_27] : memref<16384xi32, #tpu.memory_space<vmem>> -> memref<128xi32, #tpu.memory_space<vmem>>
    %dma_start3A_29 = arith.constant 0 : i32
    %dma_start3A_30 = arith.constant 0 : i32
    %dma_start3A_31 = tpu.memref_slice %arg5[%dma_start3A_29, %dma_start3A_30] : memref<2000000x64xf32, #tpu.memory_space<hbm>> -> memref<2000000x64xf32, #tpu.memory_space<hbm>>
    tpu.enqueue_indirect_dma source(%dma_start3A_31 : memref<2000000x64xf32, #tpu.memory_space<hbm>>) target(%arg13 : memref<128x64xf32, #tpu.memory_space<vmem>>) offsets(%dma_start3A_28 : memref<128xi32, #tpu.memory_space<vmem>>) semaphore(%arg18 : memref<!tpu.dma_semaphore, #tpu.memory_space<semaphore_mem>>)
    %dma_start3A_32 = arith.constant 128 : i32
    %dma_start3A_33 = tpu.memref_slice %arg8[%dma_start3A_32] : memref<16384xi32, #tpu.memory_space<vmem>> -> memref<128xi32, #tpu.memory_space<vmem>>
    %dma_start3A_34 = arith.constant 0 : i32
    %dma_start3A_35 = arith.constant 0 : i32
    %dma_start3A_36 = tpu.memref_slice %arg5[%dma_start3A_34, %dma_start3A_35] : memref<2000000x64xf32, #tpu.memory_space<hbm>> -> memref<2000000x64xf32, #tpu.memory_space<hbm>>
    tpu.enqueue_indirect_dma source(%dma_start3A_36 : memref<2000000x64xf32, #tpu.memory_space<hbm>>) target(%arg14 : memref<128x64xf32, #tpu.memory_space<vmem>>) offsets(%dma_start3A_33 : memref<128xi32, #tpu.memory_space<vmem>>) semaphore(%arg19 : memref<!tpu.dma_semaphore, #tpu.memory_space<semaphore_mem>>)
    %dma_start3A_37 = arith.constant 256 : i32
    %dma_start3A_38 = tpu.memref_slice %arg8[%dma_start3A_37] : memref<16384xi32, #tpu.memory_space<vmem>> -> memref<128xi32, #tpu.memory_space<vmem>>
    %dma_start3A_39 = arith.constant 0 : i32
    %dma_start3A_40 = arith.constant 0 : i32
    %dma_start3A_41 = tpu.memref_slice %arg5[%dma_start3A_39, %dma_start3A_40] : memref<2000000x64xf32, #tpu.memory_space<hbm>> -> memref<2000000x64xf32, #tpu.memory_space<hbm>>
    tpu.enqueue_indirect_dma source(%dma_start3A_41 : memref<2000000x64xf32, #tpu.memory_space<hbm>>) target(%arg15 : memref<128x64xf32, #tpu.memory_space<vmem>>) offsets(%dma_start3A_38 : memref<128xi32, #tpu.memory_space<vmem>>) semaphore(%arg20 : memref<!tpu.dma_semaphore, #tpu.memory_space<semaphore_mem>>)
    %scan3A_42 = arith.constant 0 : i32
    %scan3A_43 = arith.constant 0 : i32
    %scan3A_44 = arith.constant 32 : i32
    %scan3A_45 = arith.addi %scan3A_43, %scan3A_44 : i32
    %scan3A_46 = arith.constant 1 : i32
    scf.for %scan3A_48 = %scan3A_43 to %scan3A_45 step %scan3A_46  : i32 {
      %mul3A_49 = arith.constant 4 : i32
      %mul3A_50 = arith.muli %mul3A_49, %scan3A_48 : i32
      %add3A_51 = arith.constant 0 : i32
      %add3A_52 = arith.addi %mul3A_50, %add3A_51 : i32
      %add3A_53 = arith.constant 3 : i32
      %add3A_54 = arith.addi %add3A_52, %add3A_53 : i32
      %lt3A_55 = arith.constant 128 : i32
      %lt3A_56 = arith.cmpi slt, %add3A_54, %lt3A_55 : i32
      %convert_element_type3A_57 = arith.extui %lt3A_56 : i1 to i32
      %cond3A = arith.constant 0 : i32
      %cond3A_58 = arith.cmpi ne, %convert_element_type3A_57, %cond3A : i32
      scf.if %cond3A_58 {
        %add3A_190 = arith.constant 3 : i32
        %add3A_191 = arith.addi %add3A_52, %add3A_190 : i32
        %mul3A_192 = arith.constant 128 : i32
        %mul3A_193 = arith.muli %add3A_191, %mul3A_192 : i32
        %dma_start3A_194 = tpu.memref_slice %arg8[%mul3A_193] : memref<16384xi32, #tpu.memory_space<vmem>> -> memref<128xi32, #tpu.memory_space<vmem>>
        %dma_start3A_195 = arith.constant 0 : i32
        %dma_start3A_196 = arith.constant 0 : i32
        %dma_start3A_197 = tpu.memref_slice %arg5[%dma_start3A_195, %dma_start3A_196] : memref<2000000x64xf32, #tpu.memory_space<hbm>> -> memref<2000000x64xf32, #tpu.memory_space<hbm>>
        tpu.enqueue_indirect_dma source(%dma_start3A_197 : memref<2000000x64xf32, #tpu.memory_space<hbm>>) target(%arg16 : memref<128x64xf32, #tpu.memory_space<vmem>>) offsets(%dma_start3A_194 : memref<128xi32, #tpu.memory_space<vmem>>) semaphore(%arg21 : memref<!tpu.dma_semaphore, #tpu.memory_space<semaphore_mem>>)
      } else {
      }
      %mul3A_59 = arith.constant 128 : i32
      %mul3A_60 = arith.muli %add3A_52, %mul3A_59 : i32
      %dma_wait3A_61 = tpu.memref_slice %arg8[%mul3A_60] : memref<16384xi32, #tpu.memory_space<vmem>> -> memref<128xi32, #tpu.memory_space<vmem>>
      %dma_wait3A_62 = arith.constant 0 : i32
      %dma_wait3A_63 = arith.constant 0 : i32
      %dma_wait3A_64 = tpu.memref_slice %arg5[%dma_wait3A_62, %dma_wait3A_63] : memref<2000000x64xf32, #tpu.memory_space<hbm>> -> memref<2000000x64xf32, #tpu.memory_space<hbm>>
      tpu.wait_indirect_dma semaphore(%arg18 : memref<!tpu.dma_semaphore, #tpu.memory_space<semaphore_mem>>) src(%dma_wait3A_64 : memref<2000000x64xf32, #tpu.memory_space<hbm>>) dst(%arg13 : memref<128x64xf32, #tpu.memory_space<vmem>>)
      %get3A = arith.index_cast %add3A_52 : i32 to index
      %get3A_65 = arith.constant 0 : index
      %get3A_66 = tpu.vector_load %arg11[%get3A, %get3A_65] {strides = array<i32>} : memref<128x64xf32, #tpu.memory_space<vmem>>, vector<16xf32>,
      %get3A_67 = arith.index_cast %add3A_52 : i32 to index
      %get3A_68 = arith.constant 16 : index
      %get3A_69 = tpu.vector_load %arg11[%get3A_67, %get3A_68] {strides = array<i32>} : memref<128x64xf32, #tpu.memory_space<vmem>>, vector<16xf32>,
      %get3A_70 = arith.index_cast %add3A_52 : i32 to index
      %get3A_71 = arith.constant 32 : index
      %get3A_72 = tpu.vector_load %arg11[%get3A_70, %get3A_71] {strides = array<i32>} : memref<128x64xf32, #tpu.memory_space<vmem>>, vector<16xf32>,
      %get3A_73 = arith.index_cast %add3A_52 : i32 to index
      %get3A_74 = arith.constant 48 : index
      %get3A_75 = tpu.vector_load %arg11[%get3A_73, %get3A_74] {strides = array<i32>} : memref<128x64xf32, #tpu.memory_space<vmem>>, vector<16xf32>,
      %broadcast_in_dim3A = vector.broadcast %add3A_52 : i32 to vector<16xi32>
      %scan3A_76 = arith.constant 0 : i32
      %scan3A_77 = arith.constant 0 : i32
      %scan3A_78 = arith.constant 64 : i32
      %scan3A_79 = arith.addi %scan3A_77, %scan3A_78 : i32
      %scan3A_80 = arith.constant 4 : i32
      scf.for %scan3A_190 = %scan3A_77 to %scan3A_79 step %scan3A_80  : i32 {
        %mul3A_191 = arith.constant 2 : i32
        %mul3A_192 = arith.muli %mul3A_191, %scan3A_190 : i32
        %get3A_193 = arith.index_cast %mul3A_192 : i32 to index
        %get3A_194 = arith.constant 0 : index
        %get3A_195 = tpu.vector_load %arg13[%get3A_193, %get3A_194] {strides = array<i32>} : memref<128x64xf32, #tpu.memory_space<vmem>>, vector<16xf32>,
        %get3A_196 = arith.index_cast %mul3A_192 : i32 to index
        %get3A_197 = arith.constant 16 : index
        %get3A_198 = tpu.vector_load %arg13[%get3A_196, %get3A_197] {strides = array<i32>} : memref<128x64xf32, #tpu.memory_space<vmem>>, vector<16xf32>,
        %get3A_199 = arith.index_cast %mul3A_192 : i32 to index
        %get3A_200 = arith.constant 32 : index
        %get3A_201 = tpu.vector_load %arg13[%get3A_199, %get3A_200] {strides = array<i32>} : memref<128x64xf32, #tpu.memory_space<vmem>>, vector<16xf32>,
        %get3A_202 = arith.index_cast %mul3A_192 : i32 to index
        %get3A_203 = arith.constant 48 : index
        %get3A_204 = tpu.vector_load %arg13[%get3A_202, %get3A_203] {strides = array<i32>} : memref<128x64xf32, #tpu.memory_space<vmem>>, vector<16xf32>,
        %sub3A = arith.subf %get3A_66, %get3A_195 : vector<16xf32>
        %abs3A = math.absf %sub3A : vector<16xf32>
        %sub3A_205 = arith.subf %get3A_69, %get3A_198 : vector<16xf32>
        %abs3A_206 = math.absf %sub3A_205 : vector<16xf32>
        %add3A_207 = arith.addf %abs3A, %abs3A_206 : vector<16xf32>
        %sub3A_208 = arith.subf %get3A_72, %get3A_201 : vector<16xf32>
        %abs3A_209 = math.absf %sub3A_208 : vector<16xf32>
        %add3A_210 = arith.addf %add3A_207, %abs3A_209 : vector<16xf32>
        %sub3A_211 = arith.subf %get3A_75, %get3A_204 : vector<16xf32>
        %abs3A_212 = math.absf %sub3A_211 : vector<16xf32>
        %add3A_213 = arith.addf %add3A_210, %abs3A_212 : vector<16xf32>
        %add3A_214 = arith.constant 1 : i32
        %add3A_215 = arith.addi %mul3A_192, %add3A_214 : i32
        %get3A_216 = arith.index_cast %add3A_215 : i32 to index
        %get3A_217 = arith.constant 0 : index
        %get3A_218 = tpu.vector_load %arg13[%get3A_216, %get3A_217] {strides = array<i32>} : memref<128x64xf32, #tpu.memory_space<vmem>>, vector<16xf32>,
        %get3A_219 = arith.index_cast %add3A_215 : i32 to index
        %get3A_220 = arith.constant 16 : index
        %get3A_221 = tpu.vector_load %arg13[%get3A_219, %get3A_220] {strides = array<i32>} : memref<128x64xf32, #tpu.memory_space<vmem>>, vector<16xf32>,
        %get3A_222 = arith.index_cast %add3A_215 : i32 to index
        %get3A_223 = arith.constant 32 : index
        %get3A_224 = tpu.vector_load %arg13[%get3A_222, %get3A_223] {strides = array<i32>} : memref<128x64xf32, #tpu.memory_space<vmem>>, vector<16xf32>,
        %get3A_225 = arith.index_cast %add3A_215 : i32 to index
        %get3A_226 = arith.constant 48 : index
        %get3A_227 = tpu.vector_load %arg13[%get3A_225, %get3A_226] {strides = array<i32>} : memref<128x64xf32, #tpu.memory_space<vmem>>, vector<16xf32>,
        %sub3A_228 = arith.subf %get3A_66, %get3A_218 : vector<16xf32>
        %abs3A_229 = math.absf %sub3A_228 : vector<16xf32>
        %sub3A_230 = arith.subf %get3A_69, %get3A_221 : vector<16xf32>
        %abs3A_231 = math.absf %sub3A_230 : vector<16xf32>
        %add3A_232 = arith.addf %abs3A_229, %abs3A_231 : vector<16xf32>
        %sub3A_233 = arith.subf %get3A_72, %get3A_224 : vector<16xf32>
        %abs3A_234 = math.absf %sub3A_233 : vector<16xf32>
        %add3A_235 = arith.addf %add3A_232, %abs3A_234 : vector<16xf32>
        %sub3A_236 = arith.subf %get3A_75, %get3A_227 : vector<16xf32>
        %abs3A_237 = math.absf %sub3A_236 : vector<16xf32>
        %add3A_238 = arith.addf %add3A_235, %abs3A_237 : vector<16xf32>
        %rev3A = arith.constant 15 : i32
        %rev3A_239 = vector.broadcast %rev3A : i32 to vector<16xi32>
        %rev3A_240 = tpu.iota {dimensions = array<i32: 0>} : vector<16xi32>
        %rev3A_241 = arith.subi %rev3A_239, %rev3A_240 : vector<16xi32>
        %rev3A_242 = tpu.dynamic_gather %add3A_213[%rev3A_241] in [0] : vector<16xf32>, vector<16xi32> -> vector<16xf32>
        %add3A_243 = arith.addf %add3A_213, %rev3A_242 : vector<16xf32>
        %rev3A_244 = arith.constant 15 : i32
        %rev3A_245 = vector.broadcast %rev3A_244 : i32 to vector<16xi32>
        %rev3A_246 = tpu.iota {dimensions = array<i32: 0>} : vector<16xi32>
        %rev3A_247 = arith.subi %rev3A_245, %rev3A_246 : vector<16xi32>
        %rev3A_248 = tpu.dynamic_gather %add3A_238[%rev3A_247] in [0] : vector<16xf32>, vector<16xi32> -> vector<16xf32>
        %add3A_249 = arith.addf %add3A_238, %rev3A_248 : vector<16xf32>
        %sub3A_250 = arith.constant 1.500000e+00 : f32
        %sub3A_251 = vector.broadcast %sub3A_250 : f32 to vector<16xf32>
        %sub3A_252 = arith.subf %sub3A_251, %add3A_243 : vector<16xf32>
        %sub3A_253 = arith.constant 1.500000e+00 : f32
        %sub3A_254 = vector.broadcast %sub3A_253 : f32 to vector<16xf32>
        %sub3A_255 = arith.subf %sub3A_254, %add3A_249 : vector<16xf32>
        %select_n3A = arith.select %lt3A_26, %sub3A_252, %sub3A_255 : vector<16xi1>, vector<16xf32>
        %broadcast_in_dim3A_256 = arith.constant true
        %broadcast_in_dim3A_257 = vector.broadcast %broadcast_in_dim3A_256 : i1 to vector<16xi1>
        %masked_cumsum3A = tpu.scan <sum>, %select_n3A masked %broadcast_in_dim3A_257 : vector<16xf32>, vector<16xi1> -> vector<16xf32>
        %broadcast_in_dim3A_258 = vector.broadcast %mul3A_192 : i32 to vector<16xi32>
        %add3A_259 = arith.addi %broadcast_in_dim3A_258, %convert_element_type3A : vector<16xi32>
        tpu.vector_store_idx %arg17[%broadcast_in_dim3A, %add3A_259], %masked_cumsum3A masked %or3A : memref<128x128xf32, #tpu.memory_space<vmem>>[vector<16xi32>, vector<16xi32>], vector<16xf32>, vector<16xi1>
        %add3A_260 = arith.constant 1 : i32
        %add3A_261 = arith.addi %mul3A_192, %add3A_260 : i32
        %broadcast_in_dim3A_262 = vector.broadcast %add3A_261 : i32 to vector<16xi32>
        %neg3A = arith.constant 0.000000e+00 : f32
        %neg3A_263 = vector.broadcast %neg3A : f32 to vector<16xf32>
        %neg3A_264 = arith.subf %neg3A_263, %masked_cumsum3A : vector<16xf32>
        tpu.vector_store_idx %arg17[%broadcast_in_dim3A, %broadcast_in_dim3A_262], %neg3A_264 masked %eq3A_21 {add = true} : memref<128x128xf32, #tpu.memory_space<vmem>>[vector<16xi32>, vector<16xi32>], vector<16xf32>, vector<16xi1>
        %scan3A_265 = arith.constant 1 : i32
        %scan3A_266 = arith.addi %scan3A_190, %scan3A_265 : i32
        %mul3A_267 = arith.constant 2 : i32
        %mul3A_268 = arith.muli %mul3A_267, %scan3A_266 : i32
        %get3A_269 = arith.index_cast %mul3A_268 : i32 to index
        %get3A_270 = arith.constant 0 : index
        %get3A_271 = tpu.vector_load %arg13[%get3A_269, %get3A_270] {strides = array<i32>} : memref<128x64xf32, #tpu.memory_space<vmem>>, vector<16xf32>,
        %get3A_272 = arith.index_cast %mul3A_268 : i32 to index
        %get3A_273 = arith.constant 16 : index
        %get3A_274 = tpu.vector_load %arg13[%get3A_272, %get3A_273] {strides = array<i32>} : memref<128x64xf32, #tpu.memory_space<vmem>>, vector<16xf32>,
        %get3A_275 = arith.index_cast %mul3A_268 : i32 to index
        %get3A_276 = arith.constant 32 : index
        %get3A_277 = tpu.vector_load %arg13[%get3A_275, %get3A_276] {strides = array<i32>} : memref<128x64xf32, #tpu.memory_space<vmem>>, vector<16xf32>,
        %get3A_278 = arith.index_cast %mul3A_268 : i32 to index
        %get3A_279 = arith.constant 48 : index
        %get3A_280 = tpu.vector_load %arg13[%get3A_278, %get3A_279] {strides = array<i32>} : memref<128x64xf32, #tpu.memory_space<vmem>>, vector<16xf32>,
        %sub3A_281 = arith.subf %get3A_66, %get3A_271 : vector<16xf32>
        %abs3A_282 = math.absf %sub3A_281 : vector<16xf32>
        %sub3A_283 = arith.subf %get3A_69, %get3A_274 : vector<16xf32>
        %abs3A_284 = math.absf %sub3A_283 : vector<16xf32>
        %add3A_285 = arith.addf %abs3A_282, %abs3A_284 : vector<16xf32>
        %sub3A_286 = arith.subf %get3A_72, %get3A_277 : vector<16xf32>
        %abs3A_287 = math.absf %sub3A_286 : vector<16xf32>
        %add3A_288 = arith.addf %add3A_285, %abs3A_287 : vector<16xf32>
        %sub3A_289 = arith.subf %get3A_75, %get3A_280 : vector<16xf32>
        %abs3A_290 = math.absf %sub3A_289 : vector<16xf32>
        %add3A_291 = arith.addf %add3A_288, %abs3A_290 : vector<16xf32>
        %add3A_292 = arith.constant 1 : i32
        %add3A_293 = arith.addi %mul3A_268, %add3A_292 : i32
        %get3A_294 = arith.index_cast %add3A_293 : i32 to index
        %get3A_295 = arith.constant 0 : index
        %get3A_296 = tpu.vector_load %arg13[%get3A_294, %get3A_295] {strides = array<i32>} : memref<128x64xf32, #tpu.memory_space<vmem>>, vector<16xf32>,
        %get3A_297 = arith.index_cast %add3A_293 : i32 to index
        %get3A_298 = arith.constant 16 : index
        %get3A_299 = tpu.vector_load %arg13[%get3A_297, %get3A_298] {strides = array<i32>} : memref<128x64xf32, #tpu.memory_space<vmem>>, vector<16xf32>,
        %get3A_300 = arith.index_cast %add3A_293 : i32 to index
        %get3A_301 = arith.constant 32 : index
        %get3A_302 = tpu.vector_load %arg13[%get3A_300, %get3A_301] {strides = array<i32>} : memref<128x64xf32, #tpu.memory_space<vmem>>, vector<16xf32>,
        %get3A_303 = arith.index_cast %add3A_293 : i32 to index
        %get3A_304 = arith.constant 48 : index
        %get3A_305 = tpu.vector_load %arg13[%get3A_303, %get3A_304] {strides = array<i32>} : memref<128x64xf32, #tpu.memory_space<vmem>>, vector<16xf32>,
        %sub3A_306 = arith.subf %get3A_66, %get3A_296 : vector<16xf32>
        %abs3A_307 = math.absf %sub3A_306 : vector<16xf32>
        %sub3A_308 = arith.subf %get3A_69, %get3A_299 : vector<16xf32>
        %abs3A_309 = math.absf %sub3A_308 : vector<16xf32>
        %add3A_310 = arith.addf %abs3A_307, %abs3A_309 : vector<16xf32>
        %sub3A_311 = arith.subf %get3A_72, %get3A_302 : vector<16xf32>
        %abs3A_312 = math.absf %sub3A_311 : vector<16xf32>
        %add3A_313 = arith.addf %add3A_310, %abs3A_312 : vector<16xf32>
        %sub3A_314 = arith.subf %get3A_75, %get3A_305 : vector<16xf32>
        %abs3A_315 = math.absf %sub3A_314 : vector<16xf32>
        %add3A_316 = arith.addf %add3A_313, %abs3A_315 : vector<16xf32>
        %rev3A_317 = arith.constant 15 : i32
        %rev3A_318 = vector.broadcast %rev3A_317 : i32 to vector<16xi32>
        %rev3A_319 = tpu.iota {dimensions = array<i32: 0>} : vector<16xi32>
        %rev3A_320 = arith.subi %rev3A_318, %rev3A_319 : vector<16xi32>
        %rev3A_321 = tpu.dynamic_gather %add3A_291[%rev3A_320] in [0] : vector<16xf32>, vector<16xi32> -> vector<16xf32>
        %add3A_322 = arith.addf %add3A_291, %rev3A_321 : vector<16xf32>
        %rev3A_323 = arith.constant 15 : i32
        %rev3A_324 = vector.broadcast %rev3A_323 : i32 to vector<16xi32>
        %rev3A_325 = tpu.iota {dimensions = array<i32: 0>} : vector<16xi32>
        %rev3A_326 = arith.subi %rev3A_324, %rev3A_325 : vector<16xi32>
        %rev3A_327 = tpu.dynamic_gather %add3A_316[%rev3A_326] in [0] : vector<16xf32>, vector<16xi32> -> vector<16xf32>
        %add3A_328 = arith.addf %add3A_316, %rev3A_327 : vector<16xf32>
        %sub3A_329 = arith.constant 1.500000e+00 : f32
        %sub3A_330 = vector.broadcast %sub3A_329 : f32 to vector<16xf32>
        %sub3A_331 = arith.subf %sub3A_330, %add3A_322 : vector<16xf32>
        %sub3A_332 = arith.constant 1.500000e+00 : f32
        %sub3A_333 = vector.broadcast %sub3A_332 : f32 to vector<16xf32>
        %sub3A_334 = arith.subf %sub3A_333, %add3A_328 : vector<16xf32>
        %select_n3A_335 = arith.select %lt3A_26, %sub3A_331, %sub3A_334 : vector<16xi1>, vector<16xf32>
        %broadcast_in_dim3A_336 = arith.constant true
        %broadcast_in_dim3A_337 = vector.broadcast %broadcast_in_dim3A_336 : i1 to vector<16xi1>
        %masked_cumsum3A_338 = tpu.scan <sum>, %select_n3A_335 masked %broadcast_in_dim3A_337 : vector<16xf32>, vector<16xi1> -> vector<16xf32>
        %broadcast_in_dim3A_339 = vector.broadcast %mul3A_268 : i32 to vector<16xi32>
        %add3A_340 = arith.addi %broadcast_in_dim3A_339, %convert_element_type3A : vector<16xi32>
        tpu.vector_store_idx %arg17[%broadcast_in_dim3A, %add3A_340], %masked_cumsum3A_338 masked %or3A : memref<128x128xf32, #tpu.memory_space<vmem>>[vector<16xi32>, vector<16xi32>], vector<16xf32>, vector<16xi1>
        %add3A_341 = arith.constant 1 : i32
        %add3A_342 = arith.addi %mul3A_268, %add3A_341 : i32
        %broadcast_in_dim3A_343 = vector.broadcast %add3A_342 : i32 to vector<16xi32>
        %neg3A_344 = arith.constant 0.000000e+00 : f32
        %neg3A_345 = vector.broadcast %neg3A_344 : f32 to vector<16xf32>
        %neg3A_346 = arith.subf %neg3A_345, %masked_cumsum3A_338 : vector<16xf32>
        tpu.vector_store_idx %arg17[%broadcast_in_dim3A, %broadcast_in_dim3A_343], %neg3A_346 masked %eq3A_21 {add = true} : memref<128x128xf32, #tpu.memory_space<vmem>>[vector<16xi32>, vector<16xi32>], vector<16xf32>, vector<16xi1>
        %scan3A_347 = arith.constant 2 : i32
        %scan3A_348 = arith.addi %scan3A_190, %scan3A_347 : i32
        %mul3A_349 = arith.constant 2 : i32
        %mul3A_350 = arith.muli %mul3A_349, %scan3A_348 : i32
        %get3A_351 = arith.index_cast %mul3A_350 : i32 to index
        %get3A_352 = arith.constant 0 : index
        %get3A_353 = tpu.vector_load %arg13[%get3A_351, %get3A_352] {strides = array<i32>} : memref<128x64xf32, #tpu.memory_space<vmem>>, vector<16xf32>,
        %get3A_354 = arith.index_cast %mul3A_350 : i32 to index
        %get3A_355 = arith.constant 16 : index
        %get3A_356 = tpu.vector_load %arg13[%get3A_354, %get3A_355] {strides = array<i32>} : memref<128x64xf32, #tpu.memory_space<vmem>>, vector<16xf32>,
        %get3A_357 = arith.index_cast %mul3A_350 : i32 to index
        %get3A_358 = arith.constant 32 : index
        %get3A_359 = tpu.vector_load %arg13[%get3A_357, %get3A_358] {strides = array<i32>} : memref<128x64xf32, #tpu.memory_space<vmem>>, vector<16xf32>,
        %get3A_360 = arith.index_cast %mul3A_350 : i32 to index
        %get3A_361 = arith.constant 48 : index
        %get3A_362 = tpu.vector_load %arg13[%get3A_360, %get3A_361] {strides = array<i32>} : memref<128x64xf32, #tpu.memory_space<vmem>>, vector<16xf32>,
        %sub3A_363 = arith.subf %get3A_66, %get3A_353 : vector<16xf32>
        %abs3A_364 = math.absf %sub3A_363 : vector<16xf32>
        %sub3A_365 = arith.subf %get3A_69, %get3A_356 : vector<16xf32>
        %abs3A_366 = math.absf %sub3A_365 : vector<16xf32>
        %add3A_367 = arith.addf %abs3A_364, %abs3A_366 : vector<16xf32>
        %sub3A_368 = arith.subf %get3A_72, %get3A_359 : vector<16xf32>
        %abs3A_369 = math.absf %sub3A_368 : vector<16xf32>
        %add3A_370 = arith.addf %add3A_367, %abs3A_369 : vector<16xf32>
        %sub3A_371 = arith.subf %get3A_75, %get3A_362 : vector<16xf32>
        %abs3A_372 = math.absf %sub3A_371 : vector<16xf32>
        %add3A_373 = arith.addf %add3A_370, %abs3A_372 : vector<16xf32>
        %add3A_374 = arith.constant 1 : i32
        %add3A_375 = arith.addi %mul3A_350, %add3A_374 : i32
        %get3A_376 = arith.index_cast %add3A_375 : i32 to index
        %get3A_377 = arith.constant 0 : index
        %get3A_378 = tpu.vector_load %arg13[%get3A_376, %get3A_377] {strides = array<i32>} : memref<128x64xf32, #tpu.memory_space<vmem>>, vector<16xf32>,
        %get3A_379 = arith.index_cast %add3A_375 : i32 to index
        %get3A_380 = arith.constant 16 : index
        %get3A_381 = tpu.vector_load %arg13[%get3A_379, %get3A_380] {strides = array<i32>} : memref<128x64xf32, #tpu.memory_space<vmem>>, vector<16xf32>,
        %get3A_382 = arith.index_cast %add3A_375 : i32 to index
        %get3A_383 = arith.constant 32 : index
        %get3A_384 = tpu.vector_load %arg13[%get3A_382, %get3A_383] {strides = array<i32>} : memref<128x64xf32, #tpu.memory_space<vmem>>, vector<16xf32>,
        %get3A_385 = arith.index_cast %add3A_375 : i32 to index
        %get3A_386 = arith.constant 48 : index
        %get3A_387 = tpu.vector_load %arg13[%get3A_385, %get3A_386] {strides = array<i32>} : memref<128x64xf32, #tpu.memory_space<vmem>>, vector<16xf32>,
        %sub3A_388 = arith.subf %get3A_66, %get3A_378 : vector<16xf32>
        %abs3A_389 = math.absf %sub3A_388 : vector<16xf32>
        %sub3A_390 = arith.subf %get3A_69, %get3A_381 : vector<16xf32>
        %abs3A_391 = math.absf %sub3A_390 : vector<16xf32>
        %add3A_392 = arith.addf %abs3A_389, %abs3A_391 : vector<16xf32>
        %sub3A_393 = arith.subf %get3A_72, %get3A_384 : vector<16xf32>
        %abs3A_394 = math.absf %sub3A_393 : vector<16xf32>
        %add3A_395 = arith.addf %add3A_392, %abs3A_394 : vector<16xf32>
        %sub3A_396 = arith.subf %get3A_75, %get3A_387 : vector<16xf32>
        %abs3A_397 = math.absf %sub3A_396 : vector<16xf32>
        %add3A_398 = arith.addf %add3A_395, %abs3A_397 : vector<16xf32>
        %rev3A_399 = arith.constant 15 : i32
        %rev3A_400 = vector.broadcast %rev3A_399 : i32 to vector<16xi32>
        %rev3A_401 = tpu.iota {dimensions = array<i32: 0>} : vector<16xi32>
        %rev3A_402 = arith.subi %rev3A_400, %rev3A_401 : vector<16xi32>
        %rev3A_403 = tpu.dynamic_gather %add3A_373[%rev3A_402] in [0] : vector<16xf32>, vector<16xi32> -> vector<16xf32>
        %add3A_404 = arith.addf %add3A_373, %rev3A_403 : vector<16xf32>
        %rev3A_405 = arith.constant 15 : i32
        %rev3A_406 = vector.broadcast %rev3A_405 : i32 to vector<16xi32>
        %rev3A_407 = tpu.iota {dimensions = array<i32: 0>} : vector<16xi32>
        %rev3A_408 = arith.subi %rev3A_406, %rev3A_407 : vector<16xi32>
        %rev3A_409 = tpu.dynamic_gather %add3A_398[%rev3A_408] in [0] : vector<16xf32>, vector<16xi32> -> vector<16xf32>
        %add3A_410 = arith.addf %add3A_398, %rev3A_409 : vector<16xf32>
        %sub3A_411 = arith.constant 1.500000e+00 : f32
        %sub3A_412 = vector.broadcast %sub3A_411 : f32 to vector<16xf32>
        %sub3A_413 = arith.subf %sub3A_412, %add3A_404 : vector<16xf32>
        %sub3A_414 = arith.constant 1.500000e+00 : f32
        %sub3A_415 = vector.broadcast %sub3A_414 : f32 to vector<16xf32>
        %sub3A_416 = arith.subf %sub3A_415, %add3A_410 : vector<16xf32>
        %select_n3A_417 = arith.select %lt3A_26, %sub3A_413, %sub3A_416 : vector<16xi1>, vector<16xf32>
        %broadcast_in_dim3A_418 = arith.constant true
        %broadcast_in_dim3A_419 = vector.broadcast %broadcast_in_dim3A_418 : i1 to vector<16xi1>
        %masked_cumsum3A_420 = tpu.scan <sum>, %select_n3A_417 masked %broadcast_in_dim3A_419 : vector<16xf32>, vector<16xi1> -> vector<16xf32>
        %broadcast_in_dim3A_421 = vector.broadcast %mul3A_350 : i32 to vector<16xi32>
        %add3A_422 = arith.addi %broadcast_in_dim3A_421, %convert_element_type3A : vector<16xi32>
        tpu.vector_store_idx %arg17[%broadcast_in_dim3A, %add3A_422], %masked_cumsum3A_420 masked %or3A : memref<128x128xf32, #tpu.memory_space<vmem>>[vector<16xi32>, vector<16xi32>], vector<16xf32>, vector<16xi1>
        %add3A_423 = arith.constant 1 : i32
        %add3A_424 = arith.addi %mul3A_350, %add3A_423 : i32
        %broadcast_in_dim3A_425 = vector.broadcast %add3A_424 : i32 to vector<16xi32>
        %neg3A_426 = arith.constant 0.000000e+00 : f32
        %neg3A_427 = vector.broadcast %neg3A_426 : f32 to vector<16xf32>
        %neg3A_428 = arith.subf %neg3A_427, %masked_cumsum3A_420 : vector<16xf32>
        tpu.vector_store_idx %arg17[%broadcast_in_dim3A, %broadcast_in_dim3A_425], %neg3A_428 masked %eq3A_21 {add = true} : memref<128x128xf32, #tpu.memory_space<vmem>>[vector<16xi32>, vector<16xi32>], vector<16xf32>, vector<16xi1>
        %scan3A_429 = arith.constant 3 : i32
        %scan3A_430 = arith.addi %scan3A_190, %scan3A_429 : i32
        %mul3A_431 = arith.constant 2 : i32
        %mul3A_432 = arith.muli %mul3A_431, %scan3A_430 : i32
        %get3A_433 = arith.index_cast %mul3A_432 : i32 to index
        %get3A_434 = arith.constant 0 : index
        %get3A_435 = tpu.vector_load %arg13[%get3A_433, %get3A_434] {strides = array<i32>} : memref<128x64xf32, #tpu.memory_space<vmem>>, vector<16xf32>,
        %get3A_436 = arith.index_cast %mul3A_432 : i32 to index
        %get3A_437 = arith.constant 16 : index
        %get3A_438 = tpu.vector_load %arg13[%get3A_436, %get3A_437] {strides = array<i32>} : memref<128x64xf32, #tpu.memory_space<vmem>>, vector<16xf32>,
        %get3A_439 = arith.index_cast %mul3A_432 : i32 to index
        %get3A_440 = arith.constant 32 : index
        %get3A_441 = tpu.vector_load %arg13[%get3A_439, %get3A_440] {strides = array<i32>} : memref<128x64xf32, #tpu.memory_space<vmem>>, vector<16xf32>,
        %get3A_442 = arith.index_cast %mul3A_432 : i32 to index
        %get3A_443 = arith.constant 48 : index
        %get3A_444 = tpu.vector_load %arg13[%get3A_442, %get3A_443] {strides = array<i32>} : memref<128x64xf32, #tpu.memory_space<vmem>>, vector<16xf32>,
        %sub3A_445 = arith.subf %get3A_66, %get3A_435 : vector<16xf32>
        %abs3A_446 = math.absf %sub3A_445 : vector<16xf32>
        %sub3A_447 = arith.subf %get3A_69, %get3A_438 : vector<16xf32>
        %abs3A_448 = math.absf %sub3A_447 : vector<16xf32>
        %add3A_449 = arith.addf %abs3A_446, %abs3A_448 : vector<16xf32>
        %sub3A_450 = arith.subf %get3A_72, %get3A_441 : vector<16xf32>
        %abs3A_451 = math.absf %sub3A_450 : vector<16xf32>
        %add3A_452 = arith.addf %add3A_449, %abs3A_451 : vector<16xf32>
        %sub3A_453 = arith.subf %get3A_75, %get3A_444 : vector<16xf32>
        %abs3A_454 = math.absf %sub3A_453 : vector<16xf32>
        %add3A_455 = arith.addf %add3A_452, %abs3A_454 : vector<16xf32>
        %add3A_456 = arith.constant 1 : i32
        %add3A_457 = arith.addi %mul3A_432, %add3A_456 : i32
        %get3A_458 = arith.index_cast %add3A_457 : i32 to index
        %get3A_459 = arith.constant 0 : index
        %get3A_460 = tpu.vector_load %arg13[%get3A_458, %get3A_459] {strides = array<i32>} : memref<128x64xf32, #tpu.memory_space<vmem>>, vector<16xf32>,
        %get3A_461 = arith.index_cast %add3A_457 : i32 to index
        %get3A_462 = arith.constant 16 : index
        %get3A_463 = tpu.vector_load %arg13[%get3A_461, %get3A_462] {strides = array<i32>} : memref<128x64xf32, #tpu.memory_space<vmem>>, vector<16xf32>,
        %get3A_464 = arith.index_cast %add3A_457 : i32 to index
        %get3A_465 = arith.constant 32 : index
        %get3A_466 = tpu.vector_load %arg13[%get3A_464, %get3A_465] {strides = array<i32>} : memref<128x64xf32, #tpu.memory_space<vmem>>, vector<16xf32>,
        %get3A_467 = arith.index_cast %add3A_457 : i32 to index
        %get3A_468 = arith.constant 48 : index
        %get3A_469 = tpu.vector_load %arg13[%get3A_467, %get3A_468] {strides = array<i32>} : memref<128x64xf32, #tpu.memory_space<vmem>>, vector<16xf32>,
        %sub3A_470 = arith.subf %get3A_66, %get3A_460 : vector<16xf32>
        %abs3A_471 = math.absf %sub3A_470 : vector<16xf32>
        %sub3A_472 = arith.subf %get3A_69, %get3A_463 : vector<16xf32>
        %abs3A_473 = math.absf %sub3A_472 : vector<16xf32>
        %add3A_474 = arith.addf %abs3A_471, %abs3A_473 : vector<16xf32>
        %sub3A_475 = arith.subf %get3A_72, %get3A_466 : vector<16xf32>
        %abs3A_476 = math.absf %sub3A_475 : vector<16xf32>
        %add3A_477 = arith.addf %add3A_474, %abs3A_476 : vector<16xf32>
        %sub3A_478 = arith.subf %get3A_75, %get3A_469 : vector<16xf32>
        %abs3A_479 = math.absf %sub3A_478 : vector<16xf32>
        %add3A_480 = arith.addf %add3A_477, %abs3A_479 : vector<16xf32>
        %rev3A_481 = arith.constant 15 : i32
        %rev3A_482 = vector.broadcast %rev3A_481 : i32 to vector<16xi32>
        %rev3A_483 = tpu.iota {dimensions = array<i32: 0>} : vector<16xi32>
        %rev3A_484 = arith.subi %rev3A_482, %rev3A_483 : vector<16xi32>
        %rev3A_485 = tpu.dynamic_gather %add3A_455[%rev3A_484] in [0] : vector<16xf32>, vector<16xi32> -> vector<16xf32>
        %add3A_486 = arith.addf %add3A_455, %rev3A_485 : vector<16xf32>
        %rev3A_487 = arith.constant 15 : i32
        %rev3A_488 = vector.broadcast %rev3A_487 : i32 to vector<16xi32>
        %rev3A_489 = tpu.iota {dimensions = array<i32: 0>} : vector<16xi32>
        %rev3A_490 = arith.subi %rev3A_488, %rev3A_489 : vector<16xi32>
        %rev3A_491 = tpu.dynamic_gather %add3A_480[%rev3A_490] in [0] : vector<16xf32>, vector<16xi32> -> vector<16xf32>
        %add3A_492 = arith.addf %add3A_480, %rev3A_491 : vector<16xf32>
        %sub3A_493 = arith.constant 1.500000e+00 : f32
        %sub3A_494 = vector.broadcast %sub3A_493 : f32 to vector<16xf32>
        %sub3A_495 = arith.subf %sub3A_494, %add3A_486 : vector<16xf32>
        %sub3A_496 = arith.constant 1.500000e+00 : f32
        %sub3A_497 = vector.broadcast %sub3A_496 : f32 to vector<16xf32>
        %sub3A_498 = arith.subf %sub3A_497, %add3A_492 : vector<16xf32>
        %select_n3A_499 = arith.select %lt3A_26, %sub3A_495, %sub3A_498 : vector<16xi1>, vector<16xf32>
        %broadcast_in_dim3A_500 = arith.constant true
        %broadcast_in_dim3A_501 = vector.broadcast %broadcast_in_dim3A_500 : i1 to vector<16xi1>
        %masked_cumsum3A_502 = tpu.scan <sum>, %select_n3A_499 masked %broadcast_in_dim3A_501 : vector<16xf32>, vector<16xi1> -> vector<16xf32>
        %broadcast_in_dim3A_503 = vector.broadcast %mul3A_432 : i32 to vector<16xi32>
        %add3A_504 = arith.addi %broadcast_in_dim3A_503, %convert_element_type3A : vector<16xi32>
        tpu.vector_store_idx %arg17[%broadcast_in_dim3A, %add3A_504], %masked_cumsum3A_502 masked %or3A : memref<128x128xf32, #tpu.memory_space<vmem>>[vector<16xi32>, vector<16xi32>], vector<16xf32>, vector<16xi1>
        %add3A_505 = arith.constant 1 : i32
        %add3A_506 = arith.addi %mul3A_432, %add3A_505 : i32
        %broadcast_in_dim3A_507 = vector.broadcast %add3A_506 : i32 to vector<16xi32>
        %neg3A_508 = arith.constant 0.000000e+00 : f32
        %neg3A_509 = vector.broadcast %neg3A_508 : f32 to vector<16xf32>
        %neg3A_510 = arith.subf %neg3A_509, %masked_cumsum3A_502 : vector<16xf32>
        tpu.vector_store_idx %arg17[%broadcast_in_dim3A, %broadcast_in_dim3A_507], %neg3A_510 masked %eq3A_21 {add = true} : memref<128x128xf32, #tpu.memory_space<vmem>>[vector<16xi32>, vector<16xi32>], vector<16xf32>, vector<16xi1>
      }
      %scan3A_81 = arith.constant 64 : i32
      %mul3A_82 = arith.constant 4 : i32
      %mul3A_83 = arith.muli %mul3A_82, %scan3A_48 : i32
      %add3A_84 = arith.constant 1 : i32
      %add3A_85 = arith.addi %mul3A_83, %add3A_84 : i32
      %add3A_86 = arith.constant 3 : i32
      %add3A_87 = arith.addi %add3A_85, %add3A_86 : i32
      %lt3A_88 = arith.constant 128 : i32
      %lt3A_89 = arith.cmpi slt, %add3A_87, %lt3A_88 : i32
      %convert_element_type3A_90 = arith.extui %lt3A_89 : i1 to i32
      %cond3A_91 = arith.constant 0 : i32
      %cond3A_92 = arith.cmpi ne, %convert_element_type3A_90, %cond3A_91 : i32
      scf.if %cond3A_92 {
        %add3A_190 = arith.constant 3 : i32
        %add3A_191 = arith.addi %add3A_85, %add3A_190 : i32
        %mul3A_192 = arith.constant 128 : i32
        %mul3A_193 = arith.muli %add3A_191, %mul3A_192 : i32
        %dma_start3A_194 = tpu.memref_slice %arg8[%mul3A_193] : memref<16384xi32, #tpu.memory_space<vmem>> -> memref<128xi32, #tpu.memory_space<vmem>>
        %dma_start3A_195 = arith.constant 0 : i32
        %dma_start3A_196 = arith.constant 0 : i32
        %dma_start3A_197 = tpu.memref_slice %arg5[%dma_start3A_195, %dma_start3A_196] : memref<2000000x64xf32, #tpu.memory_space<hbm>> -> memref<2000000x64xf32, #tpu.memory_space<hbm>>
        tpu.enqueue_indirect_dma source(%dma_start3A_197 : memref<2000000x64xf32, #tpu.memory_space<hbm>>) target(%arg13 : memref<128x64xf32, #tpu.memory_space<vmem>>) offsets(%dma_start3A_194 : memref<128xi32, #tpu.memory_space<vmem>>) semaphore(%arg18 : memref<!tpu.dma_semaphore, #tpu.memory_space<semaphore_mem>>)
      } else {
      }
      %mul3A_93 = arith.constant 128 : i32
      %mul3A_94 = arith.muli %add3A_85, %mul3A_93 : i32
      %dma_wait3A_95 = tpu.memref_slice %arg8[%mul3A_94] : memref<16384xi32, #tpu.memory_space<vmem>> -> memref<128xi32, #tpu.memory_space<vmem>>
      %dma_wait3A_96 = arith.constant 0 : i32
      %dma_wait3A_97 = arith.constant 0 : i32
      %dma_wait3A_98 = tpu.memref_slice %arg5[%dma_wait3A_96, %dma_wait3A_97] : memref<2000000x64xf32, #tpu.memory_space<hbm>> -> memref<2000000x64xf32, #tpu.memory_space<hbm>>
      tpu.wait_indirect_dma semaphore(%arg19 : memref<!tpu.dma_semaphore, #tpu.memory_space<semaphore_mem>>) src(%dma_wait3A_98 : memref<2000000x64xf32, #tpu.memory_space<hbm>>) dst(%arg14 : memref<128x64xf32, #tpu.memory_space<vmem>>)
      %get3A_99 = arith.index_cast %add3A_85 : i32 to index
      %get3A_100 = arith.constant 0 : index
      %get3A_101 = tpu.vector_load %arg11[%get3A_99, %get3A_100] {strides = array<i32>} : memref<128x64xf32, #tpu.memory_space<vmem>>, vector<16xf32>,
      %get3A_102 = arith.index_cast %add3A_85 : i32 to index
      %get3A_103 = arith.constant 16 : index
      %get3A_104 = tpu.vector_load %arg11[%get3A_102, %get3A_103] {strides = array<i32>} : memref<128x64xf32, #tpu.memory_space<vmem>>, vector<16xf32>,
      %get3A_105 = arith.index_cast %add3A_85 : i32 to index
      %get3A_106 = arith.constant 32 : index
      %get3A_107 = tpu.vector_load %arg11[%get3A_105, %get3A_106] {strides = array<i32>} : memref<128x64xf32, #tpu.memory_space<vmem>>, vector<16xf32>,
      %get3A_108 = arith.index_cast %add3A_85 : i32 to index
      %get3A_109 = arith.constant 48 : index
      %get3A_110 = tpu.vector_load %arg11[%get3A_108, %get3A_109] {strides = array<i32>} : memref<128x64xf32, #tpu.memory_space<vmem>>, vector<16xf32>,
      %broadcast_in_dim3A_111 = vector.broadcast %add3A_85 : i32 to vector<16xi32>
      %scan3A_112 = arith.constant 0 : i32
      %scan3A_113 = arith.constant 0 : i32
      %scan3A_114 = arith.constant 64 : i32
      %scan3A_115 = arith.addi %scan3A_113, %scan3A_114 : i32
      %scan3A_116 = arith.constant 4 : i32
      scf.for %scan3A_190 = %scan3A_113 to %scan3A_115 step %scan3A_116  : i32 {
        %mul3A_191 = arith.constant 2 : i32
        %mul3A_192 = arith.muli %mul3A_191, %scan3A_190 : i32
        %get3A_193 = arith.index_cast %mul3A_192 : i32 to index
        %get3A_194 = arith.constant 0 : index
        %get3A_195 = tpu.vector_load %arg14[%get3A_193, %get3A_194] {strides = array<i32>} : memref<128x64xf32, #tpu.memory_space<vmem>>, vector<16xf32>,
        %get3A_196 = arith.index_cast %mul3A_192 : i32 to index
        %get3A_197 = arith.constant 16 : index
        %get3A_198 = tpu.vector_load %arg14[%get3A_196, %get3A_197] {strides = array<i32>} : memref<128x64xf32, #tpu.memory_space<vmem>>, vector<16xf32>,
        %get3A_199 = arith.index_cast %mul3A_192 : i32 to index
        %get3A_200 = arith.constant 32 : index
        %get3A_201 = tpu.vector_load %arg14[%get3A_199, %get3A_200] {strides = array<i32>} : memref<128x64xf32, #tpu.memory_space<vmem>>, vector<16xf32>,
        %get3A_202 = arith.index_cast %mul3A_192 : i32 to index
        %get3A_203 = arith.constant 48 : index
        %get3A_204 = tpu.vector_load %arg14[%get3A_202, %get3A_203] {strides = array<i32>} : memref<128x64xf32, #tpu.memory_space<vmem>>, vector<16xf32>,
        %sub3A = arith.subf %get3A_101, %get3A_195 : vector<16xf32>
        %abs3A = math.absf %sub3A : vector<16xf32>
        %sub3A_205 = arith.subf %get3A_104, %get3A_198 : vector<16xf32>
        %abs3A_206 = math.absf %sub3A_205 : vector<16xf32>
        %add3A_207 = arith.addf %abs3A, %abs3A_206 : vector<16xf32>
        %sub3A_208 = arith.subf %get3A_107, %get3A_201 : vector<16xf32>
        %abs3A_209 = math.absf %sub3A_208 : vector<16xf32>
        %add3A_210 = arith.addf %add3A_207, %abs3A_209 : vector<16xf32>
        %sub3A_211 = arith.subf %get3A_110, %get3A_204 : vector<16xf32>
        %abs3A_212 = math.absf %sub3A_211 : vector<16xf32>
        %add3A_213 = arith.addf %add3A_210, %abs3A_212 : vector<16xf32>
        %add3A_214 = arith.constant 1 : i32
        %add3A_215 = arith.addi %mul3A_192, %add3A_214 : i32
        %get3A_216 = arith.index_cast %add3A_215 : i32 to index
        %get3A_217 = arith.constant 0 : index
        %get3A_218 = tpu.vector_load %arg14[%get3A_216, %get3A_217] {strides = array<i32>} : memref<128x64xf32, #tpu.memory_space<vmem>>, vector<16xf32>,
        %get3A_219 = arith.index_cast %add3A_215 : i32 to index
        %get3A_220 = arith.constant 16 : index
        %get3A_221 = tpu.vector_load %arg14[%get3A_219, %get3A_220] {strides = array<i32>} : memref<128x64xf32, #tpu.memory_space<vmem>>, vector<16xf32>,
        %get3A_222 = arith.index_cast %add3A_215 : i32 to index
        %get3A_223 = arith.constant 32 : index
        %get3A_224 = tpu.vector_load %arg14[%get3A_222, %get3A_223] {strides = array<i32>} : memref<128x64xf32, #tpu.memory_space<vmem>>, vector<16xf32>,
        %get3A_225 = arith.index_cast %add3A_215 : i32 to index
        %get3A_226 = arith.constant 48 : index
        %get3A_227 = tpu.vector_load %arg14[%get3A_225, %get3A_226] {strides = array<i32>} : memref<128x64xf32, #tpu.memory_space<vmem>>, vector<16xf32>,
        %sub3A_228 = arith.subf %get3A_101, %get3A_218 : vector<16xf32>
        %abs3A_229 = math.absf %sub3A_228 : vector<16xf32>
        %sub3A_230 = arith.subf %get3A_104, %get3A_221 : vector<16xf32>
        %abs3A_231 = math.absf %sub3A_230 : vector<16xf32>
        %add3A_232 = arith.addf %abs3A_229, %abs3A_231 : vector<16xf32>
        %sub3A_233 = arith.subf %get3A_107, %get3A_224 : vector<16xf32>
        %abs3A_234 = math.absf %sub3A_233 : vector<16xf32>
        %add3A_235 = arith.addf %add3A_232, %abs3A_234 : vector<16xf32>
        %sub3A_236 = arith.subf %get3A_110, %get3A_227 : vector<16xf32>
        %abs3A_237 = math.absf %sub3A_236 : vector<16xf32>
        %add3A_238 = arith.addf %add3A_235, %abs3A_237 : vector<16xf32>
        %rev3A = arith.constant 15 : i32
        %rev3A_239 = vector.broadcast %rev3A : i32 to vector<16xi32>
        %rev3A_240 = tpu.iota {dimensions = array<i32: 0>} : vector<16xi32>
        %rev3A_241 = arith.subi %rev3A_239, %rev3A_240 : vector<16xi32>
        %rev3A_242 = tpu.dynamic_gather %add3A_213[%rev3A_241] in [0] : vector<16xf32>, vector<16xi32> -> vector<16xf32>
        %add3A_243 = arith.addf %add3A_213, %rev3A_242 : vector<16xf32>
        %rev3A_244 = arith.constant 15 : i32
        %rev3A_245 = vector.broadcast %rev3A_244 : i32 to vector<16xi32>
        %rev3A_246 = tpu.iota {dimensions = array<i32: 0>} : vector<16xi32>
        %rev3A_247 = arith.subi %rev3A_245, %rev3A_246 : vector<16xi32>
        %rev3A_248 = tpu.dynamic_gather %add3A_238[%rev3A_247] in [0] : vector<16xf32>, vector<16xi32> -> vector<16xf32>
        %add3A_249 = arith.addf %add3A_238, %rev3A_248 : vector<16xf32>
        %sub3A_250 = arith.constant 1.500000e+00 : f32
        %sub3A_251 = vector.broadcast %sub3A_250 : f32 to vector<16xf32>
        %sub3A_252 = arith.subf %sub3A_251, %add3A_243 : vector<16xf32>
        %sub3A_253 = arith.constant 1.500000e+00 : f32
        %sub3A_254 = vector.broadcast %sub3A_253 : f32 to vector<16xf32>
        %sub3A_255 = arith.subf %sub3A_254, %add3A_249 : vector<16xf32>
        %select_n3A = arith.select %lt3A_26, %sub3A_252, %sub3A_255 : vector<16xi1>, vector<16xf32>
        %broadcast_in_dim3A_256 = arith.constant true
        %broadcast_in_dim3A_257 = vector.broadcast %broadcast_in_dim3A_256 : i1 to vector<16xi1>
        %masked_cumsum3A = tpu.scan <sum>, %select_n3A masked %broadcast_in_dim3A_257 : vector<16xf32>, vector<16xi1> -> vector<16xf32>
        %broadcast_in_dim3A_258 = vector.broadcast %mul3A_192 : i32 to vector<16xi32>
        %add3A_259 = arith.addi %broadcast_in_dim3A_258, %convert_element_type3A : vector<16xi32>
        tpu.vector_store_idx %arg17[%broadcast_in_dim3A_111, %add3A_259], %masked_cumsum3A masked %or3A : memref<128x128xf32, #tpu.memory_space<vmem>>[vector<16xi32>, vector<16xi32>], vector<16xf32>, vector<16xi1>
        %add3A_260 = arith.constant 1 : i32
        %add3A_261 = arith.addi %mul3A_192, %add3A_260 : i32
        %broadcast_in_dim3A_262 = vector.broadcast %add3A_261 : i32 to vector<16xi32>
        %neg3A = arith.constant 0.000000e+00 : f32
        %neg3A_263 = vector.broadcast %neg3A : f32 to vector<16xf32>
        %neg3A_264 = arith.subf %neg3A_263, %masked_cumsum3A : vector<16xf32>
        tpu.vector_store_idx %arg17[%broadcast_in_dim3A_111, %broadcast_in_dim3A_262], %neg3A_264 masked %eq3A_21 {add = true} : memref<128x128xf32, #tpu.memory_space<vmem>>[vector<16xi32>, vector<16xi32>], vector<16xf32>, vector<16xi1>
        %scan3A_265 = arith.constant 1 : i32
        %scan3A_266 = arith.addi %scan3A_190, %scan3A_265 : i32
        %mul3A_267 = arith.constant 2 : i32
        %mul3A_268 = arith.muli %mul3A_267, %scan3A_266 : i32
        %get3A_269 = arith.index_cast %mul3A_268 : i32 to index
        %get3A_270 = arith.constant 0 : index
        %get3A_271 = tpu.vector_load %arg14[%get3A_269, %get3A_270] {strides = array<i32>} : memref<128x64xf32, #tpu.memory_space<vmem>>, vector<16xf32>,
        %get3A_272 = arith.index_cast %mul3A_268 : i32 to index
        %get3A_273 = arith.constant 16 : index
        %get3A_274 = tpu.vector_load %arg14[%get3A_272, %get3A_273] {strides = array<i32>} : memref<128x64xf32, #tpu.memory_space<vmem>>, vector<16xf32>,
        %get3A_275 = arith.index_cast %mul3A_268 : i32 to index
        %get3A_276 = arith.constant 32 : index
        %get3A_277 = tpu.vector_load %arg14[%get3A_275, %get3A_276] {strides = array<i32>} : memref<128x64xf32, #tpu.memory_space<vmem>>, vector<16xf32>,
        %get3A_278 = arith.index_cast %mul3A_268 : i32 to index
        %get3A_279 = arith.constant 48 : index
        %get3A_280 = tpu.vector_load %arg14[%get3A_278, %get3A_279] {strides = array<i32>} : memref<128x64xf32, #tpu.memory_space<vmem>>, vector<16xf32>,
        %sub3A_281 = arith.subf %get3A_101, %get3A_271 : vector<16xf32>
        %abs3A_282 = math.absf %sub3A_281 : vector<16xf32>
        %sub3A_283 = arith.subf %get3A_104, %get3A_274 : vector<16xf32>
        %abs3A_284 = math.absf %sub3A_283 : vector<16xf32>
        %add3A_285 = arith.addf %abs3A_282, %abs3A_284 : vector<16xf32>
        %sub3A_286 = arith.subf %get3A_107, %get3A_277 : vector<16xf32>
        %abs3A_287 = math.absf %sub3A_286 : vector<16xf32>
        %add3A_288 = arith.addf %add3A_285, %abs3A_287 : vector<16xf32>
        %sub3A_289 = arith.subf %get3A_110, %get3A_280 : vector<16xf32>
        %abs3A_290 = math.absf %sub3A_289 : vector<16xf32>
        %add3A_291 = arith.addf %add3A_288, %abs3A_290 : vector<16xf32>
        %add3A_292 = arith.constant 1 : i32
        %add3A_293 = arith.addi %mul3A_268, %add3A_292 : i32
        %get3A_294 = arith.index_cast %add3A_293 : i32 to index
        %get3A_295 = arith.constant 0 : index
        %get3A_296 = tpu.vector_load %arg14[%get3A_294, %get3A_295] {strides = array<i32>} : memref<128x64xf32, #tpu.memory_space<vmem>>, vector<16xf32>,
        %get3A_297 = arith.index_cast %add3A_293 : i32 to index
        %get3A_298 = arith.constant 16 : index
        %get3A_299 = tpu.vector_load %arg14[%get3A_297, %get3A_298] {strides = array<i32>} : memref<128x64xf32, #tpu.memory_space<vmem>>, vector<16xf32>,
        %get3A_300 = arith.index_cast %add3A_293 : i32 to index
        %get3A_301 = arith.constant 32 : index
        %get3A_302 = tpu.vector_load %arg14[%get3A_300, %get3A_301] {strides = array<i32>} : memref<128x64xf32, #tpu.memory_space<vmem>>, vector<16xf32>,
        %get3A_303 = arith.index_cast %add3A_293 : i32 to index
        %get3A_304 = arith.constant 48 : index
        %get3A_305 = tpu.vector_load %arg14[%get3A_303, %get3A_304] {strides = array<i32>} : memref<128x64xf32, #tpu.memory_space<vmem>>, vector<16xf32>,
        %sub3A_306 = arith.subf %get3A_101, %get3A_296 : vector<16xf32>
        %abs3A_307 = math.absf %sub3A_306 : vector<16xf32>
        %sub3A_308 = arith.subf %get3A_104, %get3A_299 : vector<16xf32>
        %abs3A_309 = math.absf %sub3A_308 : vector<16xf32>
        %add3A_310 = arith.addf %abs3A_307, %abs3A_309 : vector<16xf32>
        %sub3A_311 = arith.subf %get3A_107, %get3A_302 : vector<16xf32>
        %abs3A_312 = math.absf %sub3A_311 : vector<16xf32>
        %add3A_313 = arith.addf %add3A_310, %abs3A_312 : vector<16xf32>
        %sub3A_314 = arith.subf %get3A_110, %get3A_305 : vector<16xf32>
        %abs3A_315 = math.absf %sub3A_314 : vector<16xf32>
        %add3A_316 = arith.addf %add3A_313, %abs3A_315 : vector<16xf32>
        %rev3A_317 = arith.constant 15 : i32
        %rev3A_318 = vector.broadcast %rev3A_317 : i32 to vector<16xi32>
        %rev3A_319 = tpu.iota {dimensions = array<i32: 0>} : vector<16xi32>
        %rev3A_320 = arith.subi %rev3A_318, %rev3A_319 : vector<16xi32>
        %rev3A_321 = tpu.dynamic_gather %add3A_291[%rev3A_320] in [0] : vector<16xf32>, vector<16xi32> -> vector<16xf32>
        %add3A_322 = arith.addf %add3A_291, %rev3A_321 : vector<16xf32>
        %rev3A_323 = arith.constant 15 : i32
        %rev3A_324 = vector.broadcast %rev3A_323 : i32 to vector<16xi32>
        %rev3A_325 = tpu.iota {dimensions = array<i32: 0>} : vector<16xi32>
        %rev3A_326 = arith.subi %rev3A_324, %rev3A_325 : vector<16xi32>
        %rev3A_327 = tpu.dynamic_gather %add3A_316[%rev3A_326] in [0] : vector<16xf32>, vector<16xi32> -> vector<16xf32>
        %add3A_328 = arith.addf %add3A_316, %rev3A_327 : vector<16xf32>
        %sub3A_329 = arith.constant 1.500000e+00 : f32
        %sub3A_330 = vector.broadcast %sub3A_329 : f32 to vector<16xf32>
        %sub3A_331 = arith.subf %sub3A_330, %add3A_322 : vector<16xf32>
        %sub3A_332 = arith.constant 1.500000e+00 : f32
        %sub3A_333 = vector.broadcast %sub3A_332 : f32 to vector<16xf32>
        %sub3A_334 = arith.subf %sub3A_333, %add3A_328 : vector<16xf32>
        %select_n3A_335 = arith.select %lt3A_26, %sub3A_331, %sub3A_334 : vector<16xi1>, vector<16xf32>
        %broadcast_in_dim3A_336 = arith.constant true
        %broadcast_in_dim3A_337 = vector.broadcast %broadcast_in_dim3A_336 : i1 to vector<16xi1>
        %masked_cumsum3A_338 = tpu.scan <sum>, %select_n3A_335 masked %broadcast_in_dim3A_337 : vector<16xf32>, vector<16xi1> -> vector<16xf32>
        %broadcast_in_dim3A_339 = vector.broadcast %mul3A_268 : i32 to vector<16xi32>
        %add3A_340 = arith.addi %broadcast_in_dim3A_339, %convert_element_type3A : vector<16xi32>
        tpu.vector_store_idx %arg17[%broadcast_in_dim3A_111, %add3A_340], %masked_cumsum3A_338 masked %or3A : memref<128x128xf32, #tpu.memory_space<vmem>>[vector<16xi32>, vector<16xi32>], vector<16xf32>, vector<16xi1>
        %add3A_341 = arith.constant 1 : i32
        %add3A_342 = arith.addi %mul3A_268, %add3A_341 : i32
        %broadcast_in_dim3A_343 = vector.broadcast %add3A_342 : i32 to vector<16xi32>
        %neg3A_344 = arith.constant 0.000000e+00 : f32
        %neg3A_345 = vector.broadcast %neg3A_344 : f32 to vector<16xf32>
        %neg3A_346 = arith.subf %neg3A_345, %masked_cumsum3A_338 : vector<16xf32>
        tpu.vector_store_idx %arg17[%broadcast_in_dim3A_111, %broadcast_in_dim3A_343], %neg3A_346 masked %eq3A_21 {add = true} : memref<128x128xf32, #tpu.memory_space<vmem>>[vector<16xi32>, vector<16xi32>], vector<16xf32>, vector<16xi1>
        %scan3A_347 = arith.constant 2 : i32
        %scan3A_348 = arith.addi %scan3A_190, %scan3A_347 : i32
        %mul3A_349 = arith.constant 2 : i32
        %mul3A_350 = arith.muli %mul3A_349, %scan3A_348 : i32
        %get3A_351 = arith.index_cast %mul3A_350 : i32 to index
        %get3A_352 = arith.constant 0 : index
        %get3A_353 = tpu.vector_load %arg14[%get3A_351, %get3A_352] {strides = array<i32>} : memref<128x64xf32, #tpu.memory_space<vmem>>, vector<16xf32>,
        %get3A_354 = arith.index_cast %mul3A_350 : i32 to index
        %get3A_355 = arith.constant 16 : index
        %get3A_356 = tpu.vector_load %arg14[%get3A_354, %get3A_355] {strides = array<i32>} : memref<128x64xf32, #tpu.memory_space<vmem>>, vector<16xf32>,
        %get3A_357 = arith.index_cast %mul3A_350 : i32 to index
        %get3A_358 = arith.constant 32 : index
        %get3A_359 = tpu.vector_load %arg14[%get3A_357, %get3A_358] {strides = array<i32>} : memref<128x64xf32, #tpu.memory_space<vmem>>, vector<16xf32>,
        %get3A_360 = arith.index_cast %mul3A_350 : i32 to index
        %get3A_361 = arith.constant 48 : index
        %get3A_362 = tpu.vector_load %arg14[%get3A_360, %get3A_361] {strides = array<i32>} : memref<128x64xf32, #tpu.memory_space<vmem>>, vector<16xf32>,
        %sub3A_363 = arith.subf %get3A_101, %get3A_353 : vector<16xf32>
        %abs3A_364 = math.absf %sub3A_363 : vector<16xf32>
        %sub3A_365 = arith.subf %get3A_104, %get3A_356 : vector<16xf32>
        %abs3A_366 = math.absf %sub3A_365 : vector<16xf32>
        %add3A_367 = arith.addf %abs3A_364, %abs3A_366 : vector<16xf32>
        %sub3A_368 = arith.subf %get3A_107, %get3A_359 : vector<16xf32>
        %abs3A_369 = math.absf %sub3A_368 : vector<16xf32>
        %add3A_370 = arith.addf %add3A_367, %abs3A_369 : vector<16xf32>
        %sub3A_371 = arith.subf %get3A_110, %get3A_362 : vector<16xf32>
        %abs3A_372 = math.absf %sub3A_371 : vector<16xf32>
        %add3A_373 = arith.addf %add3A_370, %abs3A_372 : vector<16xf32>
        %add3A_374 = arith.constant 1 : i32
        %add3A_375 = arith.addi %mul3A_350, %add3A_374 : i32
        %get3A_376 = arith.index_cast %add3A_375 : i32 to index
        %get3A_377 = arith.constant 0 : index
        %get3A_378 = tpu.vector_load %arg14[%get3A_376, %get3A_377] {strides = array<i32>} : memref<128x64xf32, #tpu.memory_space<vmem>>, vector<16xf32>,
        %get3A_379 = arith.index_cast %add3A_375 : i32 to index
        %get3A_380 = arith.constant 16 : index
        %get3A_381 = tpu.vector_load %arg14[%get3A_379, %get3A_380] {strides = array<i32>} : memref<128x64xf32, #tpu.memory_space<vmem>>, vector<16xf32>,
        %get3A_382 = arith.index_cast %add3A_375 : i32 to index
        %get3A_383 = arith.constant 32 : index
        %get3A_384 = tpu.vector_load %arg14[%get3A_382, %get3A_383] {strides = array<i32>} : memref<128x64xf32, #tpu.memory_space<vmem>>, vector<16xf32>,
        %get3A_385 = arith.index_cast %add3A_375 : i32 to index
        %get3A_386 = arith.constant 48 : index
        %get3A_387 = tpu.vector_load %arg14[%get3A_385, %get3A_386] {strides = array<i32>} : memref<128x64xf32, #tpu.memory_space<vmem>>, vector<16xf32>,
        %sub3A_388 = arith.subf %get3A_101, %get3A_378 : vector<16xf32>
        %abs3A_389 = math.absf %sub3A_388 : vector<16xf32>
        %sub3A_390 = arith.subf %get3A_104, %get3A_381 : vector<16xf32>
        %abs3A_391 = math.absf %sub3A_390 : vector<16xf32>
        %add3A_392 = arith.addf %abs3A_389, %abs3A_391 : vector<16xf32>
        %sub3A_393 = arith.subf %get3A_107, %get3A_384 : vector<16xf32>
        %abs3A_394 = math.absf %sub3A_393 : vector<16xf32>
        %add3A_395 = arith.addf %add3A_392, %abs3A_394 : vector<16xf32>
        %sub3A_396 = arith.subf %get3A_110, %get3A_387 : vector<16xf32>
        %abs3A_397 = math.absf %sub3A_396 : vector<16xf32>
        %add3A_398 = arith.addf %add3A_395, %abs3A_397 : vector<16xf32>
        %rev3A_399 = arith.constant 15 : i32
        %rev3A_400 = vector.broadcast %rev3A_399 : i32 to vector<16xi32>
        %rev3A_401 = tpu.iota {dimensions = array<i32: 0>} : vector<16xi32>
        %rev3A_402 = arith.subi %rev3A_400, %rev3A_401 : vector<16xi32>
        %rev3A_403 = tpu.dynamic_gather %add3A_373[%rev3A_402] in [0] : vector<16xf32>, vector<16xi32> -> vector<16xf32>
        %add3A_404 = arith.addf %add3A_373, %rev3A_403 : vector<16xf32>
        %rev3A_405 = arith.constant 15 : i32
        %rev3A_406 = vector.broadcast %rev3A_405 : i32 to vector<16xi32>
        %rev3A_407 = tpu.iota {dimensions = array<i32: 0>} : vector<16xi32>
        %rev3A_408 = arith.subi %rev3A_406, %rev3A_407 : vector<16xi32>
        %rev3A_409 = tpu.dynamic_gather %add3A_398[%rev3A_408] in [0] : vector<16xf32>, vector<16xi32> -> vector<16xf32>
        %add3A_410 = arith.addf %add3A_398, %rev3A_409 : vector<16xf32>
        %sub3A_411 = arith.constant 1.500000e+00 : f32
        %sub3A_412 = vector.broadcast %sub3A_411 : f32 to vector<16xf32>
        %sub3A_413 = arith.subf %sub3A_412, %add3A_404 : vector<16xf32>
        %sub3A_414 = arith.constant 1.500000e+00 : f32
        %sub3A_415 = vector.broadcast %sub3A_414 : f32 to vector<16xf32>
        %sub3A_416 = arith.subf %sub3A_415, %add3A_410 : vector<16xf32>
        %select_n3A_417 = arith.select %lt3A_26, %sub3A_413, %sub3A_416 : vector<16xi1>, vector<16xf32>
        %broadcast_in_dim3A_418 = arith.constant true
        %broadcast_in_dim3A_419 = vector.broadcast %broadcast_in_dim3A_418 : i1 to vector<16xi1>
        %masked_cumsum3A_420 = tpu.scan <sum>, %select_n3A_417 masked %broadcast_in_dim3A_419 : vector<16xf32>, vector<16xi1> -> vector<16xf32>
        %broadcast_in_dim3A_421 = vector.broadcast %mul3A_350 : i32 to vector<16xi32>
        %add3A_422 = arith.addi %broadcast_in_dim3A_421, %convert_element_type3A : vector<16xi32>
        tpu.vector_store_idx %arg17[%broadcast_in_dim3A_111, %add3A_422], %masked_cumsum3A_420 masked %or3A : memref<128x128xf32, #tpu.memory_space<vmem>>[vector<16xi32>, vector<16xi32>], vector<16xf32>, vector<16xi1>
        %add3A_423 = arith.constant 1 : i32
        %add3A_424 = arith.addi %mul3A_350, %add3A_423 : i32
        %broadcast_in_dim3A_425 = vector.broadcast %add3A_424 : i32 to vector<16xi32>
        %neg3A_426 = arith.constant 0.000000e+00 : f32
        %neg3A_427 = vector.broadcast %neg3A_426 : f32 to vector<16xf32>
        %neg3A_428 = arith.subf %neg3A_427, %masked_cumsum3A_420 : vector<16xf32>
        tpu.vector_store_idx %arg17[%broadcast_in_dim3A_111, %broadcast_in_dim3A_425], %neg3A_428 masked %eq3A_21 {add = true} : memref<128x128xf32, #tpu.memory_space<vmem>>[vector<16xi32>, vector<16xi32>], vector<16xf32>, vector<16xi1>
        %scan3A_429 = arith.constant 3 : i32
        %scan3A_430 = arith.addi %scan3A_190, %scan3A_429 : i32
        %mul3A_431 = arith.constant 2 : i32
        %mul3A_432 = arith.muli %mul3A_431, %scan3A_430 : i32
        %get3A_433 = arith.index_cast %mul3A_432 : i32 to index
        %get3A_434 = arith.constant 0 : index
        %get3A_435 = tpu.vector_load %arg14[%get3A_433, %get3A_434] {strides = array<i32>} : memref<128x64xf32, #tpu.memory_space<vmem>>, vector<16xf32>,
        %get3A_436 = arith.index_cast %mul3A_432 : i32 to index
        %get3A_437 = arith.constant 16 : index
        %get3A_438 = tpu.vector_load %arg14[%get3A_436, %get3A_437] {strides = array<i32>} : memref<128x64xf32, #tpu.memory_space<vmem>>, vector<16xf32>,
        %get3A_439 = arith.index_cast %mul3A_432 : i32 to index
        %get3A_440 = arith.constant 32 : index
        %get3A_441 = tpu.vector_load %arg14[%get3A_439, %get3A_440] {strides = array<i32>} : memref<128x64xf32, #tpu.memory_space<vmem>>, vector<16xf32>,
        %get3A_442 = arith.index_cast %mul3A_432 : i32 to index
        %get3A_443 = arith.constant 48 : index
        %get3A_444 = tpu.vector_load %arg14[%get3A_442, %get3A_443] {strides = array<i32>} : memref<128x64xf32, #tpu.memory_space<vmem>>, vector<16xf32>,
        %sub3A_445 = arith.subf %get3A_101, %get3A_435 : vector<16xf32>
        %abs3A_446 = math.absf %sub3A_445 : vector<16xf32>
        %sub3A_447 = arith.subf %get3A_104, %get3A_438 : vector<16xf32>
        %abs3A_448 = math.absf %sub3A_447 : vector<16xf32>
        %add3A_449 = arith.addf %abs3A_446, %abs3A_448 : vector<16xf32>
        %sub3A_450 = arith.subf %get3A_107, %get3A_441 : vector<16xf32>
        %abs3A_451 = math.absf %sub3A_450 : vector<16xf32>
        %add3A_452 = arith.addf %add3A_449, %abs3A_451 : vector<16xf32>
        %sub3A_453 = arith.subf %get3A_110, %get3A_444 : vector<16xf32>
        %abs3A_454 = math.absf %sub3A_453 : vector<16xf32>
        %add3A_455 = arith.addf %add3A_452, %abs3A_454 : vector<16xf32>
        %add3A_456 = arith.constant 1 : i32
        %add3A_457 = arith.addi %mul3A_432, %add3A_456 : i32
        %get3A_458 = arith.index_cast %add3A_457 : i32 to index
        %get3A_459 = arith.constant 0 : index
        %get3A_460 = tpu.vector_load %arg14[%get3A_458, %get3A_459] {strides = array<i32>} : memref<128x64xf32, #tpu.memory_space<vmem>>, vector<16xf32>,
        %get3A_461 = arith.index_cast %add3A_457 : i32 to index
        %get3A_462 = arith.constant 16 : index
        %get3A_463 = tpu.vector_load %arg14[%get3A_461, %get3A_462] {strides = array<i32>} : memref<128x64xf32, #tpu.memory_space<vmem>>, vector<16xf32>,
        %get3A_464 = arith.index_cast %add3A_457 : i32 to index
        %get3A_465 = arith.constant 32 : index
        %get3A_466 = tpu.vector_load %arg14[%get3A_464, %get3A_465] {strides = array<i32>} : memref<128x64xf32, #tpu.memory_space<vmem>>, vector<16xf32>,
        %get3A_467 = arith.index_cast %add3A_457 : i32 to index
        %get3A_468 = arith.constant 48 : index
        %get3A_469 = tpu.vector_load %arg14[%get3A_467, %get3A_468] {strides = array<i32>} : memref<128x64xf32, #tpu.memory_space<vmem>>, vector<16xf32>,
        %sub3A_470 = arith.subf %get3A_101, %get3A_460 : vector<16xf32>
        %abs3A_471 = math.absf %sub3A_470 : vector<16xf32>
        %sub3A_472 = arith.subf %get3A_104, %get3A_463 : vector<16xf32>
        %abs3A_473 = math.absf %sub3A_472 : vector<16xf32>
        %add3A_474 = arith.addf %abs3A_471, %abs3A_473 : vector<16xf32>
        %sub3A_475 = arith.subf %get3A_107, %get3A_466 : vector<16xf32>
        %abs3A_476 = math.absf %sub3A_475 : vector<16xf32>
        %add3A_477 = arith.addf %add3A_474, %abs3A_476 : vector<16xf32>
        %sub3A_478 = arith.subf %get3A_110, %get3A_469 : vector<16xf32>
        %abs3A_479 = math.absf %sub3A_478 : vector<16xf32>
        %add3A_480 = arith.addf %add3A_477, %abs3A_479 : vector<16xf32>
        %rev3A_481 = arith.constant 15 : i32
        %rev3A_482 = vector.broadcast %rev3A_481 : i32 to vector<16xi32>
        %rev3A_483 = tpu.iota {dimensions = array<i32: 0>} : vector<16xi32>
        %rev3A_484 = arith.subi %rev3A_482, %rev3A_483 : vector<16xi32>
        %rev3A_485 = tpu.dynamic_gather %add3A_455[%rev3A_484] in [0] : vector<16xf32>, vector<16xi32> -> vector<16xf32>
        %add3A_486 = arith.addf %add3A_455, %rev3A_485 : vector<16xf32>
        %rev3A_487 = arith.constant 15 : i32
        %rev3A_488 = vector.broadcast %rev3A_487 : i32 to vector<16xi32>
        %rev3A_489 = tpu.iota {dimensions = array<i32: 0>} : vector<16xi32>
        %rev3A_490 = arith.subi %rev3A_488, %rev3A_489 : vector<16xi32>
        %rev3A_491 = tpu.dynamic_gather %add3A_480[%rev3A_490] in [0] : vector<16xf32>, vector<16xi32> -> vector<16xf32>
        %add3A_492 = arith.addf %add3A_480, %rev3A_491 : vector<16xf32>
        %sub3A_493 = arith.constant 1.500000e+00 : f32
        %sub3A_494 = vector.broadcast %sub3A_493 : f32 to vector<16xf32>
        %sub3A_495 = arith.subf %sub3A_494, %add3A_486 : vector<16xf32>
        %sub3A_496 = arith.constant 1.500000e+00 : f32
        %sub3A_497 = vector.broadcast %sub3A_496 : f32 to vector<16xf32>
        %sub3A_498 = arith.subf %sub3A_497, %add3A_492 : vector<16xf32>
        %select_n3A_499 = arith.select %lt3A_26, %sub3A_495, %sub3A_498 : vector<16xi1>, vector<16xf32>
        %broadcast_in_dim3A_500 = arith.constant true
        %broadcast_in_dim3A_501 = vector.broadcast %broadcast_in_dim3A_500 : i1 to vector<16xi1>
        %masked_cumsum3A_502 = tpu.scan <sum>, %select_n3A_499 masked %broadcast_in_dim3A_501 : vector<16xf32>, vector<16xi1> -> vector<16xf32>
        %broadcast_in_dim3A_503 = vector.broadcast %mul3A_432 : i32 to vector<16xi32>
        %add3A_504 = arith.addi %broadcast_in_dim3A_503, %convert_element_type3A : vector<16xi32>
        tpu.vector_store_idx %arg17[%broadcast_in_dim3A_111, %add3A_504], %masked_cumsum3A_502 masked %or3A : memref<128x128xf32, #tpu.memory_space<vmem>>[vector<16xi32>, vector<16xi32>], vector<16xf32>, vector<16xi1>
        %add3A_505 = arith.constant 1 : i32
        %add3A_506 = arith.addi %mul3A_432, %add3A_505 : i32
        %broadcast_in_dim3A_507 = vector.broadcast %add3A_506 : i32 to vector<16xi32>
        %neg3A_508 = arith.constant 0.000000e+00 : f32
        %neg3A_509 = vector.broadcast %neg3A_508 : f32 to vector<16xf32>
        %neg3A_510 = arith.subf %neg3A_509, %masked_cumsum3A_502 : vector<16xf32>
        tpu.vector_store_idx %arg17[%broadcast_in_dim3A_111, %broadcast_in_dim3A_507], %neg3A_510 masked %eq3A_21 {add = true} : memref<128x128xf32, #tpu.memory_space<vmem>>[vector<16xi32>, vector<16xi32>], vector<16xf32>, vector<16xi1>
      }
      %scan3A_117 = arith.constant 64 : i32
      %mul3A_118 = arith.constant 4 : i32
      %mul3A_119 = arith.muli %mul3A_118, %scan3A_48 : i32
      %add3A_120 = arith.constant 2 : i32
      %add3A_121 = arith.addi %mul3A_119, %add3A_120 : i32
      %add3A_122 = arith.constant 3 : i32
      %add3A_123 = arith.addi %add3A_121, %add3A_122 : i32
      %lt3A_124 = arith.constant 128 : i32
      %lt3A_125 = arith.cmpi slt, %add3A_123, %lt3A_124 : i32
      %convert_element_type3A_126 = arith.extui %lt3A_125 : i1 to i32
      %cond3A_127 = arith.constant 0 : i32
      %cond3A_128 = arith.cmpi ne, %convert_element_type3A_126, %cond3A_127 : i32
      scf.if %cond3A_128 {
        %add3A_190 = arith.constant 3 : i32
        %add3A_191 = arith.addi %add3A_121, %add3A_190 : i32
        %mul3A_192 = arith.constant 128 : i32
        %mul3A_193 = arith.muli %add3A_191, %mul3A_192 : i32
        %dma_start3A_194 = tpu.memref_slice %arg8[%mul3A_193] : memref<16384xi32, #tpu.memory_space<vmem>> -> memref<128xi32, #tpu.memory_space<vmem>>
        %dma_start3A_195 = arith.constant 0 : i32
        %dma_start3A_196 = arith.constant 0 : i32
        %dma_start3A_197 = tpu.memref_slice %arg5[%dma_start3A_195, %dma_start3A_196] : memref<2000000x64xf32, #tpu.memory_space<hbm>> -> memref<2000000x64xf32, #tpu.memory_space<hbm>>
        tpu.enqueue_indirect_dma source(%dma_start3A_197 : memref<2000000x64xf32, #tpu.memory_space<hbm>>) target(%arg14 : memref<128x64xf32, #tpu.memory_space<vmem>>) offsets(%dma_start3A_194 : memref<128xi32, #tpu.memory_space<vmem>>) semaphore(%arg19 : memref<!tpu.dma_semaphore, #tpu.memory_space<semaphore_mem>>)
      } else {
      }
      %mul3A_129 = arith.constant 128 : i32
      %mul3A_130 = arith.muli %add3A_121, %mul3A_129 : i32
      %dma_wait3A_131 = tpu.memref_slice %arg8[%mul3A_130] : memref<16384xi32, #tpu.memory_space<vmem>> -> memref<128xi32, #tpu.memory_space<vmem>>
      %dma_wait3A_132 = arith.constant 0 : i32
      %dma_wait3A_133 = arith.constant 0 : i32
      %dma_wait3A_134 = tpu.memref_slice %arg5[%dma_wait3A_132, %dma_wait3A_133] : memref<2000000x64xf32, #tpu.memory_space<hbm>> -> memref<2000000x64xf32, #tpu.memory_space<hbm>>
      tpu.wait_indirect_dma semaphore(%arg20 : memref<!tpu.dma_semaphore, #tpu.memory_space<semaphore_mem>>) src(%dma_wait3A_134 : memref<2000000x64xf32, #tpu.memory_space<hbm>>) dst(%arg15 : memref<128x64xf32, #tpu.memory_space<vmem>>)
      %get3A_135 = arith.index_cast %add3A_121 : i32 to index
      %get3A_136 = arith.constant 0 : index
      %get3A_137 = tpu.vector_load %arg11[%get3A_135, %get3A_136] {strides = array<i32>} : memref<128x64xf32, #tpu.memory_space<vmem>>, vector<16xf32>,
      %get3A_138 = arith.index_cast %add3A_121 : i32 to index
      %get3A_139 = arith.constant 16 : index
      %get3A_140 = tpu.vector_load %arg11[%get3A_138, %get3A_139] {strides = array<i32>} : memref<128x64xf32, #tpu.memory_space<vmem>>, vector<16xf32>,
      %get3A_141 = arith.index_cast %add3A_121 : i32 to index
      %get3A_142 = arith.constant 32 : index
      %get3A_143 = tpu.vector_load %arg11[%get3A_141, %get3A_142] {strides = array<i32>} : memref<128x64xf32, #tpu.memory_space<vmem>>, vector<16xf32>,
      %get3A_144 = arith.index_cast %add3A_121 : i32 to index
      %get3A_145 = arith.constant 48 : index
      %get3A_146 = tpu.vector_load %arg11[%get3A_144, %get3A_145] {strides = array<i32>} : memref<128x64xf32, #tpu.memory_space<vmem>>, vector<16xf32>,
      %broadcast_in_dim3A_147 = vector.broadcast %add3A_121 : i32 to vector<16xi32>
      %scan3A_148 = arith.constant 0 : i32
      %scan3A_149 = arith.constant 0 : i32
      %scan3A_150 = arith.constant 64 : i32
      %scan3A_151 = arith.addi %scan3A_149, %scan3A_150 : i32
      %scan3A_152 = arith.constant 4 : i32
      scf.for %scan3A_190 = %scan3A_149 to %scan3A_151 step %scan3A_152  : i32 {
        %mul3A_191 = arith.constant 2 : i32
        %mul3A_192 = arith.muli %mul3A_191, %scan3A_190 : i32
        %get3A_193 = arith.index_cast %mul3A_192 : i32 to index
        %get3A_194 = arith.constant 0 : index
        %get3A_195 = tpu.vector_load %arg15[%get3A_193, %get3A_194] {strides = array<i32>} : memref<128x64xf32, #tpu.memory_space<vmem>>, vector<16xf32>,
        %get3A_196 = arith.index_cast %mul3A_192 : i32 to index
        %get3A_197 = arith.constant 16 : index
        %get3A_198 = tpu.vector_load %arg15[%get3A_196, %get3A_197] {strides = array<i32>} : memref<128x64xf32, #tpu.memory_space<vmem>>, vector<16xf32>,
        %get3A_199 = arith.index_cast %mul3A_192 : i32 to index
        %get3A_200 = arith.constant 32 : index
        %get3A_201 = tpu.vector_load %arg15[%get3A_199, %get3A_200] {strides = array<i32>} : memref<128x64xf32, #tpu.memory_space<vmem>>, vector<16xf32>,
        %get3A_202 = arith.index_cast %mul3A_192 : i32 to index
        %get3A_203 = arith.constant 48 : index
        %get3A_204 = tpu.vector_load %arg15[%get3A_202, %get3A_203] {strides = array<i32>} : memref<128x64xf32, #tpu.memory_space<vmem>>, vector<16xf32>,
        %sub3A = arith.subf %get3A_137, %get3A_195 : vector<16xf32>
        %abs3A = math.absf %sub3A : vector<16xf32>
        %sub3A_205 = arith.subf %get3A_140, %get3A_198 : vector<16xf32>
        %abs3A_206 = math.absf %sub3A_205 : vector<16xf32>
        %add3A_207 = arith.addf %abs3A, %abs3A_206 : vector<16xf32>
        %sub3A_208 = arith.subf %get3A_143, %get3A_201 : vector<16xf32>
        %abs3A_209 = math.absf %sub3A_208 : vector<16xf32>
        %add3A_210 = arith.addf %add3A_207, %abs3A_209 : vector<16xf32>
        %sub3A_211 = arith.subf %get3A_146, %get3A_204 : vector<16xf32>
        %abs3A_212 = math.absf %sub3A_211 : vector<16xf32>
        %add3A_213 = arith.addf %add3A_210, %abs3A_212 : vector<16xf32>
        %add3A_214 = arith.constant 1 : i32
        %add3A_215 = arith.addi %mul3A_192, %add3A_214 : i32
        %get3A_216 = arith.index_cast %add3A_215 : i32 to index
        %get3A_217 = arith.constant 0 : index
        %get3A_218 = tpu.vector_load %arg15[%get3A_216, %get3A_217] {strides = array<i32>} : memref<128x64xf32, #tpu.memory_space<vmem>>, vector<16xf32>,
        %get3A_219 = arith.index_cast %add3A_215 : i32 to index
        %get3A_220 = arith.constant 16 : index
        %get3A_221 = tpu.vector_load %arg15[%get3A_219, %get3A_220] {strides = array<i32>} : memref<128x64xf32, #tpu.memory_space<vmem>>, vector<16xf32>,
        %get3A_222 = arith.index_cast %add3A_215 : i32 to index
        %get3A_223 = arith.constant 32 : index
        %get3A_224 = tpu.vector_load %arg15[%get3A_222, %get3A_223] {strides = array<i32>} : memref<128x64xf32, #tpu.memory_space<vmem>>, vector<16xf32>,
        %get3A_225 = arith.index_cast %add3A_215 : i32 to index
        %get3A_226 = arith.constant 48 : index
        %get3A_227 = tpu.vector_load %arg15[%get3A_225, %get3A_226] {strides = array<i32>} : memref<128x64xf32, #tpu.memory_space<vmem>>, vector<16xf32>,
        %sub3A_228 = arith.subf %get3A_137, %get3A_218 : vector<16xf32>
        %abs3A_229 = math.absf %sub3A_228 : vector<16xf32>
        %sub3A_230 = arith.subf %get3A_140, %get3A_221 : vector<16xf32>
        %abs3A_231 = math.absf %sub3A_230 : vector<16xf32>
        %add3A_232 = arith.addf %abs3A_229, %abs3A_231 : vector<16xf32>
        %sub3A_233 = arith.subf %get3A_143, %get3A_224 : vector<16xf32>
        %abs3A_234 = math.absf %sub3A_233 : vector<16xf32>
        %add3A_235 = arith.addf %add3A_232, %abs3A_234 : vector<16xf32>
        %sub3A_236 = arith.subf %get3A_146, %get3A_227 : vector<16xf32>
        %abs3A_237 = math.absf %sub3A_236 : vector<16xf32>
        %add3A_238 = arith.addf %add3A_235, %abs3A_237 : vector<16xf32>
        %rev3A = arith.constant 15 : i32
        %rev3A_239 = vector.broadcast %rev3A : i32 to vector<16xi32>
        %rev3A_240 = tpu.iota {dimensions = array<i32: 0>} : vector<16xi32>
        %rev3A_241 = arith.subi %rev3A_239, %rev3A_240 : vector<16xi32>
        %rev3A_242 = tpu.dynamic_gather %add3A_213[%rev3A_241] in [0] : vector<16xf32>, vector<16xi32> -> vector<16xf32>
        %add3A_243 = arith.addf %add3A_213, %rev3A_242 : vector<16xf32>
        %rev3A_244 = arith.constant 15 : i32
        %rev3A_245 = vector.broadcast %rev3A_244 : i32 to vector<16xi32>
        %rev3A_246 = tpu.iota {dimensions = array<i32: 0>} : vector<16xi32>
        %rev3A_247 = arith.subi %rev3A_245, %rev3A_246 : vector<16xi32>
        %rev3A_248 = tpu.dynamic_gather %add3A_238[%rev3A_247] in [0] : vector<16xf32>, vector<16xi32> -> vector<16xf32>
        %add3A_249 = arith.addf %add3A_238, %rev3A_248 : vector<16xf32>
        %sub3A_250 = arith.constant 1.500000e+00 : f32
        %sub3A_251 = vector.broadcast %sub3A_250 : f32 to vector<16xf32>
        %sub3A_252 = arith.subf %sub3A_251, %add3A_243 : vector<16xf32>
        %sub3A_253 = arith.constant 1.500000e+00 : f32
        %sub3A_254 = vector.broadcast %sub3A_253 : f32 to vector<16xf32>
        %sub3A_255 = arith.subf %sub3A_254, %add3A_249 : vector<16xf32>
        %select_n3A = arith.select %lt3A_26, %sub3A_252, %sub3A_255 : vector<16xi1>, vector<16xf32>
        %broadcast_in_dim3A_256 = arith.constant true
        %broadcast_in_dim3A_257 = vector.broadcast %broadcast_in_dim3A_256 : i1 to vector<16xi1>
        %masked_cumsum3A = tpu.scan <sum>, %select_n3A masked %broadcast_in_dim3A_257 : vector<16xf32>, vector<16xi1> -> vector<16xf32>
        %broadcast_in_dim3A_258 = vector.broadcast %mul3A_192 : i32 to vector<16xi32>
        %add3A_259 = arith.addi %broadcast_in_dim3A_258, %convert_element_type3A : vector<16xi32>
        tpu.vector_store_idx %arg17[%broadcast_in_dim3A_147, %add3A_259], %masked_cumsum3A masked %or3A : memref<128x128xf32, #tpu.memory_space<vmem>>[vector<16xi32>, vector<16xi32>], vector<16xf32>, vector<16xi1>
        %add3A_260 = arith.constant 1 : i32
        %add3A_261 = arith.addi %mul3A_192, %add3A_260 : i32
        %broadcast_in_dim3A_262 = vector.broadcast %add3A_261 : i32 to vector<16xi32>
        %neg3A = arith.constant 0.000000e+00 : f32
        %neg3A_263 = vector.broadcast %neg3A : f32 to vector<16xf32>
        %neg3A_264 = arith.subf %neg3A_263, %masked_cumsum3A : vector<16xf32>
        tpu.vector_store_idx %arg17[%broadcast_in_dim3A_147, %broadcast_in_dim3A_262], %neg3A_264 masked %eq3A_21 {add = true} : memref<128x128xf32, #tpu.memory_space<vmem>>[vector<16xi32>, vector<16xi32>], vector<16xf32>, vector<16xi1>
        %scan3A_265 = arith.constant 1 : i32
        %scan3A_266 = arith.addi %scan3A_190, %scan3A_265 : i32
        %mul3A_267 = arith.constant 2 : i32
        %mul3A_268 = arith.muli %mul3A_267, %scan3A_266 : i32
        %get3A_269 = arith.index_cast %mul3A_268 : i32 to index
        %get3A_270 = arith.constant 0 : index
        %get3A_271 = tpu.vector_load %arg15[%get3A_269, %get3A_270] {strides = array<i32>} : memref<128x64xf32, #tpu.memory_space<vmem>>, vector<16xf32>,
        %get3A_272 = arith.index_cast %mul3A_268 : i32 to index
        %get3A_273 = arith.constant 16 : index
        %get3A_274 = tpu.vector_load %arg15[%get3A_272, %get3A_273] {strides = array<i32>} : memref<128x64xf32, #tpu.memory_space<vmem>>, vector<16xf32>,
        %get3A_275 = arith.index_cast %mul3A_268 : i32 to index
        %get3A_276 = arith.constant 32 : index
        %get3A_277 = tpu.vector_load %arg15[%get3A_275, %get3A_276] {strides = array<i32>} : memref<128x64xf32, #tpu.memory_space<vmem>>, vector<16xf32>,
        %get3A_278 = arith.index_cast %mul3A_268 : i32 to index
        %get3A_279 = arith.constant 48 : index
        %get3A_280 = tpu.vector_load %arg15[%get3A_278, %get3A_279] {strides = array<i32>} : memref<128x64xf32, #tpu.memory_space<vmem>>, vector<16xf32>,
        %sub3A_281 = arith.subf %get3A_137, %get3A_271 : vector<16xf32>
        %abs3A_282 = math.absf %sub3A_281 : vector<16xf32>
        %sub3A_283 = arith.subf %get3A_140, %get3A_274 : vector<16xf32>
        %abs3A_284 = math.absf %sub3A_283 : vector<16xf32>
        %add3A_285 = arith.addf %abs3A_282, %abs3A_284 : vector<16xf32>
        %sub3A_286 = arith.subf %get3A_143, %get3A_277 : vector<16xf32>
        %abs3A_287 = math.absf %sub3A_286 : vector<16xf32>
        %add3A_288 = arith.addf %add3A_285, %abs3A_287 : vector<16xf32>
        %sub3A_289 = arith.subf %get3A_146, %get3A_280 : vector<16xf32>
        %abs3A_290 = math.absf %sub3A_289 : vector<16xf32>
        %add3A_291 = arith.addf %add3A_288, %abs3A_290 : vector<16xf32>
        %add3A_292 = arith.constant 1 : i32
        %add3A_293 = arith.addi %mul3A_268, %add3A_292 : i32
        %get3A_294 = arith.index_cast %add3A_293 : i32 to index
        %get3A_295 = arith.constant 0 : index
        %get3A_296 = tpu.vector_load %arg15[%get3A_294, %get3A_295] {strides = array<i32>} : memref<128x64xf32, #tpu.memory_space<vmem>>, vector<16xf32>,
        %get3A_297 = arith.index_cast %add3A_293 : i32 to index
        %get3A_298 = arith.constant 16 : index
        %get3A_299 = tpu.vector_load %arg15[%get3A_297, %get3A_298] {strides = array<i32>} : memref<128x64xf32, #tpu.memory_space<vmem>>, vector<16xf32>,
        %get3A_300 = arith.index_cast %add3A_293 : i32 to index
        %get3A_301 = arith.constant 32 : index
        %get3A_302 = tpu.vector_load %arg15[%get3A_300, %get3A_301] {strides = array<i32>} : memref<128x64xf32, #tpu.memory_space<vmem>>, vector<16xf32>,
        %get3A_303 = arith.index_cast %add3A_293 : i32 to index
        %get3A_304 = arith.constant 48 : index
        %get3A_305 = tpu.vector_load %arg15[%get3A_303, %get3A_304] {strides = array<i32>} : memref<128x64xf32, #tpu.memory_space<vmem>>, vector<16xf32>,
        %sub3A_306 = arith.subf %get3A_137, %get3A_296 : vector<16xf32>
        %abs3A_307 = math.absf %sub3A_306 : vector<16xf32>
        %sub3A_308 = arith.subf %get3A_140, %get3A_299 : vector<16xf32>
        %abs3A_309 = math.absf %sub3A_308 : vector<16xf32>
        %add3A_310 = arith.addf %abs3A_307, %abs3A_309 : vector<16xf32>
        %sub3A_311 = arith.subf %get3A_143, %get3A_302 : vector<16xf32>
        %abs3A_312 = math.absf %sub3A_311 : vector<16xf32>
        %add3A_313 = arith.addf %add3A_310, %abs3A_312 : vector<16xf32>
        %sub3A_314 = arith.subf %get3A_146, %get3A_305 : vector<16xf32>
        %abs3A_315 = math.absf %sub3A_314 : vector<16xf32>
        %add3A_316 = arith.addf %add3A_313, %abs3A_315 : vector<16xf32>
        %rev3A_317 = arith.constant 15 : i32
        %rev3A_318 = vector.broadcast %rev3A_317 : i32 to vector<16xi32>
        %rev3A_319 = tpu.iota {dimensions = array<i32: 0>} : vector<16xi32>
        %rev3A_320 = arith.subi %rev3A_318, %rev3A_319 : vector<16xi32>
        %rev3A_321 = tpu.dynamic_gather %add3A_291[%rev3A_320] in [0] : vector<16xf32>, vector<16xi32> -> vector<16xf32>
        %add3A_322 = arith.addf %add3A_291, %rev3A_321 : vector<16xf32>
        %rev3A_323 = arith.constant 15 : i32
        %rev3A_324 = vector.broadcast %rev3A_323 : i32 to vector<16xi32>
        %rev3A_325 = tpu.iota {dimensions = array<i32: 0>} : vector<16xi32>
        %rev3A_326 = arith.subi %rev3A_324, %rev3A_325 : vector<16xi32>
        %rev3A_327 = tpu.dynamic_gather %add3A_316[%rev3A_326] in [0] : vector<16xf32>, vector<16xi32> -> vector<16xf32>
        %add3A_328 = arith.addf %add3A_316, %rev3A_327 : vector<16xf32>
        %sub3A_329 = arith.constant 1.500000e+00 : f32
        %sub3A_330 = vector.broadcast %sub3A_329 : f32 to vector<16xf32>
        %sub3A_331 = arith.subf %sub3A_330, %add3A_322 : vector<16xf32>
        %sub3A_332 = arith.constant 1.500000e+00 : f32
        %sub3A_333 = vector.broadcast %sub3A_332 : f32 to vector<16xf32>
        %sub3A_334 = arith.subf %sub3A_333, %add3A_328 : vector<16xf32>
        %select_n3A_335 = arith.select %lt3A_26, %sub3A_331, %sub3A_334 : vector<16xi1>, vector<16xf32>
        %broadcast_in_dim3A_336 = arith.constant true
        %broadcast_in_dim3A_337 = vector.broadcast %broadcast_in_dim3A_336 : i1 to vector<16xi1>
        %masked_cumsum3A_338 = tpu.scan <sum>, %select_n3A_335 masked %broadcast_in_dim3A_337 : vector<16xf32>, vector<16xi1> -> vector<16xf32>
        %broadcast_in_dim3A_339 = vector.broadcast %mul3A_268 : i32 to vector<16xi32>
        %add3A_340 = arith.addi %broadcast_in_dim3A_339, %convert_element_type3A : vector<16xi32>
        tpu.vector_store_idx %arg17[%broadcast_in_dim3A_147, %add3A_340], %masked_cumsum3A_338 masked %or3A : memref<128x128xf32, #tpu.memory_space<vmem>>[vector<16xi32>, vector<16xi32>], vector<16xf32>, vector<16xi1>
        %add3A_341 = arith.constant 1 : i32
        %add3A_342 = arith.addi %mul3A_268, %add3A_341 : i32
        %broadcast_in_dim3A_343 = vector.broadcast %add3A_342 : i32 to vector<16xi32>
        %neg3A_344 = arith.constant 0.000000e+00 : f32
        %neg3A_345 = vector.broadcast %neg3A_344 : f32 to vector<16xf32>
        %neg3A_346 = arith.subf %neg3A_345, %masked_cumsum3A_338 : vector<16xf32>
        tpu.vector_store_idx %arg17[%broadcast_in_dim3A_147, %broadcast_in_dim3A_343], %neg3A_346 masked %eq3A_21 {add = true} : memref<128x128xf32, #tpu.memory_space<vmem>>[vector<16xi32>, vector<16xi32>], vector<16xf32>, vector<16xi1>
        %scan3A_347 = arith.constant 2 : i32
        %scan3A_348 = arith.addi %scan3A_190, %scan3A_347 : i32
        %mul3A_349 = arith.constant 2 : i32
        %mul3A_350 = arith.muli %mul3A_349, %scan3A_348 : i32
        %get3A_351 = arith.index_cast %mul3A_350 : i32 to index
        %get3A_352 = arith.constant 0 : index
        %get3A_353 = tpu.vector_load %arg15[%get3A_351, %get3A_352] {strides = array<i32>} : memref<128x64xf32, #tpu.memory_space<vmem>>, vector<16xf32>,
        %get3A_354 = arith.index_cast %mul3A_350 : i32 to index
        %get3A_355 = arith.constant 16 : index
        %get3A_356 = tpu.vector_load %arg15[%get3A_354, %get3A_355] {strides = array<i32>} : memref<128x64xf32, #tpu.memory_space<vmem>>, vector<16xf32>,
        %get3A_357 = arith.index_cast %mul3A_350 : i32 to index
        %get3A_358 = arith.constant 32 : index
        %get3A_359 = tpu.vector_load %arg15[%get3A_357, %get3A_358] {strides = array<i32>} : memref<128x64xf32, #tpu.memory_space<vmem>>, vector<16xf32>,
        %get3A_360 = arith.index_cast %mul3A_350 : i32 to index
        %get3A_361 = arith.constant 48 : index
        %get3A_362 = tpu.vector_load %arg15[%get3A_360, %get3A_361] {strides = array<i32>} : memref<128x64xf32, #tpu.memory_space<vmem>>, vector<16xf32>,
        %sub3A_363 = arith.subf %get3A_137, %get3A_353 : vector<16xf32>
        %abs3A_364 = math.absf %sub3A_363 : vector<16xf32>
        %sub3A_365 = arith.subf %get3A_140, %get3A_356 : vector<16xf32>
        %abs3A_366 = math.absf %sub3A_365 : vector<16xf32>
        %add3A_367 = arith.addf %abs3A_364, %abs3A_366 : vector<16xf32>
        %sub3A_368 = arith.subf %get3A_143, %get3A_359 : vector<16xf32>
        %abs3A_369 = math.absf %sub3A_368 : vector<16xf32>
        %add3A_370 = arith.addf %add3A_367, %abs3A_369 : vector<16xf32>
        %sub3A_371 = arith.subf %get3A_146, %get3A_362 : vector<16xf32>
        %abs3A_372 = math.absf %sub3A_371 : vector<16xf32>
        %add3A_373 = arith.addf %add3A_370, %abs3A_372 : vector<16xf32>
        %add3A_374 = arith.constant 1 : i32
        %add3A_375 = arith.addi %mul3A_350, %add3A_374 : i32
        %get3A_376 = arith.index_cast %add3A_375 : i32 to index
        %get3A_377 = arith.constant 0 : index
        %get3A_378 = tpu.vector_load %arg15[%get3A_376, %get3A_377] {strides = array<i32>} : memref<128x64xf32, #tpu.memory_space<vmem>>, vector<16xf32>,
        %get3A_379 = arith.index_cast %add3A_375 : i32 to index
        %get3A_380 = arith.constant 16 : index
        %get3A_381 = tpu.vector_load %arg15[%get3A_379, %get3A_380] {strides = array<i32>} : memref<128x64xf32, #tpu.memory_space<vmem>>, vector<16xf32>,
        %get3A_382 = arith.index_cast %add3A_375 : i32 to index
        %get3A_383 = arith.constant 32 : index
        %get3A_384 = tpu.vector_load %arg15[%get3A_382, %get3A_383] {strides = array<i32>} : memref<128x64xf32, #tpu.memory_space<vmem>>, vector<16xf32>,
        %get3A_385 = arith.index_cast %add3A_375 : i32 to index
        %get3A_386 = arith.constant 48 : index
        %get3A_387 = tpu.vector_load %arg15[%get3A_385, %get3A_386] {strides = array<i32>} : memref<128x64xf32, #tpu.memory_space<vmem>>, vector<16xf32>,
        %sub3A_388 = arith.subf %get3A_137, %get3A_378 : vector<16xf32>
        %abs3A_389 = math.absf %sub3A_388 : vector<16xf32>
        %sub3A_390 = arith.subf %get3A_140, %get3A_381 : vector<16xf32>
        %abs3A_391 = math.absf %sub3A_390 : vector<16xf32>
        %add3A_392 = arith.addf %abs3A_389, %abs3A_391 : vector<16xf32>
        %sub3A_393 = arith.subf %get3A_143, %get3A_384 : vector<16xf32>
        %abs3A_394 = math.absf %sub3A_393 : vector<16xf32>
        %add3A_395 = arith.addf %add3A_392, %abs3A_394 : vector<16xf32>
        %sub3A_396 = arith.subf %get3A_146, %get3A_387 : vector<16xf32>
        %abs3A_397 = math.absf %sub3A_396 : vector<16xf32>
        %add3A_398 = arith.addf %add3A_395, %abs3A_397 : vector<16xf32>
        %rev3A_399 = arith.constant 15 : i32
        %rev3A_400 = vector.broadcast %rev3A_399 : i32 to vector<16xi32>
        %rev3A_401 = tpu.iota {dimensions = array<i32: 0>} : vector<16xi32>
        %rev3A_402 = arith.subi %rev3A_400, %rev3A_401 : vector<16xi32>
        %rev3A_403 = tpu.dynamic_gather %add3A_373[%rev3A_402] in [0] : vector<16xf32>, vector<16xi32> -> vector<16xf32>
        %add3A_404 = arith.addf %add3A_373, %rev3A_403 : vector<16xf32>
        %rev3A_405 = arith.constant 15 : i32
        %rev3A_406 = vector.broadcast %rev3A_405 : i32 to vector<16xi32>
        %rev3A_407 = tpu.iota {dimensions = array<i32: 0>} : vector<16xi32>
        %rev3A_408 = arith.subi %rev3A_406, %rev3A_407 : vector<16xi32>
        %rev3A_409 = tpu.dynamic_gather %add3A_398[%rev3A_408] in [0] : vector<16xf32>, vector<16xi32> -> vector<16xf32>
        %add3A_410 = arith.addf %add3A_398, %rev3A_409 : vector<16xf32>
        %sub3A_411 = arith.constant 1.500000e+00 : f32
        %sub3A_412 = vector.broadcast %sub3A_411 : f32 to vector<16xf32>
        %sub3A_413 = arith.subf %sub3A_412, %add3A_404 : vector<16xf32>
        %sub3A_414 = arith.constant 1.500000e+00 : f32
        %sub3A_415 = vector.broadcast %sub3A_414 : f32 to vector<16xf32>
        %sub3A_416 = arith.subf %sub3A_415, %add3A_410 : vector<16xf32>
        %select_n3A_417 = arith.select %lt3A_26, %sub3A_413, %sub3A_416 : vector<16xi1>, vector<16xf32>
        %broadcast_in_dim3A_418 = arith.constant true
        %broadcast_in_dim3A_419 = vector.broadcast %broadcast_in_dim3A_418 : i1 to vector<16xi1>
        %masked_cumsum3A_420 = tpu.scan <sum>, %select_n3A_417 masked %broadcast_in_dim3A_419 : vector<16xf32>, vector<16xi1> -> vector<16xf32>
        %broadcast_in_dim3A_421 = vector.broadcast %mul3A_350 : i32 to vector<16xi32>
        %add3A_422 = arith.addi %broadcast_in_dim3A_421, %convert_element_type3A : vector<16xi32>
        tpu.vector_store_idx %arg17[%broadcast_in_dim3A_147, %add3A_422], %masked_cumsum3A_420 masked %or3A : memref<128x128xf32, #tpu.memory_space<vmem>>[vector<16xi32>, vector<16xi32>], vector<16xf32>, vector<16xi1>
        %add3A_423 = arith.constant 1 : i32
        %add3A_424 = arith.addi %mul3A_350, %add3A_423 : i32
        %broadcast_in_dim3A_425 = vector.broadcast %add3A_424 : i32 to vector<16xi32>
        %neg3A_426 = arith.constant 0.000000e+00 : f32
        %neg3A_427 = vector.broadcast %neg3A_426 : f32 to vector<16xf32>
        %neg3A_428 = arith.subf %neg3A_427, %masked_cumsum3A_420 : vector<16xf32>
        tpu.vector_store_idx %arg17[%broadcast_in_dim3A_147, %broadcast_in_dim3A_425], %neg3A_428 masked %eq3A_21 {add = true} : memref<128x128xf32, #tpu.memory_space<vmem>>[vector<16xi32>, vector<16xi32>], vector<16xf32>, vector<16xi1>
        %scan3A_429 = arith.constant 3 : i32
        %scan3A_430 = arith.addi %scan3A_190, %scan3A_429 : i32
        %mul3A_431 = arith.constant 2 : i32
        %mul3A_432 = arith.muli %mul3A_431, %scan3A_430 : i32
        %get3A_433 = arith.index_cast %mul3A_432 : i32 to index
        %get3A_434 = arith.constant 0 : index
        %get3A_435 = tpu.vector_load %arg15[%get3A_433, %get3A_434] {strides = array<i32>} : memref<128x64xf32, #tpu.memory_space<vmem>>, vector<16xf32>,
        %get3A_436 = arith.index_cast %mul3A_432 : i32 to index
        %get3A_437 = arith.constant 16 : index
        %get3A_438 = tpu.vector_load %arg15[%get3A_436, %get3A_437] {strides = array<i32>} : memref<128x64xf32, #tpu.memory_space<vmem>>, vector<16xf32>,
        %get3A_439 = arith.index_cast %mul3A_432 : i32 to index
        %get3A_440 = arith.constant 32 : index
        %get3A_441 = tpu.vector_load %arg15[%get3A_439, %get3A_440] {strides = array<i32>} : memref<128x64xf32, #tpu.memory_space<vmem>>, vector<16xf32>,
        %get3A_442 = arith.index_cast %mul3A_432 : i32 to index
        %get3A_443 = arith.constant 48 : index
        %get3A_444 = tpu.vector_load %arg15[%get3A_442, %get3A_443] {strides = array<i32>} : memref<128x64xf32, #tpu.memory_space<vmem>>, vector<16xf32>,
        %sub3A_445 = arith.subf %get3A_137, %get3A_435 : vector<16xf32>
        %abs3A_446 = math.absf %sub3A_445 : vector<16xf32>
        %sub3A_447 = arith.subf %get3A_140, %get3A_438 : vector<16xf32>
        %abs3A_448 = math.absf %sub3A_447 : vector<16xf32>
        %add3A_449 = arith.addf %abs3A_446, %abs3A_448 : vector<16xf32>
        %sub3A_450 = arith.subf %get3A_143, %get3A_441 : vector<16xf32>
        %abs3A_451 = math.absf %sub3A_450 : vector<16xf32>
        %add3A_452 = arith.addf %add3A_449, %abs3A_451 : vector<16xf32>
        %sub3A_453 = arith.subf %get3A_146, %get3A_444 : vector<16xf32>
        %abs3A_454 = math.absf %sub3A_453 : vector<16xf32>
        %add3A_455 = arith.addf %add3A_452, %abs3A_454 : vector<16xf32>
        %add3A_456 = arith.constant 1 : i32
        %add3A_457 = arith.addi %mul3A_432, %add3A_456 : i32
        %get3A_458 = arith.index_cast %add3A_457 : i32 to index
        %get3A_459 = arith.constant 0 : index
        %get3A_460 = tpu.vector_load %arg15[%get3A_458, %get3A_459] {strides = array<i32>} : memref<128x64xf32, #tpu.memory_space<vmem>>, vector<16xf32>,
        %get3A_461 = arith.index_cast %add3A_457 : i32 to index
        %get3A_462 = arith.constant 16 : index
        %get3A_463 = tpu.vector_load %arg15[%get3A_461, %get3A_462] {strides = array<i32>} : memref<128x64xf32, #tpu.memory_space<vmem>>, vector<16xf32>,
        %get3A_464 = arith.index_cast %add3A_457 : i32 to index
        %get3A_465 = arith.constant 32 : index
        %get3A_466 = tpu.vector_load %arg15[%get3A_464, %get3A_465] {strides = array<i32>} : memref<128x64xf32, #tpu.memory_space<vmem>>, vector<16xf32>,
        %get3A_467 = arith.index_cast %add3A_457 : i32 to index
        %get3A_468 = arith.constant 48 : index
        %get3A_469 = tpu.vector_load %arg15[%get3A_467, %get3A_468] {strides = array<i32>} : memref<128x64xf32, #tpu.memory_space<vmem>>, vector<16xf32>,
        %sub3A_470 = arith.subf %get3A_137, %get3A_460 : vector<16xf32>
        %abs3A_471 = math.absf %sub3A_470 : vector<16xf32>
        %sub3A_472 = arith.subf %get3A_140, %get3A_463 : vector<16xf32>
        %abs3A_473 = math.absf %sub3A_472 : vector<16xf32>
        %add3A_474 = arith.addf %abs3A_471, %abs3A_473 : vector<16xf32>
        %sub3A_475 = arith.subf %get3A_143, %get3A_466 : vector<16xf32>
        %abs3A_476 = math.absf %sub3A_475 : vector<16xf32>
        %add3A_477 = arith.addf %add3A_474, %abs3A_476 : vector<16xf32>
        %sub3A_478 = arith.subf %get3A_146, %get3A_469 : vector<16xf32>
        %abs3A_479 = math.absf %sub3A_478 : vector<16xf32>
        %add3A_480 = arith.addf %add3A_477, %abs3A_479 : vector<16xf32>
        %rev3A_481 = arith.constant 15 : i32
        %rev3A_482 = vector.broadcast %rev3A_481 : i32 to vector<16xi32>
        %rev3A_483 = tpu.iota {dimensions = array<i32: 0>} : vector<16xi32>
        %rev3A_484 = arith.subi %rev3A_482, %rev3A_483 : vector<16xi32>
        %rev3A_485 = tpu.dynamic_gather %add3A_455[%rev3A_484] in [0] : vector<16xf32>, vector<16xi32> -> vector<16xf32>
        %add3A_486 = arith.addf %add3A_455, %rev3A_485 : vector<16xf32>
        %rev3A_487 = arith.constant 15 : i32
        %rev3A_488 = vector.broadcast %rev3A_487 : i32 to vector<16xi32>
        %rev3A_489 = tpu.iota {dimensions = array<i32: 0>} : vector<16xi32>
        %rev3A_490 = arith.subi %rev3A_488, %rev3A_489 : vector<16xi32>
        %rev3A_491 = tpu.dynamic_gather %add3A_480[%rev3A_490] in [0] : vector<16xf32>, vector<16xi32> -> vector<16xf32>
        %add3A_492 = arith.addf %add3A_480, %rev3A_491 : vector<16xf32>
        %sub3A_493 = arith.constant 1.500000e+00 : f32
        %sub3A_494 = vector.broadcast %sub3A_493 : f32 to vector<16xf32>
        %sub3A_495 = arith.subf %sub3A_494, %add3A_486 : vector<16xf32>
        %sub3A_496 = arith.constant 1.500000e+00 : f32
        %sub3A_497 = vector.broadcast %sub3A_496 : f32 to vector<16xf32>
        %sub3A_498 = arith.subf %sub3A_497, %add3A_492 : vector<16xf32>
        %select_n3A_499 = arith.select %lt3A_26, %sub3A_495, %sub3A_498 : vector<16xi1>, vector<16xf32>
        %broadcast_in_dim3A_500 = arith.constant true
        %broadcast_in_dim3A_501 = vector.broadcast %broadcast_in_dim3A_500 : i1 to vector<16xi1>
        %masked_cumsum3A_502 = tpu.scan <sum>, %select_n3A_499 masked %broadcast_in_dim3A_501 : vector<16xf32>, vector<16xi1> -> vector<16xf32>
        %broadcast_in_dim3A_503 = vector.broadcast %mul3A_432 : i32 to vector<16xi32>
        %add3A_504 = arith.addi %broadcast_in_dim3A_503, %convert_element_type3A : vector<16xi32>
        tpu.vector_store_idx %arg17[%broadcast_in_dim3A_147, %add3A_504], %masked_cumsum3A_502 masked %or3A : memref<128x128xf32, #tpu.memory_space<vmem>>[vector<16xi32>, vector<16xi32>], vector<16xf32>, vector<16xi1>
        %add3A_505 = arith.constant 1 : i32
        %add3A_506 = arith.addi %mul3A_432, %add3A_505 : i32
        %broadcast_in_dim3A_507 = vector.broadcast %add3A_506 : i32 to vector<16xi32>
        %neg3A_508 = arith.constant 0.000000e+00 : f32
        %neg3A_509 = vector.broadcast %neg3A_508 : f32 to vector<16xf32>
        %neg3A_510 = arith.subf %neg3A_509, %masked_cumsum3A_502 : vector<16xf32>
        tpu.vector_store_idx %arg17[%broadcast_in_dim3A_147, %broadcast_in_dim3A_507], %neg3A_510 masked %eq3A_21 {add = true} : memref<128x128xf32, #tpu.memory_space<vmem>>[vector<16xi32>, vector<16xi32>], vector<16xf32>, vector<16xi1>
      }
      %scan3A_153 = arith.constant 64 : i32
      %mul3A_154 = arith.constant 4 : i32
      %mul3A_155 = arith.muli %mul3A_154, %scan3A_48 : i32
      %add3A_156 = arith.constant 3 : i32
      %add3A_157 = arith.addi %mul3A_155, %add3A_156 : i32
      %add3A_158 = arith.constant 3 : i32
      %add3A_159 = arith.addi %add3A_157, %add3A_158 : i32
      %lt3A_160 = arith.constant 128 : i32
      %lt3A_161 = arith.cmpi slt, %add3A_159, %lt3A_160 : i32
      %convert_element_type3A_162 = arith.extui %lt3A_161 : i1 to i32
      %cond3A_163 = arith.constant 0 : i32
      %cond3A_164 = arith.cmpi ne, %convert_element_type3A_162, %cond3A_163 : i32
      scf.if %cond3A_164 {
        %add3A_190 = arith.constant 3 : i32
        %add3A_191 = arith.addi %add3A_157, %add3A_190 : i32
        %mul3A_192 = arith.constant 128 : i32
        %mul3A_193 = arith.muli %add3A_191, %mul3A_192 : i32
        %dma_start3A_194 = tpu.memref_slice %arg8[%mul3A_193] : memref<16384xi32, #tpu.memory_space<vmem>> -> memref<128xi32, #tpu.memory_space<vmem>>
        %dma_start3A_195 = arith.constant 0 : i32
        %dma_start3A_196 = arith.constant 0 : i32
        %dma_start3A_197 = tpu.memref_slice %arg5[%dma_start3A_195, %dma_start3A_196] : memref<2000000x64xf32, #tpu.memory_space<hbm>> -> memref<2000000x64xf32, #tpu.memory_space<hbm>>
        tpu.enqueue_indirect_dma source(%dma_start3A_197 : memref<2000000x64xf32, #tpu.memory_space<hbm>>) target(%arg15 : memref<128x64xf32, #tpu.memory_space<vmem>>) offsets(%dma_start3A_194 : memref<128xi32, #tpu.memory_space<vmem>>) semaphore(%arg20 : memref<!tpu.dma_semaphore, #tpu.memory_space<semaphore_mem>>)
      } else {
      }
      %mul3A_165 = arith.constant 128 : i32
      %mul3A_166 = arith.muli %add3A_157, %mul3A_165 : i32
      %dma_wait3A_167 = tpu.memref_slice %arg8[%mul3A_166] : memref<16384xi32, #tpu.memory_space<vmem>> -> memref<128xi32, #tpu.memory_space<vmem>>
      %dma_wait3A_168 = arith.constant 0 : i32
      %dma_wait3A_169 = arith.constant 0 : i32
      %dma_wait3A_170 = tpu.memref_slice %arg5[%dma_wait3A_168, %dma_wait3A_169] : memref<2000000x64xf32, #tpu.memory_space<hbm>> -> memref<2000000x64xf32, #tpu.memory_space<hbm>>
      tpu.wait_indirect_dma semaphore(%arg21 : memref<!tpu.dma_semaphore, #tpu.memory_space<semaphore_mem>>) src(%dma_wait3A_170 : memref<2000000x64xf32, #tpu.memory_space<hbm>>) dst(%arg16 : memref<128x64xf32, #tpu.memory_space<vmem>>)
      %get3A_171 = arith.index_cast %add3A_157 : i32 to index
      %get3A_172 = arith.constant 0 : index
      %get3A_173 = tpu.vector_load %arg11[%get3A_171, %get3A_172] {strides = array<i32>} : memref<128x64xf32, #tpu.memory_space<vmem>>, vector<16xf32>,
      %get3A_174 = arith.index_cast %add3A_157 : i32 to index
      %get3A_175 = arith.constant 16 : index
      %get3A_176 = tpu.vector_load %arg11[%get3A_174, %get3A_175] {strides = array<i32>} : memref<128x64xf32, #tpu.memory_space<vmem>>, vector<16xf32>,
      %get3A_177 = arith.index_cast %add3A_157 : i32 to index
      %get3A_178 = arith.constant 32 : index
      %get3A_179 = tpu.vector_load %arg11[%get3A_177, %get3A_178] {strides = array<i32>} : memref<128x64xf32, #tpu.memory_space<vmem>>, vector<16xf32>,
      %get3A_180 = arith.index_cast %add3A_157 : i32 to index
      %get3A_181 = arith.constant 48 : index
      %get3A_182 = tpu.vector_load %arg11[%get3A_180, %get3A_181] {strides = array<i32>} : memref<128x64xf32, #tpu.memory_space<vmem>>, vector<16xf32>,
      %broadcast_in_dim3A_183 = vector.broadcast %add3A_157 : i32 to vector<16xi32>
      %scan3A_184 = arith.constant 0 : i32
      %scan3A_185 = arith.constant 0 : i32
      %scan3A_186 = arith.constant 64 : i32
      %scan3A_187 = arith.addi %scan3A_185, %scan3A_186 : i32
      %scan3A_188 = arith.constant 4 : i32
      scf.for %scan3A_190 = %scan3A_185 to %scan3A_187 step %scan3A_188  : i32 {
        %mul3A_191 = arith.constant 2 : i32
        %mul3A_192 = arith.muli %mul3A_191, %scan3A_190 : i32
        %get3A_193 = arith.index_cast %mul3A_192 : i32 to index
        %get3A_194 = arith.constant 0 : index
        %get3A_195 = tpu.vector_load %arg16[%get3A_193, %get3A_194] {strides = array<i32>} : memref<128x64xf32, #tpu.memory_space<vmem>>, vector<16xf32>,
        %get3A_196 = arith.index_cast %mul3A_192 : i32 to index
        %get3A_197 = arith.constant 16 : index
        %get3A_198 = tpu.vector_load %arg16[%get3A_196, %get3A_197] {strides = array<i32>} : memref<128x64xf32, #tpu.memory_space<vmem>>, vector<16xf32>,
        %get3A_199 = arith.index_cast %mul3A_192 : i32 to index
        %get3A_200 = arith.constant 32 : index
        %get3A_201 = tpu.vector_load %arg16[%get3A_199, %get3A_200] {strides = array<i32>} : memref<128x64xf32, #tpu.memory_space<vmem>>, vector<16xf32>,
        %get3A_202 = arith.index_cast %mul3A_192 : i32 to index
        %get3A_203 = arith.constant 48 : index
        %get3A_204 = tpu.vector_load %arg16[%get3A_202, %get3A_203] {strides = array<i32>} : memref<128x64xf32, #tpu.memory_space<vmem>>, vector<16xf32>,
        %sub3A = arith.subf %get3A_173, %get3A_195 : vector<16xf32>
        %abs3A = math.absf %sub3A : vector<16xf32>
        %sub3A_205 = arith.subf %get3A_176, %get3A_198 : vector<16xf32>
        %abs3A_206 = math.absf %sub3A_205 : vector<16xf32>
        %add3A_207 = arith.addf %abs3A, %abs3A_206 : vector<16xf32>
        %sub3A_208 = arith.subf %get3A_179, %get3A_201 : vector<16xf32>
        %abs3A_209 = math.absf %sub3A_208 : vector<16xf32>
        %add3A_210 = arith.addf %add3A_207, %abs3A_209 : vector<16xf32>
        %sub3A_211 = arith.subf %get3A_182, %get3A_204 : vector<16xf32>
        %abs3A_212 = math.absf %sub3A_211 : vector<16xf32>
        %add3A_213 = arith.addf %add3A_210, %abs3A_212 : vector<16xf32>
        %add3A_214 = arith.constant 1 : i32
        %add3A_215 = arith.addi %mul3A_192, %add3A_214 : i32
        %get3A_216 = arith.index_cast %add3A_215 : i32 to index
        %get3A_217 = arith.constant 0 : index
        %get3A_218 = tpu.vector_load %arg16[%get3A_216, %get3A_217] {strides = array<i32>} : memref<128x64xf32, #tpu.memory_space<vmem>>, vector<16xf32>,
        %get3A_219 = arith.index_cast %add3A_215 : i32 to index
        %get3A_220 = arith.constant 16 : index
        %get3A_221 = tpu.vector_load %arg16[%get3A_219, %get3A_220] {strides = array<i32>} : memref<128x64xf32, #tpu.memory_space<vmem>>, vector<16xf32>,
        %get3A_222 = arith.index_cast %add3A_215 : i32 to index
        %get3A_223 = arith.constant 32 : index
        %get3A_224 = tpu.vector_load %arg16[%get3A_222, %get3A_223] {strides = array<i32>} : memref<128x64xf32, #tpu.memory_space<vmem>>, vector<16xf32>,
        %get3A_225 = arith.index_cast %add3A_215 : i32 to index
        %get3A_226 = arith.constant 48 : index
        %get3A_227 = tpu.vector_load %arg16[%get3A_225, %get3A_226] {strides = array<i32>} : memref<128x64xf32, #tpu.memory_space<vmem>>, vector<16xf32>,
        %sub3A_228 = arith.subf %get3A_173, %get3A_218 : vector<16xf32>
        %abs3A_229 = math.absf %sub3A_228 : vector<16xf32>
        %sub3A_230 = arith.subf %get3A_176, %get3A_221 : vector<16xf32>
        %abs3A_231 = math.absf %sub3A_230 : vector<16xf32>
        %add3A_232 = arith.addf %abs3A_229, %abs3A_231 : vector<16xf32>
        %sub3A_233 = arith.subf %get3A_179, %get3A_224 : vector<16xf32>
        %abs3A_234 = math.absf %sub3A_233 : vector<16xf32>
        %add3A_235 = arith.addf %add3A_232, %abs3A_234 : vector<16xf32>
        %sub3A_236 = arith.subf %get3A_182, %get3A_227 : vector<16xf32>
        %abs3A_237 = math.absf %sub3A_236 : vector<16xf32>
        %add3A_238 = arith.addf %add3A_235, %abs3A_237 : vector<16xf32>
        %rev3A = arith.constant 15 : i32
        %rev3A_239 = vector.broadcast %rev3A : i32 to vector<16xi32>
        %rev3A_240 = tpu.iota {dimensions = array<i32: 0>} : vector<16xi32>
        %rev3A_241 = arith.subi %rev3A_239, %rev3A_240 : vector<16xi32>
        %rev3A_242 = tpu.dynamic_gather %add3A_213[%rev3A_241] in [0] : vector<16xf32>, vector<16xi32> -> vector<16xf32>
        %add3A_243 = arith.addf %add3A_213, %rev3A_242 : vector<16xf32>
        %rev3A_244 = arith.constant 15 : i32
        %rev3A_245 = vector.broadcast %rev3A_244 : i32 to vector<16xi32>
        %rev3A_246 = tpu.iota {dimensions = array<i32: 0>} : vector<16xi32>
        %rev3A_247 = arith.subi %rev3A_245, %rev3A_246 : vector<16xi32>
        %rev3A_248 = tpu.dynamic_gather %add3A_238[%rev3A_247] in [0] : vector<16xf32>, vector<16xi32> -> vector<16xf32>
        %add3A_249 = arith.addf %add3A_238, %rev3A_248 : vector<16xf32>
        %sub3A_250 = arith.constant 1.500000e+00 : f32
        %sub3A_251 = vector.broadcast %sub3A_250 : f32 to vector<16xf32>
        %sub3A_252 = arith.subf %sub3A_251, %add3A_243 : vector<16xf32>
        %sub3A_253 = arith.constant 1.500000e+00 : f32
        %sub3A_254 = vector.broadcast %sub3A_253 : f32 to vector<16xf32>
        %sub3A_255 = arith.subf %sub3A_254, %add3A_249 : vector<16xf32>
        %select_n3A = arith.select %lt3A_26, %sub3A_252, %sub3A_255 : vector<16xi1>, vector<16xf32>
        %broadcast_in_dim3A_256 = arith.constant true
        %broadcast_in_dim3A_257 = vector.broadcast %broadcast_in_dim3A_256 : i1 to vector<16xi1>
        %masked_cumsum3A = tpu.scan <sum>, %select_n3A masked %broadcast_in_dim3A_257 : vector<16xf32>, vector<16xi1> -> vector<16xf32>
        %broadcast_in_dim3A_258 = vector.broadcast %mul3A_192 : i32 to vector<16xi32>
        %add3A_259 = arith.addi %broadcast_in_dim3A_258, %convert_element_type3A : vector<16xi32>
        tpu.vector_store_idx %arg17[%broadcast_in_dim3A_183, %add3A_259], %masked_cumsum3A masked %or3A : memref<128x128xf32, #tpu.memory_space<vmem>>[vector<16xi32>, vector<16xi32>], vector<16xf32>, vector<16xi1>
        %add3A_260 = arith.constant 1 : i32
        %add3A_261 = arith.addi %mul3A_192, %add3A_260 : i32
        %broadcast_in_dim3A_262 = vector.broadcast %add3A_261 : i32 to vector<16xi32>
        %neg3A = arith.constant 0.000000e+00 : f32
        %neg3A_263 = vector.broadcast %neg3A : f32 to vector<16xf32>
        %neg3A_264 = arith.subf %neg3A_263, %masked_cumsum3A : vector<16xf32>
        tpu.vector_store_idx %arg17[%broadcast_in_dim3A_183, %broadcast_in_dim3A_262], %neg3A_264 masked %eq3A_21 {add = true} : memref<128x128xf32, #tpu.memory_space<vmem>>[vector<16xi32>, vector<16xi32>], vector<16xf32>, vector<16xi1>
        %scan3A_265 = arith.constant 1 : i32
        %scan3A_266 = arith.addi %scan3A_190, %scan3A_265 : i32
        %mul3A_267 = arith.constant 2 : i32
        %mul3A_268 = arith.muli %mul3A_267, %scan3A_266 : i32
        %get3A_269 = arith.index_cast %mul3A_268 : i32 to index
        %get3A_270 = arith.constant 0 : index
        %get3A_271 = tpu.vector_load %arg16[%get3A_269, %get3A_270] {strides = array<i32>} : memref<128x64xf32, #tpu.memory_space<vmem>>, vector<16xf32>,
        %get3A_272 = arith.index_cast %mul3A_268 : i32 to index
        %get3A_273 = arith.constant 16 : index
        %get3A_274 = tpu.vector_load %arg16[%get3A_272, %get3A_273] {strides = array<i32>} : memref<128x64xf32, #tpu.memory_space<vmem>>, vector<16xf32>,
        %get3A_275 = arith.index_cast %mul3A_268 : i32 to index
        %get3A_276 = arith.constant 32 : index
        %get3A_277 = tpu.vector_load %arg16[%get3A_275, %get3A_276] {strides = array<i32>} : memref<128x64xf32, #tpu.memory_space<vmem>>, vector<16xf32>,
        %get3A_278 = arith.index_cast %mul3A_268 : i32 to index
        %get3A_279 = arith.constant 48 : index
        %get3A_280 = tpu.vector_load %arg16[%get3A_278, %get3A_279] {strides = array<i32>} : memref<128x64xf32, #tpu.memory_space<vmem>>, vector<16xf32>,
        %sub3A_281 = arith.subf %get3A_173, %get3A_271 : vector<16xf32>
        %abs3A_282 = math.absf %sub3A_281 : vector<16xf32>
        %sub3A_283 = arith.subf %get3A_176, %get3A_274 : vector<16xf32>
        %abs3A_284 = math.absf %sub3A_283 : vector<16xf32>
        %add3A_285 = arith.addf %abs3A_282, %abs3A_284 : vector<16xf32>
        %sub3A_286 = arith.subf %get3A_179, %get3A_277 : vector<16xf32>
        %abs3A_287 = math.absf %sub3A_286 : vector<16xf32>
        %add3A_288 = arith.addf %add3A_285, %abs3A_287 : vector<16xf32>
        %sub3A_289 = arith.subf %get3A_182, %get3A_280 : vector<16xf32>
        %abs3A_290 = math.absf %sub3A_289 : vector<16xf32>
        %add3A_291 = arith.addf %add3A_288, %abs3A_290 : vector<16xf32>
        %add3A_292 = arith.constant 1 : i32
        %add3A_293 = arith.addi %mul3A_268, %add3A_292 : i32
        %get3A_294 = arith.index_cast %add3A_293 : i32 to index
        %get3A_295 = arith.constant 0 : index
        %get3A_296 = tpu.vector_load %arg16[%get3A_294, %get3A_295] {strides = array<i32>} : memref<128x64xf32, #tpu.memory_space<vmem>>, vector<16xf32>,
        %get3A_297 = arith.index_cast %add3A_293 : i32 to index
        %get3A_298 = arith.constant 16 : index
        %get3A_299 = tpu.vector_load %arg16[%get3A_297, %get3A_298] {strides = array<i32>} : memref<128x64xf32, #tpu.memory_space<vmem>>, vector<16xf32>,
        %get3A_300 = arith.index_cast %add3A_293 : i32 to index
        %get3A_301 = arith.constant 32 : index
        %get3A_302 = tpu.vector_load %arg16[%get3A_300, %get3A_301] {strides = array<i32>} : memref<128x64xf32, #tpu.memory_space<vmem>>, vector<16xf32>,
        %get3A_303 = arith.index_cast %add3A_293 : i32 to index
        %get3A_304 = arith.constant 48 : index
        %get3A_305 = tpu.vector_load %arg16[%get3A_303, %get3A_304] {strides = array<i32>} : memref<128x64xf32, #tpu.memory_space<vmem>>, vector<16xf32>,
        %sub3A_306 = arith.subf %get3A_173, %get3A_296 : vector<16xf32>
        %abs3A_307 = math.absf %sub3A_306 : vector<16xf32>
        %sub3A_308 = arith.subf %get3A_176, %get3A_299 : vector<16xf32>
        %abs3A_309 = math.absf %sub3A_308 : vector<16xf32>
        %add3A_310 = arith.addf %abs3A_307, %abs3A_309 : vector<16xf32>
        %sub3A_311 = arith.subf %get3A_179, %get3A_302 : vector<16xf32>
        %abs3A_312 = math.absf %sub3A_311 : vector<16xf32>
        %add3A_313 = arith.addf %add3A_310, %abs3A_312 : vector<16xf32>
        %sub3A_314 = arith.subf %get3A_182, %get3A_305 : vector<16xf32>
        %abs3A_315 = math.absf %sub3A_314 : vector<16xf32>
        %add3A_316 = arith.addf %add3A_313, %abs3A_315 : vector<16xf32>
        %rev3A_317 = arith.constant 15 : i32
        %rev3A_318 = vector.broadcast %rev3A_317 : i32 to vector<16xi32>
        %rev3A_319 = tpu.iota {dimensions = array<i32: 0>} : vector<16xi32>
        %rev3A_320 = arith.subi %rev3A_318, %rev3A_319 : vector<16xi32>
        %rev3A_321 = tpu.dynamic_gather %add3A_291[%rev3A_320] in [0] : vector<16xf32>, vector<16xi32> -> vector<16xf32>
        %add3A_322 = arith.addf %add3A_291, %rev3A_321 : vector<16xf32>
        %rev3A_323 = arith.constant 15 : i32
        %rev3A_324 = vector.broadcast %rev3A_323 : i32 to vector<16xi32>
        %rev3A_325 = tpu.iota {dimensions = array<i32: 0>} : vector<16xi32>
        %rev3A_326 = arith.subi %rev3A_324, %rev3A_325 : vector<16xi32>
        %rev3A_327 = tpu.dynamic_gather %add3A_316[%rev3A_326] in [0] : vector<16xf32>, vector<16xi32> -> vector<16xf32>
        %add3A_328 = arith.addf %add3A_316, %rev3A_327 : vector<16xf32>
        %sub3A_329 = arith.constant 1.500000e+00 : f32
        %sub3A_330 = vector.broadcast %sub3A_329 : f32 to vector<16xf32>
        %sub3A_331 = arith.subf %sub3A_330, %add3A_322 : vector<16xf32>
        %sub3A_332 = arith.constant 1.500000e+00 : f32
        %sub3A_333 = vector.broadcast %sub3A_332 : f32 to vector<16xf32>
        %sub3A_334 = arith.subf %sub3A_333, %add3A_328 : vector<16xf32>
        %select_n3A_335 = arith.select %lt3A_26, %sub3A_331, %sub3A_334 : vector<16xi1>, vector<16xf32>
        %broadcast_in_dim3A_336 = arith.constant true
        %broadcast_in_dim3A_337 = vector.broadcast %broadcast_in_dim3A_336 : i1 to vector<16xi1>
        %masked_cumsum3A_338 = tpu.scan <sum>, %select_n3A_335 masked %broadcast_in_dim3A_337 : vector<16xf32>, vector<16xi1> -> vector<16xf32>
        %broadcast_in_dim3A_339 = vector.broadcast %mul3A_268 : i32 to vector<16xi32>
        %add3A_340 = arith.addi %broadcast_in_dim3A_339, %convert_element_type3A : vector<16xi32>
        tpu.vector_store_idx %arg17[%broadcast_in_dim3A_183, %add3A_340], %masked_cumsum3A_338 masked %or3A : memref<128x128xf32, #tpu.memory_space<vmem>>[vector<16xi32>, vector<16xi32>], vector<16xf32>, vector<16xi1>
        %add3A_341 = arith.constant 1 : i32
        %add3A_342 = arith.addi %mul3A_268, %add3A_341 : i32
        %broadcast_in_dim3A_343 = vector.broadcast %add3A_342 : i32 to vector<16xi32>
        %neg3A_344 = arith.constant 0.000000e+00 : f32
        %neg3A_345 = vector.broadcast %neg3A_344 : f32 to vector<16xf32>
        %neg3A_346 = arith.subf %neg3A_345, %masked_cumsum3A_338 : vector<16xf32>
        tpu.vector_store_idx %arg17[%broadcast_in_dim3A_183, %broadcast_in_dim3A_343], %neg3A_346 masked %eq3A_21 {add = true} : memref<128x128xf32, #tpu.memory_space<vmem>>[vector<16xi32>, vector<16xi32>], vector<16xf32>, vector<16xi1>
        %scan3A_347 = arith.constant 2 : i32
        %scan3A_348 = arith.addi %scan3A_190, %scan3A_347 : i32
        %mul3A_349 = arith.constant 2 : i32
        %mul3A_350 = arith.muli %mul3A_349, %scan3A_348 : i32
        %get3A_351 = arith.index_cast %mul3A_350 : i32 to index
        %get3A_352 = arith.constant 0 : index
        %get3A_353 = tpu.vector_load %arg16[%get3A_351, %get3A_352] {strides = array<i32>} : memref<128x64xf32, #tpu.memory_space<vmem>>, vector<16xf32>,
        %get3A_354 = arith.index_cast %mul3A_350 : i32 to index
        %get3A_355 = arith.constant 16 : index
        %get3A_356 = tpu.vector_load %arg16[%get3A_354, %get3A_355] {strides = array<i32>} : memref<128x64xf32, #tpu.memory_space<vmem>>, vector<16xf32>,
        %get3A_357 = arith.index_cast %mul3A_350 : i32 to index
        %get3A_358 = arith.constant 32 : index
        %get3A_359 = tpu.vector_load %arg16[%get3A_357, %get3A_358] {strides = array<i32>} : memref<128x64xf32, #tpu.memory_space<vmem>>, vector<16xf32>,
        %get3A_360 = arith.index_cast %mul3A_350 : i32 to index
        %get3A_361 = arith.constant 48 : index
        %get3A_362 = tpu.vector_load %arg16[%get3A_360, %get3A_361] {strides = array<i32>} : memref<128x64xf32, #tpu.memory_space<vmem>>, vector<16xf32>,
        %sub3A_363 = arith.subf %get3A_173, %get3A_353 : vector<16xf32>
        %abs3A_364 = math.absf %sub3A_363 : vector<16xf32>
        %sub3A_365 = arith.subf %get3A_176, %get3A_356 : vector<16xf32>
        %abs3A_366 = math.absf %sub3A_365 : vector<16xf32>
        %add3A_367 = arith.addf %abs3A_364, %abs3A_366 : vector<16xf32>
        %sub3A_368 = arith.subf %get3A_179, %get3A_359 : vector<16xf32>
        %abs3A_369 = math.absf %sub3A_368 : vector<16xf32>
        %add3A_370 = arith.addf %add3A_367, %abs3A_369 : vector<16xf32>
        %sub3A_371 = arith.subf %get3A_182, %get3A_362 : vector<16xf32>
        %abs3A_372 = math.absf %sub3A_371 : vector<16xf32>
        %add3A_373 = arith.addf %add3A_370, %abs3A_372 : vector<16xf32>
        %add3A_374 = arith.constant 1 : i32
        %add3A_375 = arith.addi %mul3A_350, %add3A_374 : i32
        %get3A_376 = arith.index_cast %add3A_375 : i32 to index
        %get3A_377 = arith.constant 0 : index
        %get3A_378 = tpu.vector_load %arg16[%get3A_376, %get3A_377] {strides = array<i32>} : memref<128x64xf32, #tpu.memory_space<vmem>>, vector<16xf32>,
        %get3A_379 = arith.index_cast %add3A_375 : i32 to index
        %get3A_380 = arith.constant 16 : index
        %get3A_381 = tpu.vector_load %arg16[%get3A_379, %get3A_380] {strides = array<i32>} : memref<128x64xf32, #tpu.memory_space<vmem>>, vector<16xf32>,
        %get3A_382 = arith.index_cast %add3A_375 : i32 to index
        %get3A_383 = arith.constant 32 : index
        %get3A_384 = tpu.vector_load %arg16[%get3A_382, %get3A_383] {strides = array<i32>} : memref<128x64xf32, #tpu.memory_space<vmem>>, vector<16xf32>,
        %get3A_385 = arith.index_cast %add3A_375 : i32 to index
        %get3A_386 = arith.constant 48 : index
        %get3A_387 = tpu.vector_load %arg16[%get3A_385, %get3A_386] {strides = array<i32>} : memref<128x64xf32, #tpu.memory_space<vmem>>, vector<16xf32>,
        %sub3A_388 = arith.subf %get3A_173, %get3A_378 : vector<16xf32>
        %abs3A_389 = math.absf %sub3A_388 : vector<16xf32>
        %sub3A_390 = arith.subf %get3A_176, %get3A_381 : vector<16xf32>
        %abs3A_391 = math.absf %sub3A_390 : vector<16xf32>
        %add3A_392 = arith.addf %abs3A_389, %abs3A_391 : vector<16xf32>
        %sub3A_393 = arith.subf %get3A_179, %get3A_384 : vector<16xf32>
        %abs3A_394 = math.absf %sub3A_393 : vector<16xf32>
        %add3A_395 = arith.addf %add3A_392, %abs3A_394 : vector<16xf32>
        %sub3A_396 = arith.subf %get3A_182, %get3A_387 : vector<16xf32>
        %abs3A_397 = math.absf %sub3A_396 : vector<16xf32>
        %add3A_398 = arith.addf %add3A_395, %abs3A_397 : vector<16xf32>
        %rev3A_399 = arith.constant 15 : i32
        %rev3A_400 = vector.broadcast %rev3A_399 : i32 to vector<16xi32>
        %rev3A_401 = tpu.iota {dimensions = array<i32: 0>} : vector<16xi32>
        %rev3A_402 = arith.subi %rev3A_400, %rev3A_401 : vector<16xi32>
        %rev3A_403 = tpu.dynamic_gather %add3A_373[%rev3A_402] in [0] : vector<16xf32>, vector<16xi32> -> vector<16xf32>
        %add3A_404 = arith.addf %add3A_373, %rev3A_403 : vector<16xf32>
        %rev3A_405 = arith.constant 15 : i32
        %rev3A_406 = vector.broadcast %rev3A_405 : i32 to vector<16xi32>
        %rev3A_407 = tpu.iota {dimensions = array<i32: 0>} : vector<16xi32>
        %rev3A_408 = arith.subi %rev3A_406, %rev3A_407 : vector<16xi32>
        %rev3A_409 = tpu.dynamic_gather %add3A_398[%rev3A_408] in [0] : vector<16xf32>, vector<16xi32> -> vector<16xf32>
        %add3A_410 = arith.addf %add3A_398, %rev3A_409 : vector<16xf32>
        %sub3A_411 = arith.constant 1.500000e+00 : f32
        %sub3A_412 = vector.broadcast %sub3A_411 : f32 to vector<16xf32>
        %sub3A_413 = arith.subf %sub3A_412, %add3A_404 : vector<16xf32>
        %sub3A_414 = arith.constant 1.500000e+00 : f32
        %sub3A_415 = vector.broadcast %sub3A_414 : f32 to vector<16xf32>
        %sub3A_416 = arith.subf %sub3A_415, %add3A_410 : vector<16xf32>
        %select_n3A_417 = arith.select %lt3A_26, %sub3A_413, %sub3A_416 : vector<16xi1>, vector<16xf32>
        %broadcast_in_dim3A_418 = arith.constant true
        %broadcast_in_dim3A_419 = vector.broadcast %broadcast_in_dim3A_418 : i1 to vector<16xi1>
        %masked_cumsum3A_420 = tpu.scan <sum>, %select_n3A_417 masked %broadcast_in_dim3A_419 : vector<16xf32>, vector<16xi1> -> vector<16xf32>
        %broadcast_in_dim3A_421 = vector.broadcast %mul3A_350 : i32 to vector<16xi32>
        %add3A_422 = arith.addi %broadcast_in_dim3A_421, %convert_element_type3A : vector<16xi32>
        tpu.vector_store_idx %arg17[%broadcast_in_dim3A_183, %add3A_422], %masked_cumsum3A_420 masked %or3A : memref<128x128xf32, #tpu.memory_space<vmem>>[vector<16xi32>, vector<16xi32>], vector<16xf32>, vector<16xi1>
        %add3A_423 = arith.constant 1 : i32
        %add3A_424 = arith.addi %mul3A_350, %add3A_423 : i32
        %broadcast_in_dim3A_425 = vector.broadcast %add3A_424 : i32 to vector<16xi32>
        %neg3A_426 = arith.constant 0.000000e+00 : f32
        %neg3A_427 = vector.broadcast %neg3A_426 : f32 to vector<16xf32>
        %neg3A_428 = arith.subf %neg3A_427, %masked_cumsum3A_420 : vector<16xf32>
        tpu.vector_store_idx %arg17[%broadcast_in_dim3A_183, %broadcast_in_dim3A_425], %neg3A_428 masked %eq3A_21 {add = true} : memref<128x128xf32, #tpu.memory_space<vmem>>[vector<16xi32>, vector<16xi32>], vector<16xf32>, vector<16xi1>
        %scan3A_429 = arith.constant 3 : i32
        %scan3A_430 = arith.addi %scan3A_190, %scan3A_429 : i32
        %mul3A_431 = arith.constant 2 : i32
        %mul3A_432 = arith.muli %mul3A_431, %scan3A_430 : i32
        %get3A_433 = arith.index_cast %mul3A_432 : i32 to index
        %get3A_434 = arith.constant 0 : index
        %get3A_435 = tpu.vector_load %arg16[%get3A_433, %get3A_434] {strides = array<i32>} : memref<128x64xf32, #tpu.memory_space<vmem>>, vector<16xf32>,
        %get3A_436 = arith.index_cast %mul3A_432 : i32 to index
        %get3A_437 = arith.constant 16 : index
        %get3A_438 = tpu.vector_load %arg16[%get3A_436, %get3A_437] {strides = array<i32>} : memref<128x64xf32, #tpu.memory_space<vmem>>, vector<16xf32>,
        %get3A_439 = arith.index_cast %mul3A_432 : i32 to index
        %get3A_440 = arith.constant 32 : index
        %get3A_441 = tpu.vector_load %arg16[%get3A_439, %get3A_440] {strides = array<i32>} : memref<128x64xf32, #tpu.memory_space<vmem>>, vector<16xf32>,
        %get3A_442 = arith.index_cast %mul3A_432 : i32 to index
        %get3A_443 = arith.constant 48 : index
        %get3A_444 = tpu.vector_load %arg16[%get3A_442, %get3A_443] {strides = array<i32>} : memref<128x64xf32, #tpu.memory_space<vmem>>, vector<16xf32>,
        %sub3A_445 = arith.subf %get3A_173, %get3A_435 : vector<16xf32>
        %abs3A_446 = math.absf %sub3A_445 : vector<16xf32>
        %sub3A_447 = arith.subf %get3A_176, %get3A_438 : vector<16xf32>
        %abs3A_448 = math.absf %sub3A_447 : vector<16xf32>
        %add3A_449 = arith.addf %abs3A_446, %abs3A_448 : vector<16xf32>
        %sub3A_450 = arith.subf %get3A_179, %get3A_441 : vector<16xf32>
        %abs3A_451 = math.absf %sub3A_450 : vector<16xf32>
        %add3A_452 = arith.addf %add3A_449, %abs3A_451 : vector<16xf32>
        %sub3A_453 = arith.subf %get3A_182, %get3A_444 : vector<16xf32>
        %abs3A_454 = math.absf %sub3A_453 : vector<16xf32>
        %add3A_455 = arith.addf %add3A_452, %abs3A_454 : vector<16xf32>
        %add3A_456 = arith.constant 1 : i32
        %add3A_457 = arith.addi %mul3A_432, %add3A_456 : i32
        %get3A_458 = arith.index_cast %add3A_457 : i32 to index
        %get3A_459 = arith.constant 0 : index
        %get3A_460 = tpu.vector_load %arg16[%get3A_458, %get3A_459] {strides = array<i32>} : memref<128x64xf32, #tpu.memory_space<vmem>>, vector<16xf32>,
        %get3A_461 = arith.index_cast %add3A_457 : i32 to index
        %get3A_462 = arith.constant 16 : index
        %get3A_463 = tpu.vector_load %arg16[%get3A_461, %get3A_462] {strides = array<i32>} : memref<128x64xf32, #tpu.memory_space<vmem>>, vector<16xf32>,
        %get3A_464 = arith.index_cast %add3A_457 : i32 to index
        %get3A_465 = arith.constant 32 : index
        %get3A_466 = tpu.vector_load %arg16[%get3A_464, %get3A_465] {strides = array<i32>} : memref<128x64xf32, #tpu.memory_space<vmem>>, vector<16xf32>,
        %get3A_467 = arith.index_cast %add3A_457 : i32 to index
        %get3A_468 = arith.constant 48 : index
        %get3A_469 = tpu.vector_load %arg16[%get3A_467, %get3A_468] {strides = array<i32>} : memref<128x64xf32, #tpu.memory_space<vmem>>, vector<16xf32>,
        %sub3A_470 = arith.subf %get3A_173, %get3A_460 : vector<16xf32>
        %abs3A_471 = math.absf %sub3A_470 : vector<16xf32>
        %sub3A_472 = arith.subf %get3A_176, %get3A_463 : vector<16xf32>
        %abs3A_473 = math.absf %sub3A_472 : vector<16xf32>
        %add3A_474 = arith.addf %abs3A_471, %abs3A_473 : vector<16xf32>
        %sub3A_475 = arith.subf %get3A_179, %get3A_466 : vector<16xf32>
        %abs3A_476 = math.absf %sub3A_475 : vector<16xf32>
        %add3A_477 = arith.addf %add3A_474, %abs3A_476 : vector<16xf32>
        %sub3A_478 = arith.subf %get3A_182, %get3A_469 : vector<16xf32>
        %abs3A_479 = math.absf %sub3A_478 : vector<16xf32>
        %add3A_480 = arith.addf %add3A_477, %abs3A_479 : vector<16xf32>
        %rev3A_481 = arith.constant 15 : i32
        %rev3A_482 = vector.broadcast %rev3A_481 : i32 to vector<16xi32>
        %rev3A_483 = tpu.iota {dimensions = array<i32: 0>} : vector<16xi32>
        %rev3A_484 = arith.subi %rev3A_482, %rev3A_483 : vector<16xi32>
        %rev3A_485 = tpu.dynamic_gather %add3A_455[%rev3A_484] in [0] : vector<16xf32>, vector<16xi32> -> vector<16xf32>
        %add3A_486 = arith.addf %add3A_455, %rev3A_485 : vector<16xf32>
        %rev3A_487 = arith.constant 15 : i32
        %rev3A_488 = vector.broadcast %rev3A_487 : i32 to vector<16xi32>
        %rev3A_489 = tpu.iota {dimensions = array<i32: 0>} : vector<16xi32>
        %rev3A_490 = arith.subi %rev3A_488, %rev3A_489 : vector<16xi32>
        %rev3A_491 = tpu.dynamic_gather %add3A_480[%rev3A_490] in [0] : vector<16xf32>, vector<16xi32> -> vector<16xf32>
        %add3A_492 = arith.addf %add3A_480, %rev3A_491 : vector<16xf32>
        %sub3A_493 = arith.constant 1.500000e+00 : f32
        %sub3A_494 = vector.broadcast %sub3A_493 : f32 to vector<16xf32>
        %sub3A_495 = arith.subf %sub3A_494, %add3A_486 : vector<16xf32>
        %sub3A_496 = arith.constant 1.500000e+00 : f32
        %sub3A_497 = vector.broadcast %sub3A_496 : f32 to vector<16xf32>
        %sub3A_498 = arith.subf %sub3A_497, %add3A_492 : vector<16xf32>
        %select_n3A_499 = arith.select %lt3A_26, %sub3A_495, %sub3A_498 : vector<16xi1>, vector<16xf32>
        %broadcast_in_dim3A_500 = arith.constant true
        %broadcast_in_dim3A_501 = vector.broadcast %broadcast_in_dim3A_500 : i1 to vector<16xi1>
        %masked_cumsum3A_502 = tpu.scan <sum>, %select_n3A_499 masked %broadcast_in_dim3A_501 : vector<16xf32>, vector<16xi1> -> vector<16xf32>
        %broadcast_in_dim3A_503 = vector.broadcast %mul3A_432 : i32 to vector<16xi32>
        %add3A_504 = arith.addi %broadcast_in_dim3A_503, %convert_element_type3A : vector<16xi32>
        tpu.vector_store_idx %arg17[%broadcast_in_dim3A_183, %add3A_504], %masked_cumsum3A_502 masked %or3A : memref<128x128xf32, #tpu.memory_space<vmem>>[vector<16xi32>, vector<16xi32>], vector<16xf32>, vector<16xi1>
        %add3A_505 = arith.constant 1 : i32
        %add3A_506 = arith.addi %mul3A_432, %add3A_505 : i32
        %broadcast_in_dim3A_507 = vector.broadcast %add3A_506 : i32 to vector<16xi32>
        %neg3A_508 = arith.constant 0.000000e+00 : f32
        %neg3A_509 = vector.broadcast %neg3A_508 : f32 to vector<16xf32>
        %neg3A_510 = arith.subf %neg3A_509, %masked_cumsum3A_502 : vector<16xf32>
        tpu.vector_store_idx %arg17[%broadcast_in_dim3A_183, %broadcast_in_dim3A_507], %neg3A_510 masked %eq3A_21 {add = true} : memref<128x128xf32, #tpu.memory_space<vmem>>[vector<16xi32>, vector<16xi32>], vector<16xf32>, vector<16xi1>
      }
      %scan3A_189 = arith.constant 64 : i32
    }
    %scan3A_47 = arith.constant 32 : i32
    "tpu.region"() ({
      %run_scoped3A = tpu.sem_alloc : memref<!tpu.dma_semaphore, #tpu.memory_space<semaphore_mem>>
      %dma_start3A_48 = arith.constant 0 : i32
      %dma_start3A_49 = tpu.memref_slice %arg7[%mul3A_2, %dma_start3A_48] : memref<4096x128xf32, #tpu.memory_space<hbm>> -> memref<128x128xf32, #tpu.memory_space<hbm>>
      %dma_start3A_50 = arith.constant 0 : i32
      %dma_start3A_51 = tpu.memref_slice %arg7[%mul3A_2, %dma_start3A_50] : memref<4096x128xf32, #tpu.memory_space<hbm>> -> memref<128x128xf32, #tpu.memory_space<hbm>>
      tpu.enqueue_dma source(%arg17 : memref<128x128xf32, #tpu.memory_space<vmem>>) target(%dma_start3A_51 : memref<128x128xf32, #tpu.memory_space<hbm>>) target_semaphore(%run_scoped3A : memref<!tpu.dma_semaphore, #tpu.memory_space<semaphore_mem>>)
      %dma_wait3A_52 = arith.constant 0 : i32
      %dma_wait3A_53 = tpu.memref_slice %arg7[%mul3A_2, %dma_wait3A_52] : memref<4096x128xf32, #tpu.memory_space<hbm>> -> memref<128x128xf32, #tpu.memory_space<hbm>>
      %dma_wait3A_54 = arith.constant 0 : i32
      %dma_wait3A_55 = tpu.memref_slice %arg7[%mul3A_2, %dma_wait3A_54] : memref<4096x128xf32, #tpu.memory_space<hbm>> -> memref<128x128xf32, #tpu.memory_space<hbm>>
      tpu.wait_dma2 semaphore(%run_scoped3A : memref<!tpu.dma_semaphore, #tpu.memory_space<semaphore_mem>>) src(%arg17 : memref<128x128xf32, #tpu.memory_space<vmem>>) dst(%dma_wait3A_55 : memref<128x128xf32, #tpu.memory_space<hbm>>)
      tpu.yield
    }) : () -> ()
    return
  }
}

</mosaic_0001>

<sc_bundles>
// kernel: kernel.3.cloned.1.call-start
scs
__scs_entry_jumppad:
0x0: {  	(pc) =	sbr.rel $0x88, $3  }
0x1: {  	(tag) =	ssettag $0x0;
	lr =	simm.s32 $0x1  }
0x2: {  	[smem:$0x3F9D] =	sst lr;
	_ =	strace $0xD0000000  }
0x3: {  	_ = 	snop  }
0x4: {  	_ = 	snop  }
0x5: {  	_ = 	snop  }
0x6: {  	_ = 	snop  }
0x7: {  	_ = 	snop  }
__scs_overlays_trampoline_lowered:
0x8: {  	[smem:$0x3FAC] =	sst s0  }
0x9: {  	[smem:$0x3FAD] =	sst s1  }
0xa: {  	[smem:$0x3FAE] =	sst s2  }
0xb: {  	[smem:$0x3FAF] =	sst s3  }
0xc: {  	[smem:$0x3FB0] =	sst s4  }
0xd: {  	[smem:$0x3FB1] =	sst s5  }
0xe: {  	[smem:$0x3FB2] =	sst s6  }
0xf: {  	[smem:$0x3FB3] =	sst s7  }
0x10: {  	[smem:$0x3FB4] =	sst s8  }
0x11: {  	[smem:$0x3FB5] =	sst s9;
	s0 =	simm.s32 @!p0 $0x0  }
0x12: {  	s1 =	sld [smem:$0x3F9B];
	s0 =	simm.s32 @p0 $0x1  }
0x13: {  	[smem:$0x3FB6] =	sst s0;
	s0 =	simm.s32 @!p1 $0x0  }
0x14: {  	s2 =	sld [smem:$0x3F9A];
	s0 =	simm.s32 @p1 $0x1  }
0x15: {  	[smem:$0x3FB7] =	sst s0;
	s0 =	simm.s32 @!p2 $0x0  }
0x16: {  	s3 =	sld [smem:$0x3FDB];
	s0 =	simm.s32 @p2 $0x1  }
0x17: {  	s4 =	simm.s32 $0x1BF5;
	[smem:$0x3FB9] =	sst s0  }
0x18: {  	s0 =	sld [smem:$0x3F9C];
	_ =	swait.ge [sflag:s4], $0x0  }
0x19: {  	s7 =	sld [smem:$0x3F9D]  }
0x1a: {  	s8 =	sadd.s32 $0xFFFFE003, lr  }
0x1b: {  	s9 =	sadd.s32 $0xFFFFFEF7, lr;
	s5 =	simm.s32 $0xFFFFFFFF;
	p2 =	slt.u32 s8, $0xFFFFF086  }
0x1c: {  	p1 =	slt.u32 s9, $0xF7A;
	s5 =	simm.s32 @!p2 $0x0  }
0x1d: {  	s5 =	simm.s32 @p1 $0x1;
	p0 =	seq.s32 s7, s2  }
0x1e: {  	s7 =	smul.u32 @!p0 $0xF7A, s2;
	p2 =	seq.s32 @!p0 s5, $0x0  }
0x1f: {  	s9 =	smul.u32 $0xF7A, s1;
	s8 =	simm.s32 @!p0 $0x1BF5;
	p2 =	por !p2, p0  }
0x20: {  	[sflag:s8] =	ssyncset.s32 @!p0 $0xFFFFF086;
	s6 =	sadd.s32 @!p0 s3, s7;
	s7 =	simm.s32 @!p0 $0x108  }
0x21: {  	s3 =	sadd.s32 s3, s9;
	s6 =	sadd.s32 @!p0 $0x88, s6;
	s7 =	simm.s32 @p2 $0x1082  }
0x22: {  	[simem:s7], [sflag:s8] =	dma.local @!p0 [hbm:s6], $0xF7A  }
0x23: {  	s9 =	sor.u32 $0xD0000000, s2;
	s6 =	simm.s32 $0x108;
	_ =	swait.ge @!p0 [sflag:s8], $0x0  }
0x24: {  	s3 =	sadd.s32 $0x88, s3;
	s6 =	simm.s32 @!p1 $0x1082;
	[sflag:s4] =	ssyncset.s32 $0xFFFFF086  }
0x25: {  	[simem:s6], [sflag:s4] =	dma.local [hbm:s3], $0xF7A  }
0x26: {  	[smem:$0x3F9D] =	sst s1;
	(tag) =	ssettag s2;
	_ =	strace s9  }
0x27: {  	s1 =	sld [smem:$0x3FAD]  }
0x28: {  	s2 =	sld [smem:$0x3FAE]  }
0x29: {  	s4 =	sld [smem:$0x3FB0]  }
0x2a: {  	p0 =	seq.s32 s5, $0x0;
	s5 =	sld [smem:$0x3FB1]  }
0x2b: {  	s6 =	sld [smem:$0x3FB2]  }
0x2c: {  	s7 =	sld [smem:$0x3FB3]  }
0x2d: {  	s3 =	simm.s32 $0x108;
	s8 =	sld [smem:$0x3FB4]  }
0x2e: {  	s3 =	simm.s32 @!p0 $0x1082;
	s9 =	sld [smem:$0x3FB5]  }
0x2f: {  	lr =	sadd.s32 s0, s3;
	s0 =	sld [smem:$0x3FAC]  }
0x30: {  	s3 =	sld [smem:$0x3FAF]  }
0x31: {  	[smem:$0x3FB8] =	sst s10  }
0x32: {  	s10 =	sld [smem:$0x3FB6];
	_ =	sdelay $0x3  }
0x33: {  	p0 =	seq.s32 s10, $0x1;
	s10 =	sld [smem:$0x3FB8];
	_ =	sdelay $0x3  }
0x34: {  	[smem:$0x3FB8] =	sst s10  }
0x35: {  	s10 =	sld [smem:$0x3FB7];
	_ =	sdelay $0x3  }
0x36: {  	p1 =	seq.s32 s10, $0x1;
	s10 =	sld [smem:$0x3FB8];
	_ =	sdelay $0x3  }
0x37: {  	[smem:$0x3FB8] =	sst s10  }
0x38: {  	s10 =	sld [smem:$0x3FB9]  }
0x39: {  	_ = 	snop;
	(pc) =	sbr.ind lr, $3  }
0x3a: {  	_ = 	snop  }
0x3b: {  	_ = 	snop  }
0x3c: {  	p2 =	seq.s32 s10, $0x1;
	s10 =	sld [smem:$0x3FB8]  }
0x3d: {  	_ =	shalt  }
0x3e: {  	_ =	shalt  }
0x3f: {  	_ =	shalt  }
0x40: {  	_ =	shalt  }
0x41: {  	_ =	shalt  }
0x42: {  	_ =	shalt  }
0x43: {  	_ =	shalt  }
0x44: {  	_ =	shalt  }
0x45: {  	_ =	shalt  }
0x46: {  	_ =	shalt  }
0x47: {  	_ =	shalt  }
0x48: {  	_ =	shalt  }
0x49: {  	_ =	shalt  }
0x4a: {  	_ =	shalt  }
0x4b: {  	_ =	shalt  }
0x4c: {  	_ =	shalt  }
0x4d: {  	_ =	shalt  }
0x4e: {  	_ =	shalt  }
0x4f: {  	_ =	shalt  }
0x50: {  	_ =	shalt  }
0x51: {  	_ =	shalt  }
0x52: {  	_ =	shalt  }
0x53: {  	_ =	shalt  }
0x54: {  	_ =	shalt  }
0x55: {  	_ =	shalt  }
0x56: {  	_ =	shalt  }
0x57: {  	_ =	shalt  }
0x58: {  	_ =	shalt  }
0x59: {  	_ =	shalt  }
0x5a: {  	_ =	shalt  }
0x5b: {  	_ =	shalt  }
0x5c: {  	_ =	shalt  }
0x5d: {  	_ =	shalt  }
0x5e: {  	_ =	shalt  }
0x5f: {  	_ =	shalt  }
0x60: {  	_ =	shalt  }
0x61: {  	_ =	shalt  }
0x62: {  	_ =	shalt  }
0x63: {  	_ =	shalt  }
0x64: {  	_ =	shalt  }
0x65: {  	_ =	shalt  }
0x66: {  	_ =	shalt  }
0x67: {  	_ =	shalt  }
0x68: {  	_ =	shalt  }
0x69: {  	_ =	shalt  }
0x6a: {  	_ =	shalt  }
0x6b: {  	_ =	shalt  }
0x6c: {  	_ =	shalt  }
0x6d: {  	_ =	shalt  }
0x6e: {  	_ =	shalt  }
0x6f: {  	_ =	shalt  }
0x70: {  	_ =	shalt  }
0x71: {  	_ =	shalt  }
0x72: {  	_ =	shalt  }
0x73: {  	_ =	shalt  }
0x74: {  	_ =	shalt  }
0x75: {  	_ =	shalt  }
0x76: {  	_ =	shalt  }
0x77: {  	_ =	shalt  }
0x78: {  	_ =	shalt  }
0x79: {  	_ =	shalt  }
0x7a: {  	_ =	shalt  }
0x7b: {  	_ =	shalt  }
0x7c: {  	_ =	shalt  }
0x7d: {  	_ =	shalt  }
0x7e: {  	_ =	shalt  }
0x7f: {  	_ =	shalt  }
0x80: {  	_ =	shalt  }
0x81: {  	_ =	shalt  }
0x82: {  	_ =	shalt  }
0x83: {  	_ =	shalt  }
0x84: {  	_ =	shalt  }
0x85: {  	_ =	shalt  }
0x86: {  	_ =	shalt  }
0x87: {  	_ =	shalt  }
.Lfunc_end0:
.L_simem_size_0:
called_computation.1_lowered:
.L_overlay_start_0:
0x88: {  	s2 =	sld [smem:$0x3FD9]  }
0x89: {  	s3 =	sld [smem:$0x3FFE];
	_ =	sdelay $0x1  }
0x8a: {  	s1 =	srdreg.scid  }
0x8b: {  	s0 =	sand.u32 $0x1, s1  }
0x8c: {  	s17 =	sshll.u32 s0, $0xA;
	s2 =	sadd.s32 s3, s2  }
0x8d: {  	s2 =	sadd.s32 s2, s17  }
0x8e: {  	[smem:$0x3FC4] =	sst s2  }
0x8f: {  	_ = 	snop  }
0x90: {  	s2 =	sld [smem:$0x3FD0];
	(tm) =	ssettm $0x1  }
0x91: {  	s18 =	sld [smem:$0x3FFB];
	_ =	sdelay $0x3  }
0x92: {  	_ =	strace s18  }
0x93: {  	s3 =	sld [smem:$0x3FFC];
	_ =	sdelay $0x3  }
0x94: {  	_ =	strace s3  }
0x95: {  	s3 =	sld [smem:$0x3FFD];
	_ =	sdelay $0x3  }
0x96: {  	_ =	strace s3  }
0x97: {  	_ =	strace $0x8FFFFFFF  }
0x98: {  	s19 =	sld [smem:$0x3FDB];
	_ =	sdelay $0x1  }
0x99: {  	s4 =	simm.s32 $_scs_section_size  }
0x9a: {  	s5 =	simm.s32 $_size__tile_overlayer_lowered;
	s6 =	simm.s32 $_tile_overlayer_lowered  }
0x9b: {  	s22 =	simm.s32 $0x1BFF;
	s21 =	sshll.u32 s6, $0x1;
	s3 =	sadd.s32 s4, s19  }
0x9c: {  	s7 =	simm.s32 $0x0;
	s20 =	sshll.u32 s5, $0x1;
	s5 =	sadd.s32 s21, s3  }
0x9d: {  	[timem:s7], [sflag:s22] =	dma.local [hbm:s5], s20  }
0x9e: {  	_ =	swait.ge [sflag:s22], s20  }
0x9f: {  	s4 =	ssub.s32 $0x0, s20;
	[sflag:s22] =	ssyncset.done $0x0  }
0xa0: {  	[sflag:s22] =	ssyncadd.s32 s4;
	_ =	sdelay $0x1  }
0xa1: {  	s23 =	simm.s32 $0x1B8B  }
0xa2: {  	_ =	swait.ge [sflag:s23], $0x1  }
0xa3: {  	[sflag:s23] =	ssyncset.done $0x0  }
0xa4: {  	s25 =	simm.s32 $0x1B8E;
	s24 =	sld [smem:$0x3FFE];
	[sflag:s23] =	ssyncadd.s32 $0xFFFFFFFF  }
0xa5: {  	s26 =	simm.s32 $execute0_lowered;
	[smem:$0x3FD2] =	sst s25  }
0xa6: {  	s5 =	sshll.u32 s26, $0x1;
	_ =	strace $0x80000049;
	[dreg:$0x1] =	wrdreg $0xFFFFFFFF  }
0xa7: {  	s28 =	simm.s32 $_size_execute0_lowered;
	s3 =	sadd.s32 s3, s5;
	[dreg:$0x0] =	wrdreg $0x0  }
0xa8: {  	s5 =	sshll.u32 s28, $0x1;
	[dreg:$0x2] =	wrdreg s3  }
0xa9: {  	[dreg:$0x3] =	wrdreg s5  }
0xaa: {  	[dreg:$0x4] =	wrdreg $0xC0  }
0xab: {  	_ =	task [dreg:s7], $0x5FFFF  }
0xac: {  	[dreg:$0x1] =	wrdreg $0xFFFFFFFF  }
0xad: {  	[dreg:$0x0] =	wrdreg $0x60  }
0xae: {  	[dreg:$0x2] =	wrdreg s24  }
0xaf: {  	[dreg:$0x3] =	wrdreg s2  }
0xb0: {  	[dreg:$0x4] =	wrdreg $0x9  }
0xb1: {  	_ =	task.clear_ibuf [dreg:s7], $0x5FFFF;
	_ =	strace $0x90000049  }
0xb2: {  	s29 =	simm.s32 $0x9;
	_ =	strace $0x8000004B  }
0xb3: {  	_ =	swait.ge [sflag:s29], $0x1  }
0xb4: {  	[sflag:s29] =	ssyncadd.s32 $0xFFFFFFFF  }
0xb5: {  	_ =	strace $0x9000004B  }
0xb6: {  	_ =	sfence  }
0xb7: {  	s30 =	sld [smem:$0x0];
	_ =	sdelay $0x2  }
0xb8: {  	s31 =	sshll.u32 s1, $0xD;
	s1 =	sshrl.u32 s1, $0x2  }
0xb9: {  	s3 =	sand.u32 $0x4000, s31;
	s1 =	sadd.s32 s1, s30  }
0xba: {  	s0 =	sor.u32 s3, s0;
	s1 =	sshll.u32 s1, $0x11  }
0xbb: {  	s0 =	sor.u32 s1, s0  }
0xbc: {  	s0 =	sadd.s32 $0x8F2B, s0  }
0xbd: {  	[sflag:s0] =	ssyncadd.remote.s32 $0x1  }
0xbe: {  	_ =	sfence.sel $0xFFFF  }
0xbf: {  	[dreg:$0x0] =	wrdreg $0xFFFFFFFF;
	(pc) =	sbr.abs _section_cstart, $3  }
0xc0: {  	[dreg:$0x1] =	wrdreg $0xFFFFFFFF  }
0xc1: {  	_ =	task.clear_ibuf [dreg:s7], $0x2FFFF;
	_ =	strace $0x9FFFFFFF  }
0xc2: {  	(tm) =	ssettm $0x7FFFFFFF  }
0xc3: {  	_ =	shalt  }
tec
execute0_lowered:
.L_overlay_start_1:
0x0: {  	(tag) =	ssettag $0x1  }
0x1: {  	s0 =	rddreg [dreg:$0x0]  }
0x2: {  	s1 =	rddreg [dreg:$0x1]  }
0x3: {  	s3 =	srdreg.scid;
	s4 =	stileid.u32;
	s2 =	simm.s32 $0x0  }
0x4: {  	s10 =	simm.s32 $0x4000;
	s11 =	simm.s32 $0x5;
	s12 =	simm.s32 $0x4080  }
0x5: {  	s13 =	simm.s32 $0x80;
	s15 =	simm.s32 $0x1;
	s19 =	simm.s32 $0x100  }
0x6: {  	s20 =	simm.s32 $0xC100;
	s21 =	simm.s32 $0xE100;
	s22 =	simm.s32 $0x10100  }
0x7: {  	s23 =	simm.s32 $0x2;
	s24 =	simm.s32 $0x3;
	s25 =	simm.s32 $0x4  }
0x8: {  	v0 =	vlaneseq.u32;
	s26 =	simm.s32 $0x0;
	s3 =	sand.u32 $0x1, s3;
	s4 =	sshll.u32 s4, $0x1  }
0x9: {  	vm0 =	vcmask $0x300;
	v1 =	vimm.s32 $0x0;
	v2 =	vimm.s32 $0x1;
	s28 =	simm.s32 $0x0;
	[smem:$0x7FF] =	sst s2;
	s4 =	sor.u32 s3, s4  }
0xa: {  	vm3 =	vcmask $0x3B00;
	vm2 =	vcmask $0x3F3C;
	vm1 =	vmmov $0xff;
	_ =	strace $0x8000004A;
	s30 =	ssub.s32 $0x2, s3;
	s3 =	sadd.s32 $0xF55600, s0  }
0xb: {  	v3 =	vimm.s32 $0x3;
	v4 =	vimm.s32 $0x5;
	v5 =	vimm.s32 $0x7;
	s5 =	sshll.u32 s4, $0x4;
	s8 =	sshll.u32 s4, $0xB;
	s9 =	sshrl.u32 s30, $0x1  }
0xc: {  	v0 =	vmul.u32 $0xFFFFFFFF, v0;
	v1 =	vsel vm0, $0x3, v1;
	vm0 =	vcmask $0x1F1C;
	s4 =	sadd.s32 $0xF43200, s0;
	s6 =	sadd.s32 s5, s0;
	s7 =	sadd.s32 s8, s0  }
0xd: {  	v2 =	vsel vm3, $0x0, v2;
	v3 =	vsel vm3, $0x2, v3;
	v4 =	vsel vm3, $0x4, v4;
	s31 =	ssub.s32 s30, s9;
	s8 =	sadd.s32 s1, s8;
	s5 =	sadd.s32 $0xF45400, s6  }
0xe: {  	v5 =	vsel vm3, $0x6, v5;
	vm2 =	vmor vm0, vm2;
	v0 =	vadd.s32 $0xF, v0;
	s6 =	sadd.s32 $0xF45200, s6;
	s7 =	sadd.s32 $0xF45600, s7;
	s9 =	smax.u32 s31, $0x1  }
.LBB2_1:
0xf: {  	[tilespmem:s10], [sflag:$0x5] =	stream.linear.gather [hbm4b:s5+s2], $0x80, $0x38;
	[tilespmem:$0x14100] =	vst v63  }
0x10: {  	_ =	swait.ge [sflag:s11], $0x80  }
0x11: {  	[sflag:s11] =	ssyncset.done $0x0  }
0x12: {  	[sflag:s11] =	ssyncadd.s32 $0xFFFFFF80  }
0x13: {  	[tilespmem:s12], [sflag:$0x5] =	stream.linear.gather [hbm4b:s6+s2], $0x80, $0x38;
	[tilespmem:$0x14100] =	vst v63  }
0x14: {  	_ =	swait.ge [sflag:s11], $0x80  }
0x15: {  	[sflag:s11] =	ssyncset.done $0x0  }
0x16: {  	[sflag:s11] =	ssyncadd.s32 $0xFFFFFF80  }
0x17: {  	[tilespmem:s2], [sflag:$0x5] =	stream.linear.gather [hbm4b:s7+s2], $0x4000, $0x38;
	[tilespmem:$0x14100] =	vst v63  }
0x18: {  	_ =	swait.ge [sflag:s11], $0x4000  }
0x19: {  	[sflag:s11] =	ssyncset.done $0x0  }
0x1a: {  	s0 =	simm.s32 $0x4100;
	[sflag:s11] =	ssyncadd.s32 $0xFFFFC000  }
0x1b: {  	[tilespmem:s0], [sflag:$0x1] =	stream.indirect.gather [hbm4b:s3+s13], $0x40, s10, s13, $0xb8;
	[tilespmem:$0x14100] =	vst v63  }
0x1c: {  	_ =	swait.ge [sflag:s15], $0x2000  }
0x1d: {  	[sflag:s15] =	ssyncset.done $0x0  }
0x1e: {  	s31 =	simm.s32 $0x6100;
	[sflag:s15] =	ssyncadd.s32 $0xFFFFE000  }
0x1f: {  	[tilespmem:s31], [sflag:$0x1] =	stream.indirect.gather [hbm4b:s4+s13], $0x40, s12, s13, $0xb8;
	[tilespmem:$0x14100] =	vst v63  }
0x20: {  	_ =	swait.ge [sflag:s15], $0x2000  }
0x21: {  	[sflag:s15] =	ssyncset.done $0x0  }
0x22: {  	s0 =	simm.s32 $0x4180;
	[sflag:s15] =	ssyncadd.s32 $0xFFFFE000  }
0x23: {  	s1 =	simm.s32 $0x6180;
	v6 =	vld [tilespmem:s0+$0xFFFFFF80]  }
0x24: {  	v7 =	vld [tilespmem:s1+$0xFFFFFF80];
	_ =	sdelay $0x4  }
0x25: {  	v6 =	vadd.f32 v7, v6;
	_ =	sdelay $0x1  }
0x26: {  	[tilespmem:s0+$0xFFFFFF80] =	vst v6;
	v6 =	vld [tilespmem:s0+$0xFFFFFF90]  }
0x27: {  	v7 =	vld [tilespmem:s1+$0xFFFFFF90];
	_ =	sdelay $0x4  }
0x28: {  	v6 =	vadd.f32 v7, v6;
	_ =	sdelay $0x1  }
0x29: {  	[tilespmem:s0+$0xFFFFFF90] =	vst v6;
	v6 =	vld [tilespmem:s0+$0xFFFFFFA0]  }
0x2a: {  	v7 =	vld [tilespmem:s1+$0xFFFFFFA0];
	_ =	sdelay $0x4  }
0x2b: {  	v6 =	vadd.f32 v7, v6;
	_ =	sdelay $0x1  }
0x2c: {  	[tilespmem:s0+$0xFFFFFFA0] =	vst v6;
	v6 =	vld [tilespmem:s0+$0xFFFFFFB0]  }
0x2d: {  	v7 =	vld [tilespmem:s1+$0xFFFFFFB0];
	_ =	sdelay $0x4  }
0x2e: {  	v6 =	vadd.f32 v7, v6;
	_ =	sdelay $0x1  }
0x2f: {  	[tilespmem:s0+$0xFFFFFFB0] =	vst v6;
	v6 =	vld [tilespmem:s0+$0xFFFFFFC0]  }
0x30: {  	v7 =	vld [tilespmem:s1+$0xFFFFFFC0];
	_ =	sdelay $0x4  }
0x31: {  	v6 =	vadd.f32 v7, v6;
	_ =	sdelay $0x1  }
0x32: {  	[tilespmem:s0+$0xFFFFFFC0] =	vst v6;
	v6 =	vld [tilespmem:s0+$0xFFFFFFD0]  }
0x33: {  	v7 =	vld [tilespmem:s1+$0xFFFFFFD0];
	_ =	sdelay $0x4  }
0x34: {  	v6 =	vadd.f32 v7, v6;
	_ =	sdelay $0x1  }
0x35: {  	[tilespmem:s0+$0xFFFFFFD0] =	vst v6;
	v6 =	vld [tilespmem:s0+$0xFFFFFFE0]  }
0x36: {  	v7 =	vld [tilespmem:s1+$0xFFFFFFE0];
	_ =	sdelay $0x4  }
0x37: {  	v6 =	vadd.f32 v7, v6;
	_ =	sdelay $0x1  }
0x38: {  	[tilespmem:s0+$0xFFFFFFE0] =	vst v6;
	v6 =	vld [tilespmem:s0+$0xFFFFFFF0]  }
0x39: {  	v7 =	vld [tilespmem:s1+$0xFFFFFFF0];
	_ =	sdelay $0x4  }
0x3a: {  	v6 =	vadd.f32 v7, v6;
	_ =	sdelay $0x1  }
0x3b: {  	[tilespmem:s0+$0xFFFFFFF0] =	vst v6;
	v6 =	vld [tilespmem:s0+$0x0]  }
0x3c: {  	v7 =	vld [tilespmem:s1+$0x0];
	_ =	sdelay $0x4  }
0x3d: {  	v6 =	vadd.f32 v7, v6;
	_ =	sdelay $0x1  }
0x3e: {  	[tilespmem:s0+$0x0] =	vst v6;
	v6 =	vld [tilespmem:s0+$0x10]  }
0x3f: {  	v7 =	vld [tilespmem:s1+$0x10];
	_ =	sdelay $0x4  }
0x40: {  	v6 =	vadd.f32 v7, v6;
	_ =	sdelay $0x1  }
0x41: {  	[tilespmem:s0+$0x10] =	vst v6;
	v6 =	vld [tilespmem:s0+$0x20]  }
0x42: {  	v7 =	vld [tilespmem:s1+$0x20];
	_ =	sdelay $0x4  }
0x43: {  	v6 =	vadd.f32 v7, v6;
	_ =	sdelay $0x1  }
0x44: {  	[tilespmem:s0+$0x20] =	vst v6;
	v6 =	vld [tilespmem:s0+$0x30]  }
0x45: {  	v7 =	vld [tilespmem:s1+$0x30];
	_ =	sdelay $0x4  }
0x46: {  	v6 =	vadd.f32 v7, v6;
	_ =	sdelay $0x1  }
0x47: {  	[tilespmem:s0+$0x30] =	vst v6;
	v6 =	vld [tilespmem:s0+$0x40]  }
0x48: {  	v7 =	vld [tilespmem:s1+$0x40];
	_ =	sdelay $0x4  }
0x49: {  	v6 =	vadd.f32 v7, v6;
	_ =	sdelay $0x1  }
0x4a: {  	[tilespmem:s0+$0x40] =	vst v6;
	v6 =	vld [tilespmem:s0+$0x50]  }
0x4b: {  	v7 =	vld [tilespmem:s1+$0x50];
	_ =	sdelay $0x4  }
0x4c: {  	v6 =	vadd.f32 v7, v6;
	_ =	sdelay $0x1  }
0x4d: {  	[tilespmem:s0+$0x50] =	vst v6;
	v6 =	vld [tilespmem:s0+$0x60]  }
0x4e: {  	v7 =	vld [tilespmem:s1+$0x60];
	_ =	sdelay $0x4  }
0x4f: {  	v6 =	vadd.f32 v7, v6;
	_ =	sdelay $0x1  }
0x50: {  	[tilespmem:s0+$0x60] =	vst v6;
	v6 =	vld [tilespmem:s0+$0x70]  }
0x51: {  	v7 =	vld [tilespmem:s1+$0x70];
	_ =	sdelay $0x4  }
0x52: {  	v6 =	vadd.f32 v7, v6  }
0x53: {  	s14 =	simm.s32 $0x0;
	s16 =	simm.s32 $0x4280  }
.LBB2_2:
0x54: {  	v7 =	vld [tilespmem:s16+$0xFFFFFF80];
	[tilespmem:s0+$0x70] =	vst v6;
	s1 =	sadd.s32 $0x100, s1;
	s0 =	smov.u32 s16  }
0x55: {  	s14 =	sadd.s32 $0x4, s14;
	v6 =	vld [tilespmem:s1+$0xFFFFFF80]  }
0x56: {  	p0 =	slt.u32 s14, $0x7C;
	_ =	sdelay $0x3  }
0x57: {  	v6 =	vadd.f32 v6, v7;
	_ =	sdelay $0x1  }
0x58: {  	[tilespmem:s16+$0xFFFFFF80] =	vst v6;
	v6 =	vld [tilespmem:s16+$0xFFFFFF90]  }
0x59: {  	v7 =	vld [tilespmem:s1+$0xFFFFFF90];
	_ =	sdelay $0x4  }
0x5a: {  	v6 =	vadd.f32 v7, v6;
	_ =	sdelay $0x1  }
0x5b: {  	[tilespmem:s16+$0xFFFFFF90] =	vst v6;
	v6 =	vld [tilespmem:s16+$0xFFFFFFA0]  }
0x5c: {  	v7 =	vld [tilespmem:s1+$0xFFFFFFA0];
	_ =	sdelay $0x4  }
0x5d: {  	v6 =	vadd.f32 v7, v6;
	_ =	sdelay $0x1  }
0x5e: {  	[tilespmem:s16+$0xFFFFFFA0] =	vst v6;
	v6 =	vld [tilespmem:s16+$0xFFFFFFB0]  }
0x5f: {  	v7 =	vld [tilespmem:s1+$0xFFFFFFB0];
	_ =	sdelay $0x4  }
0x60: {  	v6 =	vadd.f32 v7, v6;
	_ =	sdelay $0x1  }
0x61: {  	[tilespmem:s16+$0xFFFFFFB0] =	vst v6;
	v6 =	vld [tilespmem:s16+$0xFFFFFFC0]  }
0x62: {  	v7 =	vld [tilespmem:s1+$0xFFFFFFC0];
	_ =	sdelay $0x4  }
0x63: {  	v6 =	vadd.f32 v7, v6;
	_ =	sdelay $0x1  }
0x64: {  	[tilespmem:s16+$0xFFFFFFC0] =	vst v6;
	v6 =	vld [tilespmem:s16+$0xFFFFFFD0]  }
0x65: {  	v7 =	vld [tilespmem:s1+$0xFFFFFFD0];
	_ =	sdelay $0x4  }
0x66: {  	v6 =	vadd.f32 v7, v6;
	_ =	sdelay $0x1  }
0x67: {  	[tilespmem:s16+$0xFFFFFFD0] =	vst v6;
	v6 =	vld [tilespmem:s16+$0xFFFFFFE0]  }
0x68: {  	v7 =	vld [tilespmem:s1+$0xFFFFFFE0];
	_ =	sdelay $0x4  }
0x69: {  	v6 =	vadd.f32 v7, v6;
	_ =	sdelay $0x1  }
0x6a: {  	[tilespmem:s16+$0xFFFFFFE0] =	vst v6;
	v6 =	vld [tilespmem:s16+$0xFFFFFFF0]  }
0x6b: {  	v7 =	vld [tilespmem:s1+$0xFFFFFFF0];
	_ =	sdelay $0x4  }
0x6c: {  	v6 =	vadd.f32 v7, v6;
	_ =	sdelay $0x1  }
0x6d: {  	[tilespmem:s16+$0xFFFFFFF0] =	vst v6;
	v6 =	vld [tilespmem:s16+$0x0]  }
0x6e: {  	v7 =	vld [tilespmem:s1+$0x0];
	_ =	sdelay $0x4  }
0x6f: {  	v6 =	vadd.f32 v7, v6;
	_ =	sdelay $0x1  }
0x70: {  	[tilespmem:s16+$0x0] =	vst v6;
	v6 =	vld [tilespmem:s16+$0x10]  }
0x71: {  	v7 =	vld [tilespmem:s1+$0x10];
	_ =	sdelay $0x4  }
0x72: {  	v6 =	vadd.f32 v7, v6;
	_ =	sdelay $0x1  }
0x73: {  	[tilespmem:s16+$0x10] =	vst v6;
	v6 =	vld [tilespmem:s16+$0x20]  }
0x74: {  	v7 =	vld [tilespmem:s1+$0x20];
	_ =	sdelay $0x4  }
0x75: {  	v6 =	vadd.f32 v7, v6;
	_ =	sdelay $0x1  }
0x76: {  	[tilespmem:s16+$0x20] =	vst v6;
	v6 =	vld [tilespmem:s16+$0x30]  }
0x77: {  	v7 =	vld [tilespmem:s1+$0x30];
	_ =	sdelay $0x4  }
0x78: {  	v6 =	vadd.f32 v7, v6;
	_ =	sdelay $0x1  }
0x79: {  	[tilespmem:s16+$0x30] =	vst v6;
	v6 =	vld [tilespmem:s16+$0x40]  }
0x7a: {  	v7 =	vld [tilespmem:s1+$0x40];
	_ =	sdelay $0x4  }
0x7b: {  	v6 =	vadd.f32 v7, v6;
	_ =	sdelay $0x1  }
0x7c: {  	[tilespmem:s16+$0x40] =	vst v6;
	v6 =	vld [tilespmem:s16+$0x50]  }
0x7d: {  	v7 =	vld [tilespmem:s1+$0x50];
	_ =	sdelay $0x4  }
0x7e: {  	v6 =	vadd.f32 v7, v6;
	_ =	sdelay $0x1  }
0x7f: {  	[tilespmem:s16+$0x50] =	vst v6;
	v6 =	vld [tilespmem:s16+$0x60]  }
0x80: {  	v7 =	vld [tilespmem:s1+$0x60];
	_ =	sdelay $0x4  }
0x81: {  	v6 =	vadd.f32 v7, v6;
	_ =	sdelay $0x1  }
0x82: {  	[tilespmem:s16+$0x60] =	vst v6;
	v6 =	vld [tilespmem:s16+$0x70]  }
0x83: {  	v7 =	vld [tilespmem:s1+$0x70];
	_ =	sdelay $0x1  }
.Ltmp0:
0x84: {  	(pc) =	sbr.rel @p0 .LBB2_2-.Ltmp0, $3  }
0x85: {  	_ =	sdelay $0x1  }
0x86: {  	v6 =	vadd.f32 v7, v6  }
0x87: {  	s16 =	sadd.s32 $0x100, s16  }
0x88: {  	[tilespmem:s0+$0x70] =	vst v6;
	s30 =	simm.s32 $0x8100  }
0x89: {  	[tilespmem:s30], [sflag:$0x1] =	stream.indirect.gather [hbm4b:s3+s13], $0x40, s28, s13, $0xb8;
	[tilespmem:$0x14100] =	vst v63  }
0x8a: {  	s31 =	simm.s32 $0xA100  }
0x8b: {  	[tilespmem:s31], [sflag:$0x2] =	stream.indirect.gather [hbm4b:s3+s13], $0x40, s13, s13, $0xb8;
	[tilespmem:$0x14100] =	vst v63  }
0x8c: {  	s29 =	simm.s32 $0x0  }
0x8d: {  	[tilespmem:s20], [sflag:$0x3] =	stream.indirect.gather [hbm4b:s3+s13], $0x40, s19, s13, $0xb8;
	[tilespmem:$0x14100] =	vst v63  }
.LBB2_4:
0x8e: {  	s31 =	sshllo.u32 s29, $0x2  }
0x8f: {  	s30 =	sshll.u32 s31, $0x7  }
0x90: {  	s0 =	sand.u32 $0x3FFFFF80, s30  }
0x91: {  	[tilespmem:s21], [sflag:$0x4] =	stream.indirect.gather [hbm4b:s3+s13], $0x40, s0, s13, $0xb8;
	[tilespmem:$0x14100] =	vst v63  }
0x92: {  	_ =	swait.ge [sflag:s15], $0x2000  }
0x93: {  	s17 =	sshll.u32 s29, $0x8;
	[sflag:s15] =	ssyncset.done $0x0  }
0x94: {  	s0 =	sand.u32 $0x3FFFFF00, s17;
	[sflag:s15] =	ssyncadd.s32 $0xFFFFE000  }
0x95: {  	v6 =	vld [tilespmem:s0+$0x4100]  }
0x96: {  	v7 =	vld [tilespmem:s0+$0x4110]  }
0x97: {  	v8 =	vld [tilespmem:s0+$0x4120]  }
0x98: {  	v9 =	vld [tilespmem:s0+$0x4130];
	s0 =	simm.s32 $0x8200  }
0x99: {  	v10 =	vld [tilespmem:s0+$0xFFFFFF00]  }
0x9a: {  	v11 =	vld [tilespmem:s0+$0xFFFFFF50]  }
0x9b: {  	v12 =	vld [tilespmem:s0+$0xFFFFFF40]  }
0x9c: {  	v13 =	vld [tilespmem:s0+$0xFFFFFF10]  }
0x9d: {  	v14 =	vld [tilespmem:s0+$0xFFFFFF60]  }
0x9e: {  	v15 =	vld [tilespmem:s0+$0xFFFFFF20];
	_ =	sdelay $0x1  }
0x9f: {  	v16 =	vld [tilespmem:s0+$0xFFFFFF70]  }
0xa0: {  	v17 =	vld [tilespmem:s0+$0xFFFFFF30];
	v10 =	vsub.f32 v6, v10;
	v11 =	vsub.f32 v7, v11  }
0xa1: {  	v12 =	vsub.f32 v6, v12;
	v13 =	vsub.f32 v7, v13  }
0xa2: {  	v14 =	vsub.f32 v8, v14;
	v15 =	vsub.f32 v8, v15;
	v11 =	vand.u32 $0x7FFFFFFF, v11  }
0xa3: {  	v10 =	vand.u32 $0x7FFFFFFF, v10;
	v12 =	vand.u32 $0x7FFFFFFF, v12;
	v13 =	vand.u32 $0x7FFFFFFF, v13  }
0xa4: {  	v11 =	vadd.f32 v11, v12;
	v10 =	vadd.f32 v13, v10;
	v12 =	vand.u32 $0x7FFFFFFF, v14  }
0xa5: {  	v13 =	vsub.f32 v9, v16;
	v14 =	vand.u32 $0x7FFFFFFF, v15;
	v15 =	vsub.f32 v9, v17  }
0xa6: {  	v11 =	vadd.f32 v12, v11;
	v10 =	vadd.f32 v14, v10  }
0xa7: {  	v12 =	vand.u32 $0x7FFFFFFF, v13;
	v13 =	vand.u32 $0x7FFFFFFF, v15  }
0xa8: {  	v11 =	vadd.f32 v12, v11;
	v10 =	vadd.f32 v13, v10;
	_ =	sdelay $0x1  }
0xa9: {  	v12 =	vperm.xlane v11, v0;
	v13 =	vperm.xlane v10, v0;
	_ =	sdelay $0x1  }
0xaa: {  	v11 =	vadd.f32 v11, v12;
	v10 =	vadd.f32 v13, v10;
	_ =	sdelay $0x1  }
0xab: {  	v10 =	vsel vm1, v10, v11  }
0xac: {  	v10 =	vsub.f32 $1.500000000e+00, v10;
	_ =	sdelay $0x1  }
0xad: {  	(xrf2) =	vadd.scan.msk.f32 $0xffff, v10  }
0xae: {  	v10 =	vmov s28  }
0xaf: {  	s1 =	sshll.u32 s29, $0x9;
	s14 =	simm.s32 $0x1;
	v11 =	vshrl.u32 v10, $0x3  }
0xb0: {  	v12 =	vmov s14;
	v10 =	vmov s1;
	v11 =	vshll.u32 v11, v1  }
0xb1: {  	v12 =	vshrl.u32 v12, $0x3;
	v13 =	vadd.s32 v10, v11  }
0xb2: {  	v12 =	vshll.u32 v12, v1;
	v11 =	vor.u32 $0x1, v10;
	v13 =	vbroadcast v13, $0x0  }
0xb3: {  	v12 =	vadd.s32 v12, v11  }
0xb4: {  	v12 =	vbroadcast v12, $0x0;
	v13 =	vor.u32 v2, v13;
	_ =	sdelay $0x2  }
0xb5: {  	v14, _, _ =	vpop (xrf2)  }
0xb6: {  	v15 =	vsub.f32 $0.0e+00, v14  }
0xb7: {  	[tilespmem:v13+s22+$0x0] =	vst.idx.msk vm2, v14  }
0xb8: {  	[tilespmem:v12+s22+$0x0] =	vst.idx.add.f32.msk vm0, v15  }
0xb9: {  	v12 =	vld [tilespmem:s0+$0xFFFFFFC0]  }
0xba: {  	v13 =	vld [tilespmem:s0+$0xFFFFFF90]  }
0xbb: {  	v14 =	vld [tilespmem:s0+$0xFFFFFFD0]  }
0xbc: {  	v15 =	vld [tilespmem:s0+$0xFFFFFF80]  }
0xbd: {  	v16 =	vld [tilespmem:s0+$0xFFFFFFE0]  }
0xbe: {  	v17 =	vld [tilespmem:s0+$0xFFFFFFA0];
	_ =	sdelay $0x1  }
0xbf: {  	v18 =	vld [tilespmem:s0+$0xFFFFFFF0]  }
0xc0: {  	v19 =	vld [tilespmem:s0+$0xFFFFFFB0];
	v12 =	vsub.f32 v6, v12;
	v13 =	vsub.f32 v7, v13  }
0xc1: {  	v14 =	vsub.f32 v7, v14;
	v15 =	vsub.f32 v6, v15  }
0xc2: {  	v16 =	vsub.f32 v8, v16;
	v17 =	vsub.f32 v8, v17;
	v12 =	vand.u32 $0x7FFFFFFF, v12  }
0xc3: {  	v13 =	vand.u32 $0x7FFFFFFF, v13;
	v14 =	vand.u32 $0x7FFFFFFF, v14;
	v15 =	vand.u32 $0x7FFFFFFF, v15  }
0xc4: {  	v12 =	vadd.f32 v14, v12;
	v13 =	vadd.f32 v13, v15;
	v14 =	vand.u32 $0x7FFFFFFF, v16  }
0xc5: {  	v15 =	vsub.f32 v9, v18;
	v16 =	vand.u32 $0x7FFFFFFF, v17;
	v17 =	vsub.f32 v9, v19  }
0xc6: {  	v12 =	vadd.f32 v14, v12;
	v13 =	vadd.f32 v16, v13  }
0xc7: {  	v14 =	vand.u32 $0x7FFFFFFF, v15;
	v15 =	vand.u32 $0x7FFFFFFF, v17  }
0xc8: {  	v12 =	vadd.f32 v14, v12;
	v13 =	vadd.f32 v15, v13;
	_ =	sdelay $0x1  }
0xc9: {  	v14 =	vperm.xlane v12, v0;
	v15 =	vperm.xlane v13, v0;
	_ =	sdelay $0x1  }
0xca: {  	v12 =	vadd.f32 v12, v14;
	v13 =	vadd.f32 v15, v13;
	_ =	sdelay $0x1  }
0xcb: {  	v12 =	vsel vm1, v13, v12  }
0xcc: {  	v12 =	vsub.f32 $1.500000000e+00, v12;
	_ =	sdelay $0x1  }
0xcd: {  	s18 =	simm.s32 $0x2;
	(xrf2) =	vadd.scan.msk.f32 $0xffff, v12  }
0xce: {  	v12 =	vmov s18  }
0xcf: {  	s14 =	simm.s32 $0x3;
	v12 =	vshrl.u32 v12, $0x3  }
0xd0: {  	v13 =	vmov s14;
	v12 =	vshll.u32 v12, v1  }
0xd1: {  	v13 =	vshrl.u32 v13, $0x3;
	v14 =	vadd.s32 v10, v12  }
0xd2: {  	v13 =	vshll.u32 v13, v1;
	v12 =	vor.u32 $0x3, v10;
	v14 =	vbroadcast v14, $0x0  }
0xd3: {  	v13 =	vadd.s32 v13, v12  }
0xd4: {  	v13 =	vbroadcast v13, $0x0;
	v14 =	vor.u32 v3, v14;
	_ =	sdelay $0x2  }
0xd5: {  	v15, _, _ =	vpop (xrf2)  }
0xd6: {  	v16 =	vsub.f32 $0.0e+00, v15  }
0xd7: {  	[tilespmem:v14+s22+$0x0] =	vst.idx.msk vm2, v15  }
0xd8: {  	[tilespmem:v13+s22+$0x0] =	vst.idx.add.f32.msk vm0, v16  }
0xd9: {  	v13 =	vld [tilespmem:s0+$0x50]  }
0xda: {  	v14 =	vld [tilespmem:s0+$0x0]  }
0xdb: {  	v15 =	vld [tilespmem:s0+$0x10]  }
0xdc: {  	v16 =	vld [tilespmem:s0+$0x40]  }
0xdd: {  	v17 =	vld [tilespmem:s0+$0x20]  }
0xde: {  	v57 =	vld [tilespmem:s0+$0x60]  }
0xdf: {  	v20 =	vld [tilespmem:s0+$0x70];
	_ =	sdelay $0x1  }
0xe0: {  	v13 =	vsub.f32 v7, v13  }
0xe1: {  	v58 =	vld [tilespmem:s0+$0x30];
	v14 =	vsub.f32 v6, v14;
	v15 =	vsub.f32 v7, v15  }
0xe2: {  	v16 =	vsub.f32 v6, v16;
	v17 =	vsub.f32 v8, v17  }
0xe3: {  	v18 =	vsub.f32 v8, v57;
	v59 =	vsub.f32 v9, v20;
	v13 =	vand.u32 $0x7FFFFFFF, v13  }
0xe4: {  	v14 =	vand.u32 $0x7FFFFFFF, v14;
	v15 =	vand.u32 $0x7FFFFFFF, v15;
	v16 =	vand.u32 $0x7FFFFFFF, v16  }
0xe5: {  	v14 =	vadd.f32 v15, v14;
	v13 =	vadd.f32 v13, v16  }
0xe6: {  	v15 =	vand.u32 $0x7FFFFFFF, v17;
	v16 =	vsub.f32 v9, v58;
	v17 =	vand.u32 $0x7FFFFFFF, v18  }
0xe7: {  	v14 =	vadd.f32 v15, v14;
	v13 =	vadd.f32 v17, v13  }
0xe8: {  	v15 =	vand.u32 $0x7FFFFFFF, v16;
	v16 =	vand.u32 $0x7FFFFFFF, v59  }
0xe9: {  	v14 =	vadd.f32 v15, v14;
	v13 =	vadd.f32 v16, v13;
	_ =	sdelay $0x1  }
0xea: {  	v15 =	vperm.xlane v14, v0;
	v16 =	vperm.xlane v13, v0;
	_ =	sdelay $0x1  }
0xeb: {  	v14 =	vadd.f32 v15, v14;
	v13 =	vadd.f32 v13, v16;
	_ =	sdelay $0x1  }
0xec: {  	v13 =	vsel vm1, v14, v13  }
0xed: {  	v13 =	vsub.f32 $1.500000000e+00, v13;
	_ =	sdelay $0x1  }
0xee: {  	s16 =	simm.s32 $0x4;
	(xrf2) =	vadd.scan.msk.f32 $0xffff, v13  }
0xef: {  	v13 =	vmov s16  }
0xf0: {  	s17 =	simm.s32 $0x5;
	v13 =	vshrl.u32 v13, $0x3  }
0xf1: {  	v14 =	vmov s17;
	v13 =	vshll.u32 v13, v1  }
0xf2: {  	v14 =	vshrl.u32 v14, $0x3;
	v15 =	vadd.s32 v10, v13  }
0xf3: {  	v14 =	vshll.u32 v14, v1;
	v13 =	vor.u32 $0x5, v10;
	v15 =	vbroadcast v15, $0x0  }
0xf4: {  	v14 =	vadd.s32 v14, v13  }
0xf5: {  	v14 =	vbroadcast v14, $0x0;
	v15 =	vor.u32 v4, v15;
	_ =	sdelay $0x2  }
0xf6: {  	v16, _, _ =	vpop (xrf2)  }
0xf7: {  	v17 =	vsub.f32 $0.0e+00, v16  }
0xf8: {  	[tilespmem:v15+s22+$0x0] =	vst.idx.msk vm2, v16  }
0xf9: {  	[tilespmem:v14+s22+$0x0] =	vst.idx.add.f32.msk vm0, v17  }
0xfa: {  	v14 =	vld [tilespmem:s0+$0xA0]  }
0xfb: {  	v15 =	vld [tilespmem:s0+$0x80]  }
0xfc: {  	v16 =	vld [tilespmem:s0+$0xD0]  }
0xfd: {  	v17 =	vld [tilespmem:s0+$0x90]  }
0xfe: {  	v60 =	vld [tilespmem:s0+$0xC0]  }
0xff: {  	v61 =	vld [tilespmem:s0+$0xE0]  }
0x100: {  	v21 =	vld [tilespmem:s0+$0xF0];
	_ =	sdelay $0x1  }
0x101: {  	v15 =	vsub.f32 v6, v15  }
0x102: {  	v62 =	vld [tilespmem:s0+$0xB0];
	v16 =	vsub.f32 v7, v16;
	v17 =	vsub.f32 v7, v17  }
0x103: {  	v18 =	vsub.f32 v6, v60;
	v19 =	vsub.f32 v8, v61  }
0x104: {  	v14 =	vsub.f32 v8, v14;
	v63 =	vsub.f32 v9, v21;
	v15 =	vand.u32 $0x7FFFFFFF, v15  }
0x105: {  	v16 =	vand.u32 $0x7FFFFFFF, v16;
	v17 =	vand.u32 $0x7FFFFFFF, v17;
	v18 =	vand.u32 $0x7FFFFFFF, v18  }
0x106: {  	v15 =	vadd.f32 v17, v15;
	v16 =	vadd.f32 v16, v18  }
0x107: {  	v14 =	vand.u32 $0x7FFFFFFF, v14;
	v19 =	vand.u32 $0x7FFFFFFF, v19;
	v17 =	vsub.f32 v9, v62  }
0x108: {  	v14 =	vadd.f32 v14, v15;
	v15 =	vadd.f32 v19, v16  }
0x109: {  	v16 =	vand.u32 $0x7FFFFFFF, v17;
	v17 =	vand.u32 $0x7FFFFFFF, v63  }
0x10a: {  	v14 =	vadd.f32 v16, v14;
	v15 =	vadd.f32 v17, v15;
	_ =	sdelay $0x1  }
0x10b: {  	v16 =	vperm.xlane v14, v0;
	v17 =	vperm.xlane v15, v0;
	_ =	sdelay $0x1  }
0x10c: {  	v14 =	vadd.f32 v16, v14;
	v15 =	vadd.f32 v15, v17;
	_ =	sdelay $0x1  }
0x10d: {  	v14 =	vsel vm1, v14, v15  }
0x10e: {  	v15 =	vsub.f32 $1.500000000e+00, v14  }
0x10f: {  	s18 =	simm.s32 $0x6  }
0x110: {  	s1 =	sshll.u32 s29, $0x2;
	v16 =	vmov s18;
	(xrf2) =	vadd.scan.msk.f32 $0xffff, v15  }
0x111: {  	s14 =	simm.s32 $0x0;
	s17 =	simm.s32 $0x7;
	s16 =	simm.s32 $0x0;
	v14 =	vor.u32 $0x7, v10;
	v15 =	vshrl.u32 v16, $0x3  }
.LBB2_5:
0x112: {  	s14 =	sadd.s32 $0x4, s14;
	v15 =	vshll.u32 v15, v1;
	v16 =	vmov s17;
	s16 =	sadd.s32 $0x8, s16;
	s0 =	sadd.s32 $0x200, s0  }
0x113: {  	p0 =	slt.u32 s14, $0x3C;
	v15 =	vadd.s32 v10, v15;
	v16 =	vshrl.u32 v16, $0x3  }
0x114: {  	v15 =	vbroadcast v15, $0x0;
	v16 =	vshll.u32 v16, v1  }
0x115: {  	v16 =	vadd.s32 v16, v14  }
0x116: {  	v15 =	vor.u32 v5, v15;
	v16 =	vbroadcast v16, $0x0;
	_ =	sdelay $0x3  }
0x117: {  	v17, _, _ =	vpop (xrf2)  }
0x118: {  	[tilespmem:v15+s22+$0x0] =	vst.idx.msk vm2, v17;
	v15 =	vsub.f32 $0.0e+00, v17;
	_ =	sdelay $0x1  }
0x119: {  	[tilespmem:v16+s22+$0x0] =	vst.idx.add.f32.msk vm0, v15  }
0x11a: {  	v15 =	vld [tilespmem:s0+$0xFFFFFF00]  }
0x11b: {  	v16 =	vld [tilespmem:s0+$0xFFFFFF50]  }
0x11c: {  	v17 =	vld [tilespmem:s0+$0xFFFFFF40]  }
0x11d: {  	v18 =	vld [tilespmem:s0+$0xFFFFFF10]  }
0x11e: {  	v19 =	vld [tilespmem:s0+$0xFFFFFF60]  }
0x11f: {  	v20 =	vld [tilespmem:s0+$0xFFFFFF20];
	v15 =	vsub.f32 v6, v15  }
0x120: {  	v21 =	vld [tilespmem:s0+$0xFFFFFF70];
	v16 =	vsub.f32 v7, v16  }
0x121: {  	v22 =	vld [tilespmem:s0+$0xFFFFFF30];
	v17 =	vsub.f32 v6, v17  }
0x122: {  	v18 =	vsub.f32 v7, v18;
	v16 =	vand.u32 $0x7FFFFFFF, v16  }
0x123: {  	v15 =	vand.u32 $0x7FFFFFFF, v15;
	v17 =	vand.u32 $0x7FFFFFFF, v17;
	v19 =	vsub.f32 v8, v19  }
0x124: {  	v18 =	vand.u32 $0x7FFFFFFF, v18;
	v20 =	vsub.f32 v8, v20;
	v16 =	vadd.f32 v16, v17  }
0x125: {  	v15 =	vadd.f32 v18, v15;
	v17 =	vand.u32 $0x7FFFFFFF, v19;
	v18 =	vsub.f32 v9, v21  }
0x126: {  	v19 =	vand.u32 $0x7FFFFFFF, v20;
	v20 =	vsub.f32 v9, v22;
	v16 =	vadd.f32 v17, v16  }
0x127: {  	v15 =	vadd.f32 v19, v15;
	v17 =	vand.u32 $0x7FFFFFFF, v18  }
0x128: {  	v18 =	vand.u32 $0x7FFFFFFF, v20;
	v16 =	vadd.f32 v17, v16  }
0x129: {  	v15 =	vadd.f32 v18, v15  }
0x12a: {  	v17 =	vperm.xlane v16, v0  }
0x12b: {  	v18 =	vperm.xlane v15, v0  }
0x12c: {  	v16 =	vadd.f32 v16, v17  }
0x12d: {  	v15 =	vadd.f32 v18, v15;
	_ =	sdelay $0x1  }
0x12e: {  	v15 =	vsel vm1, v15, v16  }
0x12f: {  	v15 =	vsub.f32 $1.500000000e+00, v15;
	_ =	sdelay $0x1  }
0x130: {  	(xrf2) =	vadd.scan.msk.f32 $0xffff, v15  }
0x131: {  	v15 =	vmov s16  }
0x132: {  	s17 =	sadd.s32 $0x1, s16;
	v15 =	vshrl.u32 v15, $0x3  }
0x133: {  	v16 =	vmov s17;
	v15 =	vshll.u32 v15, v1  }
0x134: {  	v16 =	vshrl.u32 v16, $0x3;
	v15 =	vadd.s32 v10, v15  }
0x135: {  	v16 =	vshll.u32 v16, v1;
	v15 =	vbroadcast v15, $0x0  }
0x136: {  	v16 =	vadd.s32 v16, v11  }
0x137: {  	v16 =	vbroadcast v16, $0x0;
	v15 =	vor.u32 v2, v15;
	_ =	sdelay $0x2  }
0x138: {  	v17, _, _ =	vpop (xrf2)  }
0x139: {  	v18 =	vsub.f32 $0.0e+00, v17  }
0x13a: {  	[tilespmem:v15+s22+$0x0] =	vst.idx.msk vm2, v17  }
0x13b: {  	[tilespmem:v16+s22+$0x0] =	vst.idx.add.f32.msk vm0, v18  }
0x13c: {  	v15 =	vld [tilespmem:s0+$0xFFFFFFC0]  }
0x13d: {  	v16 =	vld [tilespmem:s0+$0xFFFFFF90]  }
0x13e: {  	v17 =	vld [tilespmem:s0+$0xFFFFFFD0]  }
0x13f: {  	v18 =	vld [tilespmem:s0+$0xFFFFFF80]  }
0x140: {  	v19 =	vld [tilespmem:s0+$0xFFFFFFE0]  }
0x141: {  	v20 =	vld [tilespmem:s0+$0xFFFFFFA0];
	v15 =	vsub.f32 v6, v15  }
0x142: {  	v16 =	vsub.f32 v7, v16;
	v21 =	vld [tilespmem:s0+$0xFFFFFFF0]  }
0x143: {  	v22 =	vld [tilespmem:s0+$0xFFFFFFB0];
	v15 =	vand.u32 $0x7FFFFFFF, v15;
	v17 =	vsub.f32 v7, v17  }
0x144: {  	v18 =	vsub.f32 v6, v18;
	v16 =	vand.u32 $0x7FFFFFFF, v16  }
0x145: {  	v17 =	vand.u32 $0x7FFFFFFF, v17;
	v19 =	vsub.f32 v8, v19  }
0x146: {  	v18 =	vand.u32 $0x7FFFFFFF, v18;
	v20 =	vsub.f32 v8, v20;
	v15 =	vadd.f32 v17, v15  }
0x147: {  	v16 =	vadd.f32 v16, v18;
	v17 =	vand.u32 $0x7FFFFFFF, v19;
	v18 =	vsub.f32 v9, v21  }
0x148: {  	v19 =	vand.u32 $0x7FFFFFFF, v20;
	v20 =	vsub.f32 v9, v22;
	v15 =	vadd.f32 v17, v15  }
0x149: {  	v16 =	vadd.f32 v19, v16;
	v17 =	vand.u32 $0x7FFFFFFF, v18  }
0x14a: {  	v18 =	vand.u32 $0x7FFFFFFF, v20;
	v15 =	vadd.f32 v17, v15  }
0x14b: {  	v16 =	vadd.f32 v18, v16  }
0x14c: {  	v17 =	vperm.xlane v15, v0  }
0x14d: {  	v18 =	vperm.xlane v16, v0  }
0x14e: {  	v15 =	vadd.f32 v15, v17  }
0x14f: {  	v16 =	vadd.f32 v18, v16;
	_ =	sdelay $0x1  }
0x150: {  	v15 =	vsel vm1, v16, v15  }
0x151: {  	v15 =	vsub.f32 $1.500000000e+00, v15;
	_ =	sdelay $0x1  }
0x152: {  	s17 =	sadd.s32 $0x2, s16;
	(xrf2) =	vadd.scan.msk.f32 $0xffff, v15  }
0x153: {  	v15 =	vmov s17  }
0x154: {  	s17 =	sadd.s32 $0x3, s16;
	v15 =	vshrl.u32 v15, $0x3  }
0x155: {  	v16 =	vmov s17;
	v15 =	vshll.u32 v15, v1  }
0x156: {  	v16 =	vshrl.u32 v16, $0x3;
	v15 =	vadd.s32 v10, v15  }
0x157: {  	v16 =	vshll.u32 v16, v1;
	v15 =	vbroadcast v15, $0x0  }
0x158: {  	v16 =	vadd.s32 v16, v12  }
0x159: {  	v16 =	vbroadcast v16, $0x0;
	v15 =	vor.u32 v3, v15;
	_ =	sdelay $0x2  }
0x15a: {  	v17, _, _ =	vpop (xrf2)  }
0x15b: {  	v18 =	vsub.f32 $0.0e+00, v17  }
0x15c: {  	[tilespmem:v15+s22+$0x0] =	vst.idx.msk vm2, v17  }
0x15d: {  	[tilespmem:v16+s22+$0x0] =	vst.idx.add.f32.msk vm0, v18  }
0x15e: {  	v15 =	vld [tilespmem:s0+$0x50]  }
0x15f: {  	v16 =	vld [tilespmem:s0+$0x0]  }
0x160: {  	v17 =	vld [tilespmem:s0+$0x10]  }
0x161: {  	v18 =	vld [tilespmem:s0+$0x40]  }
0x162: {  	v19 =	vld [tilespmem:s0+$0x20]  }
0x163: {  	v20 =	vld [tilespmem:s0+$0x60];
	v15 =	vsub.f32 v7, v15  }
0x164: {  	v21 =	vld [tilespmem:s0+$0x30];
	v16 =	vsub.f32 v6, v16  }
0x165: {  	v17 =	vsub.f32 v7, v17;
	v22 =	vld [tilespmem:s0+$0x70]  }
0x166: {  	v15 =	vand.u32 $0x7FFFFFFF, v15;
	v18 =	vsub.f32 v6, v18  }
0x167: {  	v16 =	vand.u32 $0x7FFFFFFF, v16;
	v17 =	vand.u32 $0x7FFFFFFF, v17;
	v19 =	vsub.f32 v8, v19  }
0x168: {  	v16 =	vadd.f32 v17, v16;
	v17 =	vand.u32 $0x7FFFFFFF, v18;
	v18 =	vsub.f32 v8, v20  }
0x169: {  	v19 =	vand.u32 $0x7FFFFFFF, v19;
	v20 =	vsub.f32 v9, v21;
	v15 =	vadd.f32 v15, v17  }
0x16a: {  	v16 =	vadd.f32 v19, v16;
	v17 =	vand.u32 $0x7FFFFFFF, v18;
	v18 =	vsub.f32 v9, v22  }
0x16b: {  	v19 =	vand.u32 $0x7FFFFFFF, v20;
	v15 =	vadd.f32 v17, v15  }
0x16c: {  	v16 =	vadd.f32 v19, v16;
	v17 =	vand.u32 $0x7FFFFFFF, v18  }
0x16d: {  	v15 =	vadd.f32 v17, v15  }
0x16e: {  	v17 =	vperm.xlane v16, v0  }
0x16f: {  	v18 =	vperm.xlane v15, v0  }
0x170: {  	v16 =	vadd.f32 v17, v16  }
0x171: {  	v15 =	vadd.f32 v15, v18;
	_ =	sdelay $0x1  }
0x172: {  	v15 =	vsel vm1, v16, v15  }
0x173: {  	v15 =	vsub.f32 $1.500000000e+00, v15  }
0x174: {  	s17 =	sadd.s32 $0x4, s16  }
0x175: {  	v16 =	vmov s17;
	(xrf2) =	vadd.scan.msk.f32 $0xffff, v15  }
0x176: {  	v15 =	vshrl.u32 v16, $0x3  }
0x177: {  	s17 =	sadd.s32 $0x5, s16;
	v15 =	vshll.u32 v15, v1  }
0x178: {  	v16 =	vmov s17;
	v15 =	vadd.s32 v10, v15  }
0x179: {  	v16 =	vshrl.u32 v16, $0x3;
	v15 =	vbroadcast v15, $0x0  }
0x17a: {  	v16 =	vshll.u32 v16, v1  }
0x17b: {  	v16 =	vadd.s32 v16, v13;
	v15 =	vor.u32 v4, v15  }
0x17c: {  	v16 =	vbroadcast v16, $0x0;
	_ =	sdelay $0x2  }
0x17d: {  	v17, _, _ =	vpop (xrf2)  }
0x17e: {  	[tilespmem:v15+s22+$0x0] =	vst.idx.msk vm2, v17;
	v15 =	vsub.f32 $0.0e+00, v17;
	_ =	sdelay $0x1  }
0x17f: {  	[tilespmem:v16+s22+$0x0] =	vst.idx.add.f32.msk vm0, v15  }
0x180: {  	v15 =	vld [tilespmem:s0+$0xA0]  }
0x181: {  	v16 =	vld [tilespmem:s0+$0x80]  }
0x182: {  	v17 =	vld [tilespmem:s0+$0xE0]  }
0x183: {  	v18 =	vld [tilespmem:s0+$0xD0]  }
0x184: {  	v19 =	vld [tilespmem:s0+$0x90]  }
0x185: {  	v20 =	vld [tilespmem:s0+$0xC0]  }
0x186: {  	v21 =	vld [tilespmem:s0+$0xB0];
	v16 =	vsub.f32 v6, v16  }
0x187: {  	v22 =	vld [tilespmem:s0+$0xF0];
	v17 =	vsub.f32 v8, v17  }
0x188: {  	v18 =	vsub.f32 v7, v18  }
0x189: {  	v15 =	vsub.f32 v8, v15;
	v19 =	vsub.f32 v7, v19  }
0x18a: {  	v16 =	vand.u32 $0x7FFFFFFF, v16;
	v20 =	vsub.f32 v6, v20;
	v18 =	vand.u32 $0x7FFFFFFF, v18  }
0x18b: {  	v15 =	vand.u32 $0x7FFFFFFF, v15;
	v19 =	vand.u32 $0x7FFFFFFF, v19;
	v21 =	vsub.f32 v9, v21  }
0x18c: {  	v16 =	vadd.f32 v19, v16;
	v19 =	vand.u32 $0x7FFFFFFF, v20;
	v20 =	vsub.f32 v9, v22  }
0x18d: {  	v17 =	vand.u32 $0x7FFFFFFF, v17;
	v18 =	vadd.f32 v18, v19  }
0x18e: {  	v15 =	vadd.f32 v15, v16  }
0x18f: {  	v16 =	vand.u32 $0x7FFFFFFF, v21;
	v17 =	vadd.f32 v17, v18;
	v18 =	vand.u32 $0x7FFFFFFF, v20  }
0x190: {  	v15 =	vadd.f32 v16, v15  }
0x191: {  	v16 =	vadd.f32 v18, v17  }
0x192: {  	v17 =	vperm.xlane v15, v0  }
0x193: {  	v18 =	vperm.xlane v16, v0  }
0x194: {  	v15 =	vadd.f32 v17, v15  }
0x195: {  	v16 =	vadd.f32 v16, v18;
	_ =	sdelay $0x1  }
.Ltmp1:
0x196: {  	v15 =	vsel vm1, v15, v16;
	(pc) =	sbr.rel @p0 .LBB2_5-.Ltmp1, $4  }
0x197: {  	v15 =	vsub.f32 $1.500000000e+00, v15  }
0x198: {  	s17 =	sadd.s32 $0x6, s16  }
0x199: {  	v16 =	vmov s17;
	(xrf2) =	vadd.scan.msk.f32 $0xffff, v15  }
0x19a: {  	s17 =	sadd.s32 $0x7, s16;
	v15 =	vshrl.u32 v16, $0x3  }
0x19b: {  	_ = 	snop  }
0x19c: {  	v6 =	vshll.u32 v15, v1;
	v7 =	vmov s17  }
0x19d: {  	v6 =	vadd.s32 v10, v6;
	v7 =	vshrl.u32 v7, $0x3  }
0x19e: {  	v6 =	vbroadcast v6, $0x0;
	v7 =	vshll.u32 v7, v1  }
0x19f: {  	v7 =	vadd.s32 v7, v14  }
0x1a0: {  	v6 =	vor.u32 v5, v6;
	v7 =	vbroadcast v7, $0x0;
	_ =	sdelay $0x2  }
0x1a1: {  	p0 =	seq.s32 s29, $0x1F;
	v8, _, _ =	vpop (xrf2)  }
0x1a2: {  	s0 =	sshll.u32 @!p0 s29, $0x9;
	v9 =	vsub.f32 $0.0e+00, v8  }
0x1a3: {  	s0 =	sand.u32 @!p0 $0x3FFFFE00, s0;
	[tilespmem:v6+s22+$0x0] =	vst.idx.msk vm2, v8  }
0x1a4: {  	s16 =	simm.s32 @!p0 $0x80;
	s17 =	simm.s32 @!p0 $0x8100;
	s14 =	sadd.s32 @!p0 $0x200, s0;
	[tilespmem:v7+s22+$0x0] =	vst.idx.add.f32.msk vm0, v9  }
0x1a5: {  	[tilespmem:s17], [sflag:$0x1] =	stream.indirect.gather @!p0 [hbm4b:s3+s16], $0x40, s14, s16, $0xb8;
	[tilespmem:$0x14100] =	vst v63  }
0x1a6: {  	s18 =	sor.u32 $0x1, s1;
	_ =	swait.ge [sflag:s23], $0x2000  }
0x1a7: {  	s16 =	sshll.u32 s18, $0x6;
	[sflag:s23] =	ssyncset.done $0x0  }
0x1a8: {  	s14 =	sand.u32 $0x3FFFFFC0, s16;
	[sflag:s23] =	ssyncadd.s32 $0xFFFFE000  }
0x1a9: {  	v6 =	vld [tilespmem:s14+$0x4100]  }
0x1aa: {  	v7 =	vld [tilespmem:s14+$0x4110]  }
0x1ab: {  	v8 =	vld [tilespmem:s14+$0x4120]  }
0x1ac: {  	v9 =	vld [tilespmem:s14+$0x4130];
	s14 =	simm.s32 $0xA200  }
0x1ad: {  	v10 =	vld [tilespmem:s14+$0xFFFFFF00]  }
0x1ae: {  	v11 =	vld [tilespmem:s14+$0xFFFFFF50]  }
0x1af: {  	v12 =	vld [tilespmem:s14+$0xFFFFFF40]  }
0x1b0: {  	v13 =	vld [tilespmem:s14+$0xFFFFFF10]  }
0x1b1: {  	v14 =	vld [tilespmem:s14+$0xFFFFFF60]  }
0x1b2: {  	v15 =	vld [tilespmem:s14+$0xFFFFFF20];
	_ =	sdelay $0x1  }
0x1b3: {  	v16 =	vld [tilespmem:s14+$0xFFFFFF70]  }
0x1b4: {  	v17 =	vld [tilespmem:s14+$0xFFFFFF30];
	v10 =	vsub.f32 v6, v10;
	v11 =	vsub.f32 v7, v11  }
0x1b5: {  	v12 =	vsub.f32 v6, v12;
	v13 =	vsub.f32 v7, v13  }
0x1b6: {  	v14 =	vsub.f32 v8, v14;
	v15 =	vsub.f32 v8, v15;
	v11 =	vand.u32 $0x7FFFFFFF, v11  }
0x1b7: {  	v10 =	vand.u32 $0x7FFFFFFF, v10;
	v12 =	vand.u32 $0x7FFFFFFF, v12;
	v13 =	vand.u32 $0x7FFFFFFF, v13  }
0x1b8: {  	v11 =	vadd.f32 v11, v12;
	v10 =	vadd.f32 v13, v10;
	v12 =	vand.u32 $0x7FFFFFFF, v14  }
0x1b9: {  	v13 =	vsub.f32 v9, v16;
	v14 =	vand.u32 $0x7FFFFFFF, v15;
	v15 =	vsub.f32 v9, v17  }
0x1ba: {  	v11 =	vadd.f32 v12, v11;
	v10 =	vadd.f32 v14, v10  }
0x1bb: {  	v12 =	vand.u32 $0x7FFFFFFF, v13;
	v13 =	vand.u32 $0x7FFFFFFF, v15  }
0x1bc: {  	v11 =	vadd.f32 v12, v11;
	v10 =	vadd.f32 v13, v10;
	_ =	sdelay $0x1  }
0x1bd: {  	v12 =	vperm.xlane v11, v0;
	v13 =	vperm.xlane v10, v0;
	_ =	sdelay $0x1  }
0x1be: {  	v11 =	vadd.f32 v11, v12;
	v10 =	vadd.f32 v13, v10;
	_ =	sdelay $0x1  }
0x1bf: {  	v10 =	vsel vm1, v10, v11  }
0x1c0: {  	v10 =	vsub.f32 $1.500000000e+00, v10;
	_ =	sdelay $0x1  }
0x1c1: {  	s16 =	simm.s32 $0x0;
	(xrf2) =	vadd.scan.msk.f32 $0xffff, v10  }
0x1c2: {  	v10 =	vmov s16  }
0x1c3: {  	s17 =	sshll.u32 s18, $0x7;
	s18 =	simm.s32 $0x1;
	v11 =	vshrl.u32 v10, $0x3  }
0x1c4: {  	v12 =	vmov s18;
	v10 =	vmov s17;
	v11 =	vshll.u32 v11, v1  }
0x1c5: {  	v12 =	vshrl.u32 v12, $0x3;
	v13 =	vadd.s32 v10, v11  }
0x1c6: {  	v12 =	vshll.u32 v12, v1;
	v11 =	vor.u32 $0x1, v10;
	v13 =	vbroadcast v13, $0x0  }
0x1c7: {  	v12 =	vadd.s32 v12, v11  }
0x1c8: {  	v12 =	vbroadcast v12, $0x0;
	v13 =	vor.u32 v2, v13;
	_ =	sdelay $0x2  }
0x1c9: {  	v14, _, _ =	vpop (xrf2)  }
0x1ca: {  	v15 =	vsub.f32 $0.0e+00, v14  }
0x1cb: {  	[tilespmem:v13+s22+$0x0] =	vst.idx.msk vm2, v14  }
0x1cc: {  	[tilespmem:v12+s22+$0x0] =	vst.idx.add.f32.msk vm0, v15  }
0x1cd: {  	v12 =	vld [tilespmem:s14+$0xFFFFFFC0]  }
0x1ce: {  	v13 =	vld [tilespmem:s14+$0xFFFFFF90]  }
0x1cf: {  	v14 =	vld [tilespmem:s14+$0xFFFFFFD0]  }
0x1d0: {  	v15 =	vld [tilespmem:s14+$0xFFFFFF80]  }
0x1d1: {  	v16 =	vld [tilespmem:s14+$0xFFFFFFE0]  }
0x1d2: {  	v17 =	vld [tilespmem:s14+$0xFFFFFFA0];
	_ =	sdelay $0x1  }
0x1d3: {  	v18 =	vld [tilespmem:s14+$0xFFFFFFF0]  }
0x1d4: {  	v19 =	vld [tilespmem:s14+$0xFFFFFFB0];
	v12 =	vsub.f32 v6, v12;
	v13 =	vsub.f32 v7, v13  }
0x1d5: {  	v14 =	vsub.f32 v7, v14;
	v15 =	vsub.f32 v6, v15  }
0x1d6: {  	v16 =	vsub.f32 v8, v16;
	v17 =	vsub.f32 v8, v17;
	v12 =	vand.u32 $0x7FFFFFFF, v12  }
0x1d7: {  	v13 =	vand.u32 $0x7FFFFFFF, v13;
	v14 =	vand.u32 $0x7FFFFFFF, v14;
	v15 =	vand.u32 $0x7FFFFFFF, v15  }
0x1d8: {  	v12 =	vadd.f32 v14, v12;
	v13 =	vadd.f32 v13, v15;
	v14 =	vand.u32 $0x7FFFFFFF, v16  }
0x1d9: {  	v15 =	vsub.f32 v9, v18;
	v16 =	vand.u32 $0x7FFFFFFF, v17;
	v17 =	vsub.f32 v9, v19  }
0x1da: {  	v12 =	vadd.f32 v14, v12;
	v13 =	vadd.f32 v16, v13  }
0x1db: {  	v14 =	vand.u32 $0x7FFFFFFF, v15;
	v15 =	vand.u32 $0x7FFFFFFF, v17  }
0x1dc: {  	v12 =	vadd.f32 v14, v12;
	v13 =	vadd.f32 v15, v13;
	_ =	sdelay $0x1  }
0x1dd: {  	v14 =	vperm.xlane v12, v0;
	v15 =	vperm.xlane v13, v0;
	_ =	sdelay $0x1  }
0x1de: {  	v12 =	vadd.f32 v12, v14;
	v13 =	vadd.f32 v15, v13;
	_ =	sdelay $0x1  }
0x1df: {  	v12 =	vsel vm1, v13, v12  }
0x1e0: {  	v12 =	vsub.f32 $1.500000000e+00, v12;
	_ =	sdelay $0x1  }
0x1e1: {  	s18 =	simm.s32 $0x2;
	(xrf2) =	vadd.scan.msk.f32 $0xffff, v12  }
0x1e2: {  	v12 =	vmov s18  }
0x1e3: {  	s18 =	simm.s32 $0x3;
	v12 =	vshrl.u32 v12, $0x3  }
0x1e4: {  	v13 =	vmov s18;
	v12 =	vshll.u32 v12, v1  }
0x1e5: {  	v13 =	vshrl.u32 v13, $0x3;
	v14 =	vadd.s32 v10, v12  }
0x1e6: {  	v12 =	vor.u32 $0x3, v10;
	v13 =	vshll.u32 v13, v1;
	v14 =	vbroadcast v14, $0x0  }
0x1e7: {  	v13 =	vadd.s32 v13, v12  }
0x1e8: {  	v13 =	vbroadcast v13, $0x0;
	v14 =	vor.u32 v3, v14;
	_ =	sdelay $0x2  }
0x1e9: {  	v15, _, _ =	vpop (xrf2)  }
0x1ea: {  	v16 =	vsub.f32 $0.0e+00, v15  }
0x1eb: {  	[tilespmem:v14+s22+$0x0] =	vst.idx.msk vm2, v15  }
0x1ec: {  	[tilespmem:v13+s22+$0x0] =	vst.idx.add.f32.msk vm0, v16  }
0x1ed: {  	v13 =	vld [tilespmem:s14+$0x50]  }
0x1ee: {  	v14 =	vld [tilespmem:s14+$0x0]  }
0x1ef: {  	v15 =	vld [tilespmem:s14+$0x10]  }
0x1f0: {  	v16 =	vld [tilespmem:s14+$0x40]  }
0x1f1: {  	v17 =	vld [tilespmem:s14+$0x20]  }
0x1f2: {  	v57 =	vld [tilespmem:s14+$0x60]  }
0x1f3: {  	v20 =	vld [tilespmem:s14+$0x70];
	_ =	sdelay $0x1  }
0x1f4: {  	v13 =	vsub.f32 v7, v13  }
0x1f5: {  	v58 =	vld [tilespmem:s14+$0x30];
	v14 =	vsub.f32 v6, v14;
	v15 =	vsub.f32 v7, v15  }
0x1f6: {  	v16 =	vsub.f32 v6, v16;
	v17 =	vsub.f32 v8, v17  }
0x1f7: {  	v18 =	vsub.f32 v8, v57;
	v59 =	vsub.f32 v9, v20;
	v13 =	vand.u32 $0x7FFFFFFF, v13  }
0x1f8: {  	v14 =	vand.u32 $0x7FFFFFFF, v14;
	v15 =	vand.u32 $0x7FFFFFFF, v15;
	v16 =	vand.u32 $0x7FFFFFFF, v16  }
0x1f9: {  	v14 =	vadd.f32 v15, v14;
	v13 =	vadd.f32 v13, v16  }
0x1fa: {  	v15 =	vand.u32 $0x7FFFFFFF, v17;
	v16 =	vsub.f32 v9, v58;
	v17 =	vand.u32 $0x7FFFFFFF, v18  }
0x1fb: {  	v14 =	vadd.f32 v15, v14;
	v13 =	vadd.f32 v17, v13  }
0x1fc: {  	v15 =	vand.u32 $0x7FFFFFFF, v16;
	v16 =	vand.u32 $0x7FFFFFFF, v59  }
0x1fd: {  	v14 =	vadd.f32 v15, v14;
	v13 =	vadd.f32 v16, v13;
	_ =	sdelay $0x1  }
0x1fe: {  	v15 =	vperm.xlane v14, v0;
	v16 =	vperm.xlane v13, v0;
	_ =	sdelay $0x1  }
0x1ff: {  	v14 =	vadd.f32 v15, v14;
	v13 =	vadd.f32 v13, v16;
	_ =	sdelay $0x1  }
0x200: {  	v13 =	vsel vm1, v14, v13  }
0x201: {  	v13 =	vsub.f32 $1.500000000e+00, v13;
	_ =	sdelay $0x1  }
0x202: {  	s18 =	simm.s32 $0x4;
	(xrf2) =	vadd.scan.msk.f32 $0xffff, v13  }
0x203: {  	v13 =	vmov s18  }
0x204: {  	s18 =	simm.s32 $0x5;
	v13 =	vshrl.u32 v13, $0x3  }
0x205: {  	v14 =	vmov s18;
	v13 =	vshll.u32 v13, v1  }
0x206: {  	v14 =	vshrl.u32 v14, $0x3;
	v15 =	vadd.s32 v10, v13  }
0x207: {  	v13 =	vor.u32 $0x5, v10;
	v14 =	vshll.u32 v14, v1;
	v15 =	vbroadcast v15, $0x0  }
0x208: {  	v14 =	vadd.s32 v14, v13  }
0x209: {  	v14 =	vbroadcast v14, $0x0;
	v15 =	vor.u32 v4, v15;
	_ =	sdelay $0x2  }
0x20a: {  	v16, _, _ =	vpop (xrf2)  }
0x20b: {  	v17 =	vsub.f32 $0.0e+00, v16  }
0x20c: {  	[tilespmem:v15+s22+$0x0] =	vst.idx.msk vm2, v16  }
0x20d: {  	[tilespmem:v14+s22+$0x0] =	vst.idx.add.f32.msk vm0, v17  }
0x20e: {  	v14 =	vld [tilespmem:s14+$0xA0]  }
0x20f: {  	v15 =	vld [tilespmem:s14+$0x80]  }
0x210: {  	v16 =	vld [tilespmem:s14+$0xD0]  }
0x211: {  	v17 =	vld [tilespmem:s14+$0x90]  }
0x212: {  	v60 =	vld [tilespmem:s14+$0xC0]  }
0x213: {  	v61 =	vld [tilespmem:s14+$0xE0]  }
0x214: {  	v21 =	vld [tilespmem:s14+$0xF0];
	_ =	sdelay $0x1  }
0x215: {  	v15 =	vsub.f32 v6, v15  }
0x216: {  	v62 =	vld [tilespmem:s14+$0xB0];
	v16 =	vsub.f32 v7, v16;
	v17 =	vsub.f32 v7, v17  }
0x217: {  	v18 =	vsub.f32 v6, v60;
	v19 =	vsub.f32 v8, v61  }
0x218: {  	v14 =	vsub.f32 v8, v14;
	v63 =	vsub.f32 v9, v21;
	v15 =	vand.u32 $0x7FFFFFFF, v15  }
0x219: {  	v16 =	vand.u32 $0x7FFFFFFF, v16;
	v17 =	vand.u32 $0x7FFFFFFF, v17;
	v18 =	vand.u32 $0x7FFFFFFF, v18  }
0x21a: {  	v15 =	vadd.f32 v17, v15;
	v16 =	vadd.f32 v16, v18  }
0x21b: {  	v14 =	vand.u32 $0x7FFFFFFF, v14;
	v19 =	vand.u32 $0x7FFFFFFF, v19;
	v17 =	vsub.f32 v9, v62  }
0x21c: {  	v14 =	vadd.f32 v14, v15;
	v15 =	vadd.f32 v19, v16  }
0x21d: {  	v16 =	vand.u32 $0x7FFFFFFF, v17;
	v17 =	vand.u32 $0x7FFFFFFF, v63  }
0x21e: {  	v14 =	vadd.f32 v16, v14;
	v15 =	vadd.f32 v17, v15;
	_ =	sdelay $0x1  }
0x21f: {  	v16 =	vperm.xlane v14, v0;
	v17 =	vperm.xlane v15, v0;
	_ =	sdelay $0x1  }
0x220: {  	v14 =	vadd.f32 v16, v14;
	v15 =	vadd.f32 v15, v17;
	_ =	sdelay $0x1  }
0x221: {  	v14 =	vsel vm1, v14, v15  }
0x222: {  	v15 =	vsub.f32 $1.500000000e+00, v14  }
0x223: {  	s18 =	simm.s32 $0x6  }
0x224: {  	v16 =	vmov s18;
	(xrf2) =	vadd.scan.msk.f32 $0xffff, v15  }
0x225: {  	s17 =	simm.s32 $0x0;
	s18 =	simm.s32 $0x7;
	v14 =	vor.u32 $0x7, v10;
	v15 =	vshrl.u32 v16, $0x3  }
.LBB2_7:
0x226: {  	s17 =	sadd.s32 $0x4, s17;
	v15 =	vshll.u32 v15, v1;
	v16 =	vmov s18;
	s16 =	sadd.s32 $0x8, s16;
	s14 =	sadd.s32 $0x200, s14  }
0x227: {  	p1 =	slt.u32 s17, $0x3C;
	v15 =	vadd.s32 v10, v15;
	v16 =	vshrl.u32 v16, $0x3  }
0x228: {  	v15 =	vbroadcast v15, $0x0;
	v16 =	vshll.u32 v16, v1  }
0x229: {  	v16 =	vadd.s32 v16, v14  }
0x22a: {  	v15 =	vor.u32 v5, v15;
	v16 =	vbroadcast v16, $0x0;
	_ =	sdelay $0x3  }
0x22b: {  	v17, _, _ =	vpop (xrf2)  }
0x22c: {  	[tilespmem:v15+s22+$0x0] =	vst.idx.msk vm2, v17;
	v15 =	vsub.f32 $0.0e+00, v17;
	_ =	sdelay $0x1  }
0x22d: {  	[tilespmem:v16+s22+$0x0] =	vst.idx.add.f32.msk vm0, v15  }
0x22e: {  	v15 =	vld [tilespmem:s14+$0xFFFFFF00]  }
0x22f: {  	v16 =	vld [tilespmem:s14+$0xFFFFFF50]  }
0x230: {  	v17 =	vld [tilespmem:s14+$0xFFFFFF40]  }
0x231: {  	v18 =	vld [tilespmem:s14+$0xFFFFFF10]  }
0x232: {  	v19 =	vld [tilespmem:s14+$0xFFFFFF60]  }
0x233: {  	v20 =	vld [tilespmem:s14+$0xFFFFFF20];
	v15 =	vsub.f32 v6, v15  }
0x234: {  	v21 =	vld [tilespmem:s14+$0xFFFFFF70];
	v16 =	vsub.f32 v7, v16  }
0x235: {  	v22 =	vld [tilespmem:s14+$0xFFFFFF30];
	v17 =	vsub.f32 v6, v17  }
0x236: {  	v18 =	vsub.f32 v7, v18;
	v16 =	vand.u32 $0x7FFFFFFF, v16  }
0x237: {  	v15 =	vand.u32 $0x7FFFFFFF, v15;
	v17 =	vand.u32 $0x7FFFFFFF, v17;
	v19 =	vsub.f32 v8, v19  }
0x238: {  	v18 =	vand.u32 $0x7FFFFFFF, v18;
	v20 =	vsub.f32 v8, v20;
	v16 =	vadd.f32 v16, v17  }
0x239: {  	v15 =	vadd.f32 v18, v15;
	v17 =	vand.u32 $0x7FFFFFFF, v19;
	v18 =	vsub.f32 v9, v21  }
0x23a: {  	v19 =	vand.u32 $0x7FFFFFFF, v20;
	v20 =	vsub.f32 v9, v22;
	v16 =	vadd.f32 v17, v16  }
0x23b: {  	v15 =	vadd.f32 v19, v15;
	v17 =	vand.u32 $0x7FFFFFFF, v18  }
0x23c: {  	v18 =	vand.u32 $0x7FFFFFFF, v20;
	v16 =	vadd.f32 v17, v16  }
0x23d: {  	v15 =	vadd.f32 v18, v15  }
0x23e: {  	v17 =	vperm.xlane v16, v0  }
0x23f: {  	v18 =	vperm.xlane v15, v0  }
0x240: {  	v16 =	vadd.f32 v16, v17  }
0x241: {  	v15 =	vadd.f32 v18, v15;
	_ =	sdelay $0x1  }
0x242: {  	v15 =	vsel vm1, v15, v16  }
0x243: {  	v15 =	vsub.f32 $1.500000000e+00, v15;
	_ =	sdelay $0x1  }
0x244: {  	(xrf2) =	vadd.scan.msk.f32 $0xffff, v15  }
0x245: {  	v15 =	vmov s16  }
0x246: {  	s18 =	sadd.s32 $0x1, s16;
	v15 =	vshrl.u32 v15, $0x3  }
0x247: {  	v16 =	vmov s18;
	v15 =	vshll.u32 v15, v1  }
0x248: {  	v16 =	vshrl.u32 v16, $0x3;
	v15 =	vadd.s32 v10, v15  }
0x249: {  	v16 =	vshll.u32 v16, v1;
	v15 =	vbroadcast v15, $0x0  }
0x24a: {  	v16 =	vadd.s32 v16, v11  }
0x24b: {  	v16 =	vbroadcast v16, $0x0;
	v15 =	vor.u32 v2, v15;
	_ =	sdelay $0x2  }
0x24c: {  	v17, _, _ =	vpop (xrf2)  }
0x24d: {  	v18 =	vsub.f32 $0.0e+00, v17  }
0x24e: {  	[tilespmem:v15+s22+$0x0] =	vst.idx.msk vm2, v17  }
0x24f: {  	[tilespmem:v16+s22+$0x0] =	vst.idx.add.f32.msk vm0, v18  }
0x250: {  	v15 =	vld [tilespmem:s14+$0xFFFFFFC0]  }
0x251: {  	v16 =	vld [tilespmem:s14+$0xFFFFFF90]  }
0x252: {  	v17 =	vld [tilespmem:s14+$0xFFFFFFD0]  }
0x253: {  	v18 =	vld [tilespmem:s14+$0xFFFFFF80]  }
0x254: {  	v19 =	vld [tilespmem:s14+$0xFFFFFFE0]  }
0x255: {  	v20 =	vld [tilespmem:s14+$0xFFFFFFA0];
	v15 =	vsub.f32 v6, v15  }
0x256: {  	v16 =	vsub.f32 v7, v16;
	v21 =	vld [tilespmem:s14+$0xFFFFFFF0]  }
0x257: {  	v22 =	vld [tilespmem:s14+$0xFFFFFFB0];
	v15 =	vand.u32 $0x7FFFFFFF, v15;
	v17 =	vsub.f32 v7, v17  }
0x258: {  	v18 =	vsub.f32 v6, v18;
	v16 =	vand.u32 $0x7FFFFFFF, v16  }
0x259: {  	v17 =	vand.u32 $0x7FFFFFFF, v17;
	v19 =	vsub.f32 v8, v19  }
0x25a: {  	v18 =	vand.u32 $0x7FFFFFFF, v18;
	v20 =	vsub.f32 v8, v20;
	v15 =	vadd.f32 v17, v15  }
0x25b: {  	v16 =	vadd.f32 v16, v18;
	v17 =	vand.u32 $0x7FFFFFFF, v19;
	v18 =	vsub.f32 v9, v21  }
0x25c: {  	v19 =	vand.u32 $0x7FFFFFFF, v20;
	v20 =	vsub.f32 v9, v22;
	v15 =	vadd.f32 v17, v15  }
0x25d: {  	v16 =	vadd.f32 v19, v16;
	v17 =	vand.u32 $0x7FFFFFFF, v18  }
0x25e: {  	v18 =	vand.u32 $0x7FFFFFFF, v20;
	v15 =	vadd.f32 v17, v15  }
0x25f: {  	v16 =	vadd.f32 v18, v16  }
0x260: {  	v17 =	vperm.xlane v15, v0  }
0x261: {  	v18 =	vperm.xlane v16, v0  }
0x262: {  	v15 =	vadd.f32 v15, v17  }
0x263: {  	v16 =	vadd.f32 v18, v16;
	_ =	sdelay $0x1  }
0x264: {  	v15 =	vsel vm1, v16, v15  }
0x265: {  	v15 =	vsub.f32 $1.500000000e+00, v15;
	_ =	sdelay $0x1  }
0x266: {  	s18 =	sadd.s32 $0x2, s16;
	(xrf2) =	vadd.scan.msk.f32 $0xffff, v15  }
0x267: {  	v15 =	vmov s18  }
0x268: {  	s18 =	sadd.s32 $0x3, s16;
	v15 =	vshrl.u32 v15, $0x3  }
0x269: {  	v16 =	vmov s18;
	v15 =	vshll.u32 v15, v1  }
0x26a: {  	v16 =	vshrl.u32 v16, $0x3;
	v15 =	vadd.s32 v10, v15  }
0x26b: {  	v16 =	vshll.u32 v16, v1;
	v15 =	vbroadcast v15, $0x0  }
0x26c: {  	v16 =	vadd.s32 v16, v12  }
0x26d: {  	v16 =	vbroadcast v16, $0x0;
	v15 =	vor.u32 v3, v15;
	_ =	sdelay $0x2  }
0x26e: {  	v17, _, _ =	vpop (xrf2)  }
0x26f: {  	v18 =	vsub.f32 $0.0e+00, v17  }
0x270: {  	[tilespmem:v15+s22+$0x0] =	vst.idx.msk vm2, v17  }
0x271: {  	[tilespmem:v16+s22+$0x0] =	vst.idx.add.f32.msk vm0, v18  }
0x272: {  	v15 =	vld [tilespmem:s14+$0x50]  }
0x273: {  	v16 =	vld [tilespmem:s14+$0x0]  }
0x274: {  	v17 =	vld [tilespmem:s14+$0x10]  }
0x275: {  	v18 =	vld [tilespmem:s14+$0x40]  }
0x276: {  	v19 =	vld [tilespmem:s14+$0x20]  }
0x277: {  	v20 =	vld [tilespmem:s14+$0x60];
	v15 =	vsub.f32 v7, v15  }
0x278: {  	v21 =	vld [tilespmem:s14+$0x30];
	v16 =	vsub.f32 v6, v16  }
0x279: {  	v17 =	vsub.f32 v7, v17;
	v22 =	vld [tilespmem:s14+$0x70]  }
0x27a: {  	v15 =	vand.u32 $0x7FFFFFFF, v15;
	v18 =	vsub.f32 v6, v18  }
0x27b: {  	v16 =	vand.u32 $0x7FFFFFFF, v16;
	v17 =	vand.u32 $0x7FFFFFFF, v17;
	v19 =	vsub.f32 v8, v19  }
0x27c: {  	v16 =	vadd.f32 v17, v16;
	v17 =	vand.u32 $0x7FFFFFFF, v18;
	v18 =	vsub.f32 v8, v20  }
0x27d: {  	v19 =	vand.u32 $0x7FFFFFFF, v19;
	v20 =	vsub.f32 v9, v21;
	v15 =	vadd.f32 v15, v17  }
0x27e: {  	v16 =	vadd.f32 v19, v16;
	v17 =	vand.u32 $0x7FFFFFFF, v18;
	v18 =	vsub.f32 v9, v22  }
0x27f: {  	v19 =	vand.u32 $0x7FFFFFFF, v20;
	v15 =	vadd.f32 v17, v15  }
0x280: {  	v16 =	vadd.f32 v19, v16;
	v17 =	vand.u32 $0x7FFFFFFF, v18  }
0x281: {  	v15 =	vadd.f32 v17, v15  }
0x282: {  	v17 =	vperm.xlane v16, v0  }
0x283: {  	v18 =	vperm.xlane v15, v0  }
0x284: {  	v16 =	vadd.f32 v17, v16  }
0x285: {  	v15 =	vadd.f32 v15, v18;
	_ =	sdelay $0x1  }
0x286: {  	v15 =	vsel vm1, v16, v15  }
0x287: {  	v15 =	vsub.f32 $1.500000000e+00, v15  }
0x288: {  	s18 =	sadd.s32 $0x4, s16  }
0x289: {  	v16 =	vmov s18;
	(xrf2) =	vadd.scan.msk.f32 $0xffff, v15  }
0x28a: {  	v15 =	vshrl.u32 v16, $0x3  }
0x28b: {  	s18 =	sadd.s32 $0x5, s16;
	v15 =	vshll.u32 v15, v1  }
0x28c: {  	v16 =	vmov s18;
	v15 =	vadd.s32 v10, v15  }
0x28d: {  	v16 =	vshrl.u32 v16, $0x3;
	v15 =	vbroadcast v15, $0x0  }
0x28e: {  	v16 =	vshll.u32 v16, v1  }
0x28f: {  	v16 =	vadd.s32 v16, v13;
	v15 =	vor.u32 v4, v15  }
0x290: {  	v16 =	vbroadcast v16, $0x0;
	_ =	sdelay $0x2  }
0x291: {  	v17, _, _ =	vpop (xrf2)  }
0x292: {  	[tilespmem:v15+s22+$0x0] =	vst.idx.msk vm2, v17;
	v15 =	vsub.f32 $0.0e+00, v17;
	_ =	sdelay $0x1  }
0x293: {  	[tilespmem:v16+s22+$0x0] =	vst.idx.add.f32.msk vm0, v15  }
0x294: {  	v15 =	vld [tilespmem:s14+$0xA0]  }
0x295: {  	v16 =	vld [tilespmem:s14+$0x80]  }
0x296: {  	v17 =	vld [tilespmem:s14+$0xE0]  }
0x297: {  	v18 =	vld [tilespmem:s14+$0xD0]  }
0x298: {  	v19 =	vld [tilespmem:s14+$0x90]  }
0x299: {  	v20 =	vld [tilespmem:s14+$0xC0]  }
0x29a: {  	v21 =	vld [tilespmem:s14+$0xB0];
	v16 =	vsub.f32 v6, v16  }
0x29b: {  	v22 =	vld [tilespmem:s14+$0xF0];
	v17 =	vsub.f32 v8, v17  }
0x29c: {  	v18 =	vsub.f32 v7, v18  }
0x29d: {  	v15 =	vsub.f32 v8, v15;
	v19 =	vsub.f32 v7, v19  }
0x29e: {  	v16 =	vand.u32 $0x7FFFFFFF, v16;
	v20 =	vsub.f32 v6, v20;
	v18 =	vand.u32 $0x7FFFFFFF, v18  }
0x29f: {  	v15 =	vand.u32 $0x7FFFFFFF, v15;
	v19 =	vand.u32 $0x7FFFFFFF, v19;
	v21 =	vsub.f32 v9, v21  }
0x2a0: {  	v16 =	vadd.f32 v19, v16;
	v19 =	vand.u32 $0x7FFFFFFF, v20;
	v20 =	vsub.f32 v9, v22  }
0x2a1: {  	v17 =	vand.u32 $0x7FFFFFFF, v17;
	v18 =	vadd.f32 v18, v19  }
0x2a2: {  	v15 =	vadd.f32 v15, v16  }
0x2a3: {  	v16 =	vand.u32 $0x7FFFFFFF, v21;
	v17 =	vadd.f32 v17, v18;
	v18 =	vand.u32 $0x7FFFFFFF, v20  }
0x2a4: {  	v15 =	vadd.f32 v16, v15  }
0x2a5: {  	v16 =	vadd.f32 v18, v17  }
0x2a6: {  	v17 =	vperm.xlane v15, v0  }
0x2a7: {  	v18 =	vperm.xlane v16, v0  }
0x2a8: {  	v15 =	vadd.f32 v17, v15  }
0x2a9: {  	v16 =	vadd.f32 v16, v18;
	_ =	sdelay $0x1  }
.Ltmp2:
0x2aa: {  	v15 =	vsel vm1, v15, v16;
	(pc) =	sbr.rel @p1 .LBB2_7-.Ltmp2, $4  }
0x2ab: {  	v15 =	vsub.f32 $1.500000000e+00, v15  }
0x2ac: {  	s18 =	sadd.s32 $0x6, s16  }
0x2ad: {  	v16 =	vmov s18;
	(xrf2) =	vadd.scan.msk.f32 $0xffff, v15  }
0x2ae: {  	s18 =	sadd.s32 $0x7, s16;
	v15 =	vshrl.u32 v16, $0x3  }
0x2af: {  	_ = 	snop  }
0x2b0: {  	v6 =	vshll.u32 v15, v1;
	v7 =	vmov s18  }
0x2b1: {  	v6 =	vadd.s32 v10, v6;
	v7 =	vshrl.u32 v7, $0x3  }
0x2b2: {  	v6 =	vbroadcast v6, $0x0;
	v7 =	vshll.u32 v7, v1  }
0x2b3: {  	v7 =	vadd.s32 v7, v14  }
0x2b4: {  	v6 =	vor.u32 v5, v6;
	v7 =	vbroadcast v7, $0x0;
	_ =	sdelay $0x2  }
0x2b5: {  	v8, _, _ =	vpop (xrf2)  }
0x2b6: {  	v9 =	vsub.f32 $0.0e+00, v8  }
0x2b7: {  	[tilespmem:v6+s22+$0x0] =	vst.idx.msk vm2, v8  }
0x2b8: {  	s14 =	sadd.s32 @!p0 $0x280, s0;
	s16 =	simm.s32 @!p0 $0x80;
	s17 =	simm.s32 @!p0 $0xA100;
	[tilespmem:v7+s22+$0x0] =	vst.idx.add.f32.msk vm0, v9  }
0x2b9: {  	[tilespmem:s17], [sflag:$0x2] =	stream.indirect.gather @!p0 [hbm4b:s3+s16], $0x40, s14, s16, $0xb8;
	[tilespmem:$0x14100] =	vst v63  }
0x2ba: {  	s17 =	sor.u32 $0x2, s1;
	_ =	swait.ge [sflag:s24], $0x2000  }
0x2bb: {  	s1 =	sshll.u32 s17, $0x6;
	[sflag:s24] =	ssyncset.done $0x0  }
0x2bc: {  	s1 =	sand.u32 $0x3FFFFFC0, s1;
	[sflag:s24] =	ssyncadd.s32 $0xFFFFE000  }
0x2bd: {  	v6 =	vld [tilespmem:s1+$0x4100]  }
0x2be: {  	v7 =	vld [tilespmem:s1+$0x4110]  }
0x2bf: {  	v8 =	vld [tilespmem:s1+$0x4120]  }
0x2c0: {  	v9 =	vld [tilespmem:s1+$0x4130];
	s1 =	simm.s32 $0xC200  }
0x2c1: {  	v10 =	vld [tilespmem:s1+$0xFFFFFF00]  }
0x2c2: {  	v11 =	vld [tilespmem:s1+$0xFFFFFF50]  }
0x2c3: {  	v12 =	vld [tilespmem:s1+$0xFFFFFF40]  }
0x2c4: {  	v13 =	vld [tilespmem:s1+$0xFFFFFF10]  }
0x2c5: {  	v14 =	vld [tilespmem:s1+$0xFFFFFF60]  }
0x2c6: {  	v15 =	vld [tilespmem:s1+$0xFFFFFF20];
	_ =	sdelay $0x1  }
0x2c7: {  	v16 =	vld [tilespmem:s1+$0xFFFFFF70]  }
0x2c8: {  	v17 =	vld [tilespmem:s1+$0xFFFFFF30];
	v10 =	vsub.f32 v6, v10;
	v11 =	vsub.f32 v7, v11  }
0x2c9: {  	v12 =	vsub.f32 v6, v12;
	v13 =	vsub.f32 v7, v13  }
0x2ca: {  	v14 =	vsub.f32 v8, v14;
	v15 =	vsub.f32 v8, v15;
	v11 =	vand.u32 $0x7FFFFFFF, v11  }
0x2cb: {  	v10 =	vand.u32 $0x7FFFFFFF, v10;
	v12 =	vand.u32 $0x7FFFFFFF, v12;
	v13 =	vand.u32 $0x7FFFFFFF, v13  }
0x2cc: {  	v11 =	vadd.f32 v11, v12;
	v10 =	vadd.f32 v13, v10;
	v12 =	vand.u32 $0x7FFFFFFF, v14  }
0x2cd: {  	v13 =	vsub.f32 v9, v16;
	v14 =	vand.u32 $0x7FFFFFFF, v15;
	v15 =	vsub.f32 v9, v17  }
0x2ce: {  	v11 =	vadd.f32 v12, v11;
	v10 =	vadd.f32 v14, v10  }
0x2cf: {  	v12 =	vand.u32 $0x7FFFFFFF, v13;
	v13 =	vand.u32 $0x7FFFFFFF, v15  }
0x2d0: {  	v11 =	vadd.f32 v12, v11;
	v10 =	vadd.f32 v13, v10;
	_ =	sdelay $0x1  }
0x2d1: {  	v12 =	vperm.xlane v11, v0;
	v13 =	vperm.xlane v10, v0;
	_ =	sdelay $0x1  }
0x2d2: {  	v11 =	vadd.f32 v11, v12;
	v10 =	vadd.f32 v13, v10;
	_ =	sdelay $0x1  }
0x2d3: {  	v10 =	vsel vm1, v10, v11  }
0x2d4: {  	v10 =	vsub.f32 $1.500000000e+00, v10;
	_ =	sdelay $0x1  }
0x2d5: {  	s14 =	simm.s32 $0x0;
	(xrf2) =	vadd.scan.msk.f32 $0xffff, v10  }
0x2d6: {  	v10 =	vmov s14  }
0x2d7: {  	s18 =	simm.s32 $0x1;
	s16 =	sshll.u32 s17, $0x7;
	v11 =	vshrl.u32 v10, $0x3  }
0x2d8: {  	v12 =	vmov s18;
	v10 =	vmov s16;
	v11 =	vshll.u32 v11, v1  }
0x2d9: {  	v12 =	vshrl.u32 v12, $0x3;
	v13 =	vadd.s32 v10, v11  }
0x2da: {  	v12 =	vshll.u32 v12, v1;
	v11 =	vor.u32 $0x1, v10;
	v13 =	vbroadcast v13, $0x0  }
0x2db: {  	v12 =	vadd.s32 v12, v11  }
0x2dc: {  	v12 =	vbroadcast v12, $0x0;
	v13 =	vor.u32 v2, v13;
	_ =	sdelay $0x2  }
0x2dd: {  	v14, _, _ =	vpop (xrf2)  }
0x2de: {  	v15 =	vsub.f32 $0.0e+00, v14  }
0x2df: {  	[tilespmem:v13+s22+$0x0] =	vst.idx.msk vm2, v14  }
0x2e0: {  	[tilespmem:v12+s22+$0x0] =	vst.idx.add.f32.msk vm0, v15  }
0x2e1: {  	v12 =	vld [tilespmem:s1+$0xFFFFFFC0]  }
0x2e2: {  	v13 =	vld [tilespmem:s1+$0xFFFFFF90]  }
0x2e3: {  	v14 =	vld [tilespmem:s1+$0xFFFFFFD0]  }
0x2e4: {  	v15 =	vld [tilespmem:s1+$0xFFFFFF80]  }
0x2e5: {  	v16 =	vld [tilespmem:s1+$0xFFFFFFE0]  }
0x2e6: {  	v17 =	vld [tilespmem:s1+$0xFFFFFFA0];
	_ =	sdelay $0x1  }
0x2e7: {  	v18 =	vld [tilespmem:s1+$0xFFFFFFF0]  }
0x2e8: {  	v19 =	vld [tilespmem:s1+$0xFFFFFFB0];
	v12 =	vsub.f32 v6, v12;
	v13 =	vsub.f32 v7, v13  }
0x2e9: {  	v14 =	vsub.f32 v7, v14;
	v15 =	vsub.f32 v6, v15  }
0x2ea: {  	v16 =	vsub.f32 v8, v16;
	v17 =	vsub.f32 v8, v17;
	v12 =	vand.u32 $0x7FFFFFFF, v12  }
0x2eb: {  	v13 =	vand.u32 $0x7FFFFFFF, v13;
	v14 =	vand.u32 $0x7FFFFFFF, v14;
	v15 =	vand.u32 $0x7FFFFFFF, v15  }
0x2ec: {  	v12 =	vadd.f32 v14, v12;
	v13 =	vadd.f32 v13, v15;
	v14 =	vand.u32 $0x7FFFFFFF, v16  }
0x2ed: {  	v15 =	vsub.f32 v9, v18;
	v16 =	vand.u32 $0x7FFFFFFF, v17;
	v17 =	vsub.f32 v9, v19  }
0x2ee: {  	v12 =	vadd.f32 v14, v12;
	v13 =	vadd.f32 v16, v13  }
0x2ef: {  	v14 =	vand.u32 $0x7FFFFFFF, v15;
	v15 =	vand.u32 $0x7FFFFFFF, v17  }
0x2f0: {  	v12 =	vadd.f32 v14, v12;
	v13 =	vadd.f32 v15, v13;
	_ =	sdelay $0x1  }
0x2f1: {  	v14 =	vperm.xlane v12, v0;
	v15 =	vperm.xlane v13, v0;
	_ =	sdelay $0x1  }
0x2f2: {  	v12 =	vadd.f32 v12, v14;
	v13 =	vadd.f32 v15, v13;
	_ =	sdelay $0x1  }
0x2f3: {  	v12 =	vsel vm1, v13, v12  }
0x2f4: {  	v12 =	vsub.f32 $1.500000000e+00, v12;
	_ =	sdelay $0x1  }
0x2f5: {  	s18 =	simm.s32 $0x2;
	(xrf2) =	vadd.scan.msk.f32 $0xffff, v12  }
0x2f6: {  	v12 =	vmov s18  }
0x2f7: {  	s17 =	simm.s32 $0x3;
	v12 =	vshrl.u32 v12, $0x3  }
0x2f8: {  	v13 =	vmov s17;
	v12 =	vshll.u32 v12, v1  }
0x2f9: {  	v13 =	vshrl.u32 v13, $0x3;
	v14 =	vadd.s32 v10, v12  }
0x2fa: {  	v13 =	vshll.u32 v13, v1;
	v12 =	vor.u32 $0x3, v10;
	v14 =	vbroadcast v14, $0x0  }
0x2fb: {  	v13 =	vadd.s32 v13, v12  }
0x2fc: {  	v13 =	vbroadcast v13, $0x0;
	v14 =	vor.u32 v3, v14;
	_ =	sdelay $0x2  }
0x2fd: {  	v15, _, _ =	vpop (xrf2)  }
0x2fe: {  	v16 =	vsub.f32 $0.0e+00, v15  }
0x2ff: {  	[tilespmem:v14+s22+$0x0] =	vst.idx.msk vm2, v15  }
0x300: {  	[tilespmem:v13+s22+$0x0] =	vst.idx.add.f32.msk vm0, v16  }
0x301: {  	v13 =	vld [tilespmem:s1+$0x50]  }
0x302: {  	v14 =	vld [tilespmem:s1+$0x0]  }
0x303: {  	v15 =	vld [tilespmem:s1+$0x10]  }
0x304: {  	v16 =	vld [tilespmem:s1+$0x40]  }
0x305: {  	v17 =	vld [tilespmem:s1+$0x20]  }
0x306: {  	v57 =	vld [tilespmem:s1+$0x60]  }
0x307: {  	v20 =	vld [tilespmem:s1+$0x70];
	_ =	sdelay $0x1  }
0x308: {  	v13 =	vsub.f32 v7, v13  }
0x309: {  	v58 =	vld [tilespmem:s1+$0x30];
	v14 =	vsub.f32 v6, v14;
	v15 =	vsub.f32 v7, v15  }
0x30a: {  	v16 =	vsub.f32 v6, v16;
	v17 =	vsub.f32 v8, v17  }
0x30b: {  	v18 =	vsub.f32 v8, v57;
	v59 =	vsub.f32 v9, v20;
	v13 =	vand.u32 $0x7FFFFFFF, v13  }
0x30c: {  	v14 =	vand.u32 $0x7FFFFFFF, v14;
	v15 =	vand.u32 $0x7FFFFFFF, v15;
	v16 =	vand.u32 $0x7FFFFFFF, v16  }
0x30d: {  	v14 =	vadd.f32 v15, v14;
	v13 =	vadd.f32 v13, v16  }
0x30e: {  	v15 =	vand.u32 $0x7FFFFFFF, v17;
	v16 =	vsub.f32 v9, v58;
	v17 =	vand.u32 $0x7FFFFFFF, v18  }
0x30f: {  	v14 =	vadd.f32 v15, v14;
	v13 =	vadd.f32 v17, v13  }
0x310: {  	v15 =	vand.u32 $0x7FFFFFFF, v16;
	v16 =	vand.u32 $0x7FFFFFFF, v59  }
0x311: {  	v14 =	vadd.f32 v15, v14;
	v13 =	vadd.f32 v16, v13;
	_ =	sdelay $0x1  }
0x312: {  	v15 =	vperm.xlane v14, v0;
	v16 =	vperm.xlane v13, v0;
	_ =	sdelay $0x1  }
0x313: {  	v14 =	vadd.f32 v15, v14;
	v13 =	vadd.f32 v13, v16;
	_ =	sdelay $0x1  }
0x314: {  	v13 =	vsel vm1, v14, v13  }
0x315: {  	v13 =	vsub.f32 $1.500000000e+00, v13;
	_ =	sdelay $0x1  }
0x316: {  	s18 =	simm.s32 $0x4;
	(xrf2) =	vadd.scan.msk.f32 $0xffff, v13  }
0x317: {  	v13 =	vmov s18  }
0x318: {  	s17 =	simm.s32 $0x5;
	v13 =	vshrl.u32 v13, $0x3  }
0x319: {  	v14 =	vmov s17;
	v13 =	vshll.u32 v13, v1  }
0x31a: {  	v14 =	vshrl.u32 v14, $0x3;
	v15 =	vadd.s32 v10, v13  }
0x31b: {  	v14 =	vshll.u32 v14, v1;
	v13 =	vor.u32 $0x5, v10;
	v15 =	vbroadcast v15, $0x0  }
0x31c: {  	v14 =	vadd.s32 v14, v13  }
0x31d: {  	v14 =	vbroadcast v14, $0x0;
	v15 =	vor.u32 v4, v15;
	_ =	sdelay $0x2  }
0x31e: {  	v16, _, _ =	vpop (xrf2)  }
0x31f: {  	v17 =	vsub.f32 $0.0e+00, v16  }
0x320: {  	[tilespmem:v15+s22+$0x0] =	vst.idx.msk vm2, v16  }
0x321: {  	[tilespmem:v14+s22+$0x0] =	vst.idx.add.f32.msk vm0, v17  }
0x322: {  	v14 =	vld [tilespmem:s1+$0xA0]  }
0x323: {  	v15 =	vld [tilespmem:s1+$0x80]  }
0x324: {  	v16 =	vld [tilespmem:s1+$0xD0]  }
0x325: {  	v17 =	vld [tilespmem:s1+$0x90]  }
0x326: {  	v60 =	vld [tilespmem:s1+$0xC0]  }
0x327: {  	v61 =	vld [tilespmem:s1+$0xE0]  }
0x328: {  	v21 =	vld [tilespmem:s1+$0xF0];
	_ =	sdelay $0x1  }
0x329: {  	v15 =	vsub.f32 v6, v15  }
0x32a: {  	v62 =	vld [tilespmem:s1+$0xB0];
	v16 =	vsub.f32 v7, v16;
	v17 =	vsub.f32 v7, v17  }
0x32b: {  	v18 =	vsub.f32 v6, v60;
	v19 =	vsub.f32 v8, v61  }
0x32c: {  	v14 =	vsub.f32 v8, v14;
	v63 =	vsub.f32 v9, v21;
	v15 =	vand.u32 $0x7FFFFFFF, v15  }
0x32d: {  	v16 =	vand.u32 $0x7FFFFFFF, v16;
	v17 =	vand.u32 $0x7FFFFFFF, v17;
	v18 =	vand.u32 $0x7FFFFFFF, v18  }
0x32e: {  	v15 =	vadd.f32 v17, v15;
	v16 =	vadd.f32 v16, v18  }
0x32f: {  	v14 =	vand.u32 $0x7FFFFFFF, v14;
	v19 =	vand.u32 $0x7FFFFFFF, v19;
	v17 =	vsub.f32 v9, v62  }
0x330: {  	v14 =	vadd.f32 v14, v15;
	v15 =	vadd.f32 v19, v16  }
0x331: {  	v16 =	vand.u32 $0x7FFFFFFF, v17;
	v17 =	vand.u32 $0x7FFFFFFF, v63  }
0x332: {  	v14 =	vadd.f32 v16, v14;
	v15 =	vadd.f32 v17, v15;
	_ =	sdelay $0x1  }
0x333: {  	v16 =	vperm.xlane v14, v0;
	v17 =	vperm.xlane v15, v0;
	_ =	sdelay $0x1  }
0x334: {  	v14 =	vadd.f32 v16, v14;
	v15 =	vadd.f32 v15, v17;
	_ =	sdelay $0x1  }
0x335: {  	v14 =	vsel vm1, v14, v15  }
0x336: {  	v15 =	vsub.f32 $1.500000000e+00, v14  }
0x337: {  	s18 =	simm.s32 $0x6  }
0x338: {  	v16 =	vmov s18;
	(xrf2) =	vadd.scan.msk.f32 $0xffff, v15  }
0x339: {  	s16 =	simm.s32 $0x0;
	s17 =	simm.s32 $0x7;
	v14 =	vor.u32 $0x7, v10;
	v15 =	vshrl.u32 v16, $0x3  }
.LBB2_9:
0x33a: {  	s16 =	sadd.s32 $0x4, s16;
	v15 =	vshll.u32 v15, v1;
	v16 =	vmov s17;
	s14 =	sadd.s32 $0x8, s14;
	s1 =	sadd.s32 $0x200, s1  }
0x33b: {  	p1 =	slt.u32 s16, $0x3C;
	v15 =	vadd.s32 v10, v15;
	v16 =	vshrl.u32 v16, $0x3  }
0x33c: {  	v15 =	vbroadcast v15, $0x0;
	v16 =	vshll.u32 v16, v1  }
0x33d: {  	v16 =	vadd.s32 v16, v14  }
0x33e: {  	v15 =	vor.u32 v5, v15;
	v16 =	vbroadcast v16, $0x0;
	_ =	sdelay $0x3  }
0x33f: {  	v17, _, _ =	vpop (xrf2)  }
0x340: {  	[tilespmem:v15+s22+$0x0] =	vst.idx.msk vm2, v17;
	v15 =	vsub.f32 $0.0e+00, v17;
	_ =	sdelay $0x1  }
0x341: {  	[tilespmem:v16+s22+$0x0] =	vst.idx.add.f32.msk vm0, v15  }
0x342: {  	v15 =	vld [tilespmem:s1+$0xFFFFFF00]  }
0x343: {  	v16 =	vld [tilespmem:s1+$0xFFFFFF50]  }
0x344: {  	v17 =	vld [tilespmem:s1+$0xFFFFFF40]  }
0x345: {  	v18 =	vld [tilespmem:s1+$0xFFFFFF10]  }
0x346: {  	v19 =	vld [tilespmem:s1+$0xFFFFFF60]  }
0x347: {  	v20 =	vld [tilespmem:s1+$0xFFFFFF20];
	v15 =	vsub.f32 v6, v15  }
0x348: {  	v21 =	vld [tilespmem:s1+$0xFFFFFF70];
	v16 =	vsub.f32 v7, v16  }
0x349: {  	v22 =	vld [tilespmem:s1+$0xFFFFFF30];
	v17 =	vsub.f32 v6, v17  }
0x34a: {  	v18 =	vsub.f32 v7, v18;
	v16 =	vand.u32 $0x7FFFFFFF, v16  }
0x34b: {  	v15 =	vand.u32 $0x7FFFFFFF, v15;
	v17 =	vand.u32 $0x7FFFFFFF, v17;
	v19 =	vsub.f32 v8, v19  }
0x34c: {  	v18 =	vand.u32 $0x7FFFFFFF, v18;
	v20 =	vsub.f32 v8, v20;
	v16 =	vadd.f32 v16, v17  }
0x34d: {  	v15 =	vadd.f32 v18, v15;
	v17 =	vand.u32 $0x7FFFFFFF, v19;
	v18 =	vsub.f32 v9, v21  }
0x34e: {  	v19 =	vand.u32 $0x7FFFFFFF, v20;
	v20 =	vsub.f32 v9, v22;
	v16 =	vadd.f32 v17, v16  }
0x34f: {  	v15 =	vadd.f32 v19, v15;
	v17 =	vand.u32 $0x7FFFFFFF, v18  }
0x350: {  	v18 =	vand.u32 $0x7FFFFFFF, v20;
	v16 =	vadd.f32 v17, v16  }
0x351: {  	v15 =	vadd.f32 v18, v15  }
0x352: {  	v17 =	vperm.xlane v16, v0  }
0x353: {  	v18 =	vperm.xlane v15, v0  }
0x354: {  	v16 =	vadd.f32 v16, v17  }
0x355: {  	v15 =	vadd.f32 v18, v15;
	_ =	sdelay $0x1  }
0x356: {  	v15 =	vsel vm1, v15, v16  }
0x357: {  	v15 =	vsub.f32 $1.500000000e+00, v15;
	_ =	sdelay $0x1  }
0x358: {  	(xrf2) =	vadd.scan.msk.f32 $0xffff, v15  }
0x359: {  	v15 =	vmov s14  }
0x35a: {  	s17 =	sadd.s32 $0x1, s14;
	v15 =	vshrl.u32 v15, $0x3  }
0x35b: {  	v16 =	vmov s17;
	v15 =	vshll.u32 v15, v1  }
0x35c: {  	v16 =	vshrl.u32 v16, $0x3;
	v15 =	vadd.s32 v10, v15  }
0x35d: {  	v16 =	vshll.u32 v16, v1;
	v15 =	vbroadcast v15, $0x0  }
0x35e: {  	v16 =	vadd.s32 v16, v11  }
0x35f: {  	v16 =	vbroadcast v16, $0x0;
	v15 =	vor.u32 v2, v15;
	_ =	sdelay $0x2  }
0x360: {  	v17, _, _ =	vpop (xrf2)  }
0x361: {  	v18 =	vsub.f32 $0.0e+00, v17  }
0x362: {  	[tilespmem:v15+s22+$0x0] =	vst.idx.msk vm2, v17  }
0x363: {  	[tilespmem:v16+s22+$0x0] =	vst.idx.add.f32.msk vm0, v18  }
0x364: {  	v15 =	vld [tilespmem:s1+$0xFFFFFFC0]  }
0x365: {  	v16 =	vld [tilespmem:s1+$0xFFFFFF90]  }
0x366: {  	v17 =	vld [tilespmem:s1+$0xFFFFFFD0]  }
0x367: {  	v18 =	vld [tilespmem:s1+$0xFFFFFF80]  }
0x368: {  	v19 =	vld [tilespmem:s1+$0xFFFFFFE0]  }
0x369: {  	v20 =	vld [tilespmem:s1+$0xFFFFFFA0];
	v15 =	vsub.f32 v6, v15  }
0x36a: {  	v16 =	vsub.f32 v7, v16;
	v21 =	vld [tilespmem:s1+$0xFFFFFFF0]  }
0x36b: {  	v22 =	vld [tilespmem:s1+$0xFFFFFFB0];
	v15 =	vand.u32 $0x7FFFFFFF, v15;
	v17 =	vsub.f32 v7, v17  }
0x36c: {  	v18 =	vsub.f32 v6, v18;
	v16 =	vand.u32 $0x7FFFFFFF, v16  }
0x36d: {  	v17 =	vand.u32 $0x7FFFFFFF, v17;
	v19 =	vsub.f32 v8, v19  }
0x36e: {  	v18 =	vand.u32 $0x7FFFFFFF, v18;
	v20 =	vsub.f32 v8, v20;
	v15 =	vadd.f32 v17, v15  }
0x36f: {  	v16 =	vadd.f32 v16, v18;
	v17 =	vand.u32 $0x7FFFFFFF, v19;
	v18 =	vsub.f32 v9, v21  }
0x370: {  	v19 =	vand.u32 $0x7FFFFFFF, v20;
	v20 =	vsub.f32 v9, v22;
	v15 =	vadd.f32 v17, v15  }
0x371: {  	v16 =	vadd.f32 v19, v16;
	v17 =	vand.u32 $0x7FFFFFFF, v18  }
0x372: {  	v18 =	vand.u32 $0x7FFFFFFF, v20;
	v15 =	vadd.f32 v17, v15  }
0x373: {  	v16 =	vadd.f32 v18, v16  }
0x374: {  	v17 =	vperm.xlane v15, v0  }
0x375: {  	v18 =	vperm.xlane v16, v0  }
0x376: {  	v15 =	vadd.f32 v15, v17  }
0x377: {  	v16 =	vadd.f32 v18, v16;
	_ =	sdelay $0x1  }
0x378: {  	v15 =	vsel vm1, v16, v15  }
0x379: {  	v15 =	vsub.f32 $1.500000000e+00, v15;
	_ =	sdelay $0x1  }
0x37a: {  	s17 =	sadd.s32 $0x2, s14;
	(xrf2) =	vadd.scan.msk.f32 $0xffff, v15  }
0x37b: {  	v15 =	vmov s17  }
0x37c: {  	s17 =	sadd.s32 $0x3, s14;
	v15 =	vshrl.u32 v15, $0x3  }
0x37d: {  	v16 =	vmov s17;
	v15 =	vshll.u32 v15, v1  }
0x37e: {  	v16 =	vshrl.u32 v16, $0x3;
	v15 =	vadd.s32 v10, v15  }
0x37f: {  	v16 =	vshll.u32 v16, v1;
	v15 =	vbroadcast v15, $0x0  }
0x380: {  	v16 =	vadd.s32 v16, v12  }
0x381: {  	v16 =	vbroadcast v16, $0x0;
	v15 =	vor.u32 v3, v15;
	_ =	sdelay $0x2  }
0x382: {  	v17, _, _ =	vpop (xrf2)  }
0x383: {  	v18 =	vsub.f32 $0.0e+00, v17  }
0x384: {  	[tilespmem:v15+s22+$0x0] =	vst.idx.msk vm2, v17  }
0x385: {  	[tilespmem:v16+s22+$0x0] =	vst.idx.add.f32.msk vm0, v18  }
0x386: {  	v15 =	vld [tilespmem:s1+$0x50]  }
0x387: {  	v16 =	vld [tilespmem:s1+$0x0]  }
0x388: {  	v17 =	vld [tilespmem:s1+$0x10]  }
0x389: {  	v18 =	vld [tilespmem:s1+$0x40]  }
0x38a: {  	v19 =	vld [tilespmem:s1+$0x20]  }
0x38b: {  	v20 =	vld [tilespmem:s1+$0x60];
	v15 =	vsub.f32 v7, v15  }
0x38c: {  	v21 =	vld [tilespmem:s1+$0x30];
	v16 =	vsub.f32 v6, v16  }
0x38d: {  	v17 =	vsub.f32 v7, v17;
	v22 =	vld [tilespmem:s1+$0x70]  }
0x38e: {  	v15 =	vand.u32 $0x7FFFFFFF, v15;
	v18 =	vsub.f32 v6, v18  }
0x38f: {  	v16 =	vand.u32 $0x7FFFFFFF, v16;
	v17 =	vand.u32 $0x7FFFFFFF, v17;
	v19 =	vsub.f32 v8, v19  }
0x390: {  	v16 =	vadd.f32 v17, v16;
	v17 =	vand.u32 $0x7FFFFFFF, v18;
	v18 =	vsub.f32 v8, v20  }
0x391: {  	v19 =	vand.u32 $0x7FFFFFFF, v19;
	v20 =	vsub.f32 v9, v21;
	v15 =	vadd.f32 v15, v17  }
0x392: {  	v16 =	vadd.f32 v19, v16;
	v17 =	vand.u32 $0x7FFFFFFF, v18;
	v18 =	vsub.f32 v9, v22  }
0x393: {  	v19 =	vand.u32 $0x7FFFFFFF, v20;
	v15 =	vadd.f32 v17, v15  }
0x394: {  	v16 =	vadd.f32 v19, v16;
	v17 =	vand.u32 $0x7FFFFFFF, v18  }
0x395: {  	v15 =	vadd.f32 v17, v15  }
0x396: {  	v17 =	vperm.xlane v16, v0  }
0x397: {  	v18 =	vperm.xlane v15, v0  }
0x398: {  	v16 =	vadd.f32 v17, v16  }
0x399: {  	v15 =	vadd.f32 v15, v18;
	_ =	sdelay $0x1  }
0x39a: {  	v15 =	vsel vm1, v16, v15  }
0x39b: {  	v15 =	vsub.f32 $1.500000000e+00, v15  }
0x39c: {  	s17 =	sadd.s32 $0x4, s14  }
0x39d: {  	v16 =	vmov s17;
	(xrf2) =	vadd.scan.msk.f32 $0xffff, v15  }
0x39e: {  	v15 =	vshrl.u32 v16, $0x3  }
0x39f: {  	s17 =	sadd.s32 $0x5, s14;
	v15 =	vshll.u32 v15, v1  }
0x3a0: {  	v16 =	vmov s17;
	v15 =	vadd.s32 v10, v15  }
0x3a1: {  	v16 =	vshrl.u32 v16, $0x3;
	v15 =	vbroadcast v15, $0x0  }
0x3a2: {  	v16 =	vshll.u32 v16, v1  }
0x3a3: {  	v16 =	vadd.s32 v16, v13;
	v15 =	vor.u32 v4, v15  }
0x3a4: {  	v16 =	vbroadcast v16, $0x0;
	_ =	sdelay $0x2  }
0x3a5: {  	v17, _, _ =	vpop (xrf2)  }
0x3a6: {  	[tilespmem:v15+s22+$0x0] =	vst.idx.msk vm2, v17;
	v15 =	vsub.f32 $0.0e+00, v17;
	_ =	sdelay $0x1  }
0x3a7: {  	[tilespmem:v16+s22+$0x0] =	vst.idx.add.f32.msk vm0, v15  }
0x3a8: {  	v15 =	vld [tilespmem:s1+$0xA0]  }
0x3a9: {  	v16 =	vld [tilespmem:s1+$0x80]  }
0x3aa: {  	v17 =	vld [tilespmem:s1+$0xE0]  }
0x3ab: {  	v18 =	vld [tilespmem:s1+$0xD0]  }
0x3ac: {  	v19 =	vld [tilespmem:s1+$0x90]  }
0x3ad: {  	v20 =	vld [tilespmem:s1+$0xC0]  }
0x3ae: {  	v21 =	vld [tilespmem:s1+$0xB0];
	v16 =	vsub.f32 v6, v16  }
0x3af: {  	v22 =	vld [tilespmem:s1+$0xF0];
	v17 =	vsub.f32 v8, v17  }
0x3b0: {  	v18 =	vsub.f32 v7, v18  }
0x3b1: {  	v15 =	vsub.f32 v8, v15;
	v19 =	vsub.f32 v7, v19  }
0x3b2: {  	v16 =	vand.u32 $0x7FFFFFFF, v16;
	v20 =	vsub.f32 v6, v20;
	v18 =	vand.u32 $0x7FFFFFFF, v18  }
0x3b3: {  	v15 =	vand.u32 $0x7FFFFFFF, v15;
	v19 =	vand.u32 $0x7FFFFFFF, v19;
	v21 =	vsub.f32 v9, v21  }
0x3b4: {  	v16 =	vadd.f32 v19, v16;
	v19 =	vand.u32 $0x7FFFFFFF, v20;
	v20 =	vsub.f32 v9, v22  }
0x3b5: {  	v17 =	vand.u32 $0x7FFFFFFF, v17;
	v18 =	vadd.f32 v18, v19  }
0x3b6: {  	v15 =	vadd.f32 v15, v16  }
0x3b7: {  	v16 =	vand.u32 $0x7FFFFFFF, v21;
	v17 =	vadd.f32 v17, v18;
	v18 =	vand.u32 $0x7FFFFFFF, v20  }
0x3b8: {  	v15 =	vadd.f32 v16, v15  }
0x3b9: {  	v16 =	vadd.f32 v18, v17  }
0x3ba: {  	v17 =	vperm.xlane v15, v0  }
0x3bb: {  	v18 =	vperm.xlane v16, v0  }
0x3bc: {  	v15 =	vadd.f32 v17, v15  }
0x3bd: {  	v16 =	vadd.f32 v16, v18;
	_ =	sdelay $0x1  }
.Ltmp3:
0x3be: {  	v15 =	vsel vm1, v15, v16;
	(pc) =	sbr.rel @p1 .LBB2_9-.Ltmp3, $4  }
0x3bf: {  	v15 =	vsub.f32 $1.500000000e+00, v15  }
0x3c0: {  	s17 =	sadd.s32 $0x6, s14  }
0x3c1: {  	v16 =	vmov s17;
	(xrf2) =	vadd.scan.msk.f32 $0xffff, v15  }
0x3c2: {  	s17 =	sadd.s32 $0x7, s14;
	v15 =	vshrl.u32 v16, $0x3  }
0x3c3: {  	_ = 	snop  }
0x3c4: {  	v6 =	vshll.u32 v15, v1;
	v7 =	vmov s17  }
0x3c5: {  	v6 =	vadd.s32 v10, v6;
	v7 =	vshrl.u32 v7, $0x3  }
0x3c6: {  	v6 =	vbroadcast v6, $0x0;
	v7 =	vshll.u32 v7, v1  }
0x3c7: {  	v7 =	vadd.s32 v7, v14  }
0x3c8: {  	v6 =	vor.u32 v5, v6;
	v7 =	vbroadcast v7, $0x0;
	_ =	sdelay $0x2  }
0x3c9: {  	v8, _, _ =	vpop (xrf2)  }
0x3ca: {  	v9 =	vsub.f32 $0.0e+00, v8  }
0x3cb: {  	[tilespmem:v6+s22+$0x0] =	vst.idx.msk vm2, v8  }
0x3cc: {  	s0 =	sadd.s32 @!p0 $0x300, s0;
	s1 =	simm.s32 @!p0 $0x80;
	s14 =	simm.s32 @!p0 $0xC100;
	[tilespmem:v7+s22+$0x0] =	vst.idx.add.f32.msk vm0, v9  }
0x3cd: {  	[tilespmem:s14], [sflag:$0x3] =	stream.indirect.gather @!p0 [hbm4b:s3+s1], $0x40, s0, s1, $0xb8;
	[tilespmem:$0x14100] =	vst v63  }
0x3ce: {  	_ =	swait.ge [sflag:s25], $0x2000  }
0x3cf: {  	s18 =	sshll.u32 s31, $0x6;
	[sflag:s25] =	ssyncset.done $0x0  }
0x3d0: {  	s0 =	sand.u32 $0x3FFFFFC0, s18;
	[sflag:s25] =	ssyncadd.s32 $0xFFFFE000  }
0x3d1: {  	v6 =	vld [tilespmem:s0+$0x4100]  }
0x3d2: {  	v7 =	vld [tilespmem:s0+$0x4110]  }
0x3d3: {  	v8 =	vld [tilespmem:s0+$0x4120]  }
0x3d4: {  	v9 =	vld [tilespmem:s0+$0x4130];
	s0 =	simm.s32 $0xE200  }
0x3d5: {  	v10 =	vld [tilespmem:s0+$0xFFFFFF00]  }
0x3d6: {  	v11 =	vld [tilespmem:s0+$0xFFFFFF50]  }
0x3d7: {  	v12 =	vld [tilespmem:s0+$0xFFFFFF40]  }
0x3d8: {  	v13 =	vld [tilespmem:s0+$0xFFFFFF10]  }
0x3d9: {  	v14 =	vld [tilespmem:s0+$0xFFFFFF60]  }
0x3da: {  	v15 =	vld [tilespmem:s0+$0xFFFFFF20];
	_ =	sdelay $0x1  }
0x3db: {  	v16 =	vld [tilespmem:s0+$0xFFFFFF70]  }
0x3dc: {  	v17 =	vld [tilespmem:s0+$0xFFFFFF30];
	v10 =	vsub.f32 v6, v10;
	v11 =	vsub.f32 v7, v11  }
0x3dd: {  	v12 =	vsub.f32 v6, v12;
	v13 =	vsub.f32 v7, v13  }
0x3de: {  	v14 =	vsub.f32 v8, v14;
	v15 =	vsub.f32 v8, v15;
	v11 =	vand.u32 $0x7FFFFFFF, v11  }
0x3df: {  	v10 =	vand.u32 $0x7FFFFFFF, v10;
	v12 =	vand.u32 $0x7FFFFFFF, v12;
	v13 =	vand.u32 $0x7FFFFFFF, v13  }
0x3e0: {  	v11 =	vadd.f32 v11, v12;
	v10 =	vadd.f32 v13, v10;
	v12 =	vand.u32 $0x7FFFFFFF, v14  }
0x3e1: {  	v13 =	vsub.f32 v9, v16;
	v14 =	vand.u32 $0x7FFFFFFF, v15;
	v15 =	vsub.f32 v9, v17  }
0x3e2: {  	v11 =	vadd.f32 v12, v11;
	v10 =	vadd.f32 v14, v10  }
0x3e3: {  	v12 =	vand.u32 $0x7FFFFFFF, v13;
	v13 =	vand.u32 $0x7FFFFFFF, v15  }
0x3e4: {  	v11 =	vadd.f32 v12, v11;
	v10 =	vadd.f32 v13, v10;
	_ =	sdelay $0x1  }
0x3e5: {  	v12 =	vperm.xlane v11, v0;
	v13 =	vperm.xlane v10, v0;
	_ =	sdelay $0x1  }
0x3e6: {  	v11 =	vadd.f32 v11, v12;
	v10 =	vadd.f32 v13, v10;
	_ =	sdelay $0x1  }
0x3e7: {  	v10 =	vsel vm1, v10, v11  }
0x3e8: {  	v10 =	vsub.f32 $1.500000000e+00, v10;
	_ =	sdelay $0x1  }
0x3e9: {  	s1 =	simm.s32 $0x0;
	(xrf2) =	vadd.scan.msk.f32 $0xffff, v10  }
0x3ea: {  	v10 =	vmov s1  }
0x3eb: {  	s31 =	simm.s32 $0x1;
	v11 =	vshrl.u32 v10, $0x3  }
0x3ec: {  	v12 =	vmov s31;
	v10 =	vmov s30;
	v11 =	vshll.u32 v11, v1  }
0x3ed: {  	v12 =	vshrl.u32 v12, $0x3;
	v13 =	vadd.s32 v10, v11  }
0x3ee: {  	v12 =	vshll.u32 v12, v1;
	v11 =	vor.u32 $0x1, v10;
	v13 =	vbroadcast v13, $0x0  }
0x3ef: {  	v12 =	vadd.s32 v12, v11  }
0x3f0: {  	v12 =	vbroadcast v12, $0x0;
	v13 =	vor.u32 v2, v13;
	_ =	sdelay $0x2  }
0x3f1: {  	v14, _, _ =	vpop (xrf2)  }
0x3f2: {  	v15 =	vsub.f32 $0.0e+00, v14  }
0x3f3: {  	[tilespmem:v13+s22+$0x0] =	vst.idx.msk vm2, v14  }
0x3f4: {  	[tilespmem:v12+s22+$0x0] =	vst.idx.add.f32.msk vm0, v15  }
0x3f5: {  	v12 =	vld [tilespmem:s0+$0xFFFFFFC0]  }
0x3f6: {  	v13 =	vld [tilespmem:s0+$0xFFFFFF90]  }
0x3f7: {  	v14 =	vld [tilespmem:s0+$0xFFFFFFD0]  }
0x3f8: {  	v15 =	vld [tilespmem:s0+$0xFFFFFF80]  }
0x3f9: {  	v16 =	vld [tilespmem:s0+$0xFFFFFFE0]  }
0x3fa: {  	v17 =	vld [tilespmem:s0+$0xFFFFFFA0];
	_ =	sdelay $0x1  }
0x3fb: {  	v18 =	vld [tilespmem:s0+$0xFFFFFFF0]  }
0x3fc: {  	v19 =	vld [tilespmem:s0+$0xFFFFFFB0];
	v12 =	vsub.f32 v6, v12;
	v13 =	vsub.f32 v7, v13  }
0x3fd: {  	v14 =	vsub.f32 v7, v14;
	v15 =	vsub.f32 v6, v15  }
0x3fe: {  	v16 =	vsub.f32 v8, v16;
	v17 =	vsub.f32 v8, v17;
	v12 =	vand.u32 $0x7FFFFFFF, v12  }
0x3ff: {  	v13 =	vand.u32 $0x7FFFFFFF, v13;
	v14 =	vand.u32 $0x7FFFFFFF, v14;
	v15 =	vand.u32 $0x7FFFFFFF, v15  }
0x400: {  	v12 =	vadd.f32 v14, v12;
	v13 =	vadd.f32 v13, v15;
	v14 =	vand.u32 $0x7FFFFFFF, v16  }
0x401: {  	v15 =	vsub.f32 v9, v18;
	v16 =	vand.u32 $0x7FFFFFFF, v17;
	v17 =	vsub.f32 v9, v19  }
0x402: {  	v12 =	vadd.f32 v14, v12;
	v13 =	vadd.f32 v16, v13  }
0x403: {  	v14 =	vand.u32 $0x7FFFFFFF, v15;
	v15 =	vand.u32 $0x7FFFFFFF, v17  }
0x404: {  	v12 =	vadd.f32 v14, v12;
	v13 =	vadd.f32 v15, v13;
	_ =	sdelay $0x1  }
0x405: {  	v14 =	vperm.xlane v12, v0;
	v15 =	vperm.xlane v13, v0;
	_ =	sdelay $0x1  }
0x406: {  	v12 =	vadd.f32 v12, v14;
	v13 =	vadd.f32 v15, v13;
	_ =	sdelay $0x1  }
0x407: {  	v12 =	vsel vm1, v13, v12  }
0x408: {  	v12 =	vsub.f32 $1.500000000e+00, v12;
	_ =	sdelay $0x1  }
0x409: {  	s16 =	simm.s32 $0x2;
	(xrf2) =	vadd.scan.msk.f32 $0xffff, v12  }
0x40a: {  	v12 =	vmov s16  }
0x40b: {  	s17 =	simm.s32 $0x3;
	v12 =	vshrl.u32 v12, $0x3  }
0x40c: {  	v13 =	vmov s17;
	v12 =	vshll.u32 v12, v1  }
0x40d: {  	v13 =	vshrl.u32 v13, $0x3;
	v14 =	vadd.s32 v10, v12  }
0x40e: {  	v13 =	vshll.u32 v13, v1;
	v12 =	vor.u32 $0x3, v10;
	v14 =	vbroadcast v14, $0x0  }
0x40f: {  	v13 =	vadd.s32 v13, v12  }
0x410: {  	v13 =	vbroadcast v13, $0x0;
	v14 =	vor.u32 v3, v14;
	_ =	sdelay $0x2  }
0x411: {  	v15, _, _ =	vpop (xrf2)  }
0x412: {  	v16 =	vsub.f32 $0.0e+00, v15  }
0x413: {  	[tilespmem:v14+s22+$0x0] =	vst.idx.msk vm2, v15  }
0x414: {  	[tilespmem:v13+s22+$0x0] =	vst.idx.add.f32.msk vm0, v16  }
0x415: {  	v13 =	vld [tilespmem:s0+$0x50]  }
0x416: {  	v14 =	vld [tilespmem:s0+$0x0]  }
0x417: {  	v15 =	vld [tilespmem:s0+$0x10]  }
0x418: {  	v16 =	vld [tilespmem:s0+$0x40]  }
0x419: {  	v17 =	vld [tilespmem:s0+$0x20]  }
0x41a: {  	v57 =	vld [tilespmem:s0+$0x60]  }
0x41b: {  	v20 =	vld [tilespmem:s0+$0x70];
	_ =	sdelay $0x1  }
0x41c: {  	v13 =	vsub.f32 v7, v13  }
0x41d: {  	v58 =	vld [tilespmem:s0+$0x30];
	v14 =	vsub.f32 v6, v14;
	v15 =	vsub.f32 v7, v15  }
0x41e: {  	v16 =	vsub.f32 v6, v16;
	v17 =	vsub.f32 v8, v17  }
0x41f: {  	v18 =	vsub.f32 v8, v57;
	v59 =	vsub.f32 v9, v20;
	v13 =	vand.u32 $0x7FFFFFFF, v13  }
0x420: {  	v14 =	vand.u32 $0x7FFFFFFF, v14;
	v15 =	vand.u32 $0x7FFFFFFF, v15;
	v16 =	vand.u32 $0x7FFFFFFF, v16  }
0x421: {  	v14 =	vadd.f32 v15, v14;
	v13 =	vadd.f32 v13, v16  }
0x422: {  	v15 =	vand.u32 $0x7FFFFFFF, v17;
	v16 =	vsub.f32 v9, v58;
	v17 =	vand.u32 $0x7FFFFFFF, v18  }
0x423: {  	v14 =	vadd.f32 v15, v14;
	v13 =	vadd.f32 v17, v13  }
0x424: {  	v15 =	vand.u32 $0x7FFFFFFF, v16;
	v16 =	vand.u32 $0x7FFFFFFF, v59  }
0x425: {  	v14 =	vadd.f32 v15, v14;
	v13 =	vadd.f32 v16, v13;
	_ =	sdelay $0x1  }
0x426: {  	v15 =	vperm.xlane v14, v0;
	v16 =	vperm.xlane v13, v0;
	_ =	sdelay $0x1  }
0x427: {  	v14 =	vadd.f32 v15, v14;
	v13 =	vadd.f32 v13, v16;
	_ =	sdelay $0x1  }
0x428: {  	v13 =	vsel vm1, v14, v13  }
0x429: {  	v13 =	vsub.f32 $1.500000000e+00, v13;
	_ =	sdelay $0x1  }
0x42a: {  	s18 =	simm.s32 $0x4;
	(xrf2) =	vadd.scan.msk.f32 $0xffff, v13  }
0x42b: {  	v13 =	vmov s18  }
0x42c: {  	s30 =	simm.s32 $0x5;
	v13 =	vshrl.u32 v13, $0x3  }
0x42d: {  	v14 =	vmov s30;
	v13 =	vshll.u32 v13, v1  }
0x42e: {  	v14 =	vshrl.u32 v14, $0x3;
	v15 =	vadd.s32 v10, v13  }
0x42f: {  	v14 =	vshll.u32 v14, v1;
	v13 =	vor.u32 $0x5, v10;
	v15 =	vbroadcast v15, $0x0  }
0x430: {  	v14 =	vadd.s32 v14, v13  }
0x431: {  	v14 =	vbroadcast v14, $0x0;
	v15 =	vor.u32 v4, v15;
	_ =	sdelay $0x2  }
0x432: {  	v16, _, _ =	vpop (xrf2)  }
0x433: {  	v17 =	vsub.f32 $0.0e+00, v16  }
0x434: {  	[tilespmem:v15+s22+$0x0] =	vst.idx.msk vm2, v16  }
0x435: {  	[tilespmem:v14+s22+$0x0] =	vst.idx.add.f32.msk vm0, v17  }
0x436: {  	v14 =	vld [tilespmem:s0+$0xA0]  }
0x437: {  	v15 =	vld [tilespmem:s0+$0x80]  }
0x438: {  	v16 =	vld [tilespmem:s0+$0xD0]  }
0x439: {  	v17 =	vld [tilespmem:s0+$0x90]  }
0x43a: {  	v60 =	vld [tilespmem:s0+$0xC0]  }
0x43b: {  	v61 =	vld [tilespmem:s0+$0xE0]  }
0x43c: {  	v21 =	vld [tilespmem:s0+$0xF0];
	_ =	sdelay $0x1  }
0x43d: {  	v15 =	vsub.f32 v6, v15  }
0x43e: {  	v62 =	vld [tilespmem:s0+$0xB0];
	v16 =	vsub.f32 v7, v16;
	v17 =	vsub.f32 v7, v17  }
0x43f: {  	v18 =	vsub.f32 v6, v60;
	v19 =	vsub.f32 v8, v61  }
0x440: {  	v14 =	vsub.f32 v8, v14;
	v63 =	vsub.f32 v9, v21;
	v15 =	vand.u32 $0x7FFFFFFF, v15  }
0x441: {  	v16 =	vand.u32 $0x7FFFFFFF, v16;
	v17 =	vand.u32 $0x7FFFFFFF, v17;
	v18 =	vand.u32 $0x7FFFFFFF, v18  }
0x442: {  	v15 =	vadd.f32 v17, v15;
	v16 =	vadd.f32 v16, v18  }
0x443: {  	v14 =	vand.u32 $0x7FFFFFFF, v14;
	v19 =	vand.u32 $0x7FFFFFFF, v19;
	v17 =	vsub.f32 v9, v62  }
0x444: {  	v14 =	vadd.f32 v14, v15;
	v15 =	vadd.f32 v19, v16  }
0x445: {  	v16 =	vand.u32 $0x7FFFFFFF, v17;
	v17 =	vand.u32 $0x7FFFFFFF, v63  }
0x446: {  	v14 =	vadd.f32 v16, v14;
	v15 =	vadd.f32 v17, v15;
	_ =	sdelay $0x1  }
0x447: {  	v16 =	vperm.xlane v14, v0;
	v17 =	vperm.xlane v15, v0;
	_ =	sdelay $0x1  }
0x448: {  	v14 =	vadd.f32 v16, v14;
	v15 =	vadd.f32 v15, v17;
	_ =	sdelay $0x1  }
0x449: {  	v14 =	vsel vm1, v14, v15  }
0x44a: {  	v15 =	vsub.f32 $1.500000000e+00, v14  }
0x44b: {  	s31 =	simm.s32 $0x6  }
0x44c: {  	v16 =	vmov s31;
	(xrf2) =	vadd.scan.msk.f32 $0xffff, v15  }
0x44d: {  	s14 =	simm.s32 $0x0;
	s16 =	simm.s32 $0x7;
	v14 =	vor.u32 $0x7, v10;
	v15 =	vshrl.u32 v16, $0x3  }
.LBB2_11:
0x44e: {  	s14 =	sadd.s32 $0x4, s14;
	v15 =	vshll.u32 v15, v1;
	v16 =	vmov s16;
	s1 =	sadd.s32 $0x8, s1;
	s0 =	sadd.s32 $0x200, s0  }
0x44f: {  	p0 =	slt.u32 s14, $0x3C;
	v15 =	vadd.s32 v10, v15;
	v16 =	vshrl.u32 v16, $0x3  }
0x450: {  	v15 =	vbroadcast v15, $0x0;
	v16 =	vshll.u32 v16, v1  }
0x451: {  	v16 =	vadd.s32 v16, v14  }
0x452: {  	v15 =	vor.u32 v5, v15;
	v16 =	vbroadcast v16, $0x0;
	_ =	sdelay $0x3  }
0x453: {  	v17, _, _ =	vpop (xrf2)  }
0x454: {  	[tilespmem:v15+s22+$0x0] =	vst.idx.msk vm2, v17;
	v15 =	vsub.f32 $0.0e+00, v17;
	_ =	sdelay $0x1  }
0x455: {  	[tilespmem:v16+s22+$0x0] =	vst.idx.add.f32.msk vm0, v15  }
0x456: {  	v15 =	vld [tilespmem:s0+$0xFFFFFF00]  }
0x457: {  	v16 =	vld [tilespmem:s0+$0xFFFFFF50]  }
0x458: {  	v17 =	vld [tilespmem:s0+$0xFFFFFF40]  }
0x459: {  	v18 =	vld [tilespmem:s0+$0xFFFFFF10]  }
0x45a: {  	v19 =	vld [tilespmem:s0+$0xFFFFFF60]  }
0x45b: {  	v20 =	vld [tilespmem:s0+$0xFFFFFF20];
	v15 =	vsub.f32 v6, v15  }
0x45c: {  	v21 =	vld [tilespmem:s0+$0xFFFFFF70];
	v16 =	vsub.f32 v7, v16  }
0x45d: {  	v22 =	vld [tilespmem:s0+$0xFFFFFF30];
	v17 =	vsub.f32 v6, v17  }
0x45e: {  	v18 =	vsub.f32 v7, v18;
	v16 =	vand.u32 $0x7FFFFFFF, v16  }
0x45f: {  	v15 =	vand.u32 $0x7FFFFFFF, v15;
	v17 =	vand.u32 $0x7FFFFFFF, v17;
	v19 =	vsub.f32 v8, v19  }
0x460: {  	v18 =	vand.u32 $0x7FFFFFFF, v18;
	v20 =	vsub.f32 v8, v20;
	v16 =	vadd.f32 v16, v17  }
0x461: {  	v15 =	vadd.f32 v18, v15;
	v17 =	vand.u32 $0x7FFFFFFF, v19;
	v18 =	vsub.f32 v9, v21  }
0x462: {  	v19 =	vand.u32 $0x7FFFFFFF, v20;
	v20 =	vsub.f32 v9, v22;
	v16 =	vadd.f32 v17, v16  }
0x463: {  	v15 =	vadd.f32 v19, v15;
	v17 =	vand.u32 $0x7FFFFFFF, v18  }
0x464: {  	v18 =	vand.u32 $0x7FFFFFFF, v20;
	v16 =	vadd.f32 v17, v16  }
0x465: {  	v15 =	vadd.f32 v18, v15  }
0x466: {  	v17 =	vperm.xlane v16, v0  }
0x467: {  	v18 =	vperm.xlane v15, v0  }
0x468: {  	v16 =	vadd.f32 v16, v17  }
0x469: {  	v15 =	vadd.f32 v18, v15;
	_ =	sdelay $0x1  }
0x46a: {  	v15 =	vsel vm1, v15, v16  }
0x46b: {  	v15 =	vsub.f32 $1.500000000e+00, v15;
	_ =	sdelay $0x1  }
0x46c: {  	(xrf2) =	vadd.scan.msk.f32 $0xffff, v15  }
0x46d: {  	v15 =	vmov s1  }
0x46e: {  	s16 =	sadd.s32 $0x1, s1;
	v15 =	vshrl.u32 v15, $0x3  }
0x46f: {  	v16 =	vmov s16;
	v15 =	vshll.u32 v15, v1  }
0x470: {  	v16 =	vshrl.u32 v16, $0x3;
	v15 =	vadd.s32 v10, v15  }
0x471: {  	v16 =	vshll.u32 v16, v1;
	v15 =	vbroadcast v15, $0x0  }
0x472: {  	v16 =	vadd.s32 v16, v11  }
0x473: {  	v16 =	vbroadcast v16, $0x0;
	v15 =	vor.u32 v2, v15;
	_ =	sdelay $0x2  }
0x474: {  	v17, _, _ =	vpop (xrf2)  }
0x475: {  	v18 =	vsub.f32 $0.0e+00, v17  }
0x476: {  	[tilespmem:v15+s22+$0x0] =	vst.idx.msk vm2, v17  }
0x477: {  	[tilespmem:v16+s22+$0x0] =	vst.idx.add.f32.msk vm0, v18  }
0x478: {  	v15 =	vld [tilespmem:s0+$0xFFFFFFC0]  }
0x479: {  	v16 =	vld [tilespmem:s0+$0xFFFFFF90]  }
0x47a: {  	v17 =	vld [tilespmem:s0+$0xFFFFFFD0]  }
0x47b: {  	v18 =	vld [tilespmem:s0+$0xFFFFFF80]  }
0x47c: {  	v19 =	vld [tilespmem:s0+$0xFFFFFFE0]  }
0x47d: {  	v20 =	vld [tilespmem:s0+$0xFFFFFFA0];
	v15 =	vsub.f32 v6, v15  }
0x47e: {  	v16 =	vsub.f32 v7, v16;
	v21 =	vld [tilespmem:s0+$0xFFFFFFF0]  }
0x47f: {  	v22 =	vld [tilespmem:s0+$0xFFFFFFB0];
	v15 =	vand.u32 $0x7FFFFFFF, v15;
	v17 =	vsub.f32 v7, v17  }
0x480: {  	v18 =	vsub.f32 v6, v18;
	v16 =	vand.u32 $0x7FFFFFFF, v16  }
0x481: {  	v17 =	vand.u32 $0x7FFFFFFF, v17;
	v19 =	vsub.f32 v8, v19  }
0x482: {  	v18 =	vand.u32 $0x7FFFFFFF, v18;
	v20 =	vsub.f32 v8, v20;
	v15 =	vadd.f32 v17, v15  }
0x483: {  	v16 =	vadd.f32 v16, v18;
	v17 =	vand.u32 $0x7FFFFFFF, v19;
	v18 =	vsub.f32 v9, v21  }
0x484: {  	v19 =	vand.u32 $0x7FFFFFFF, v20;
	v20 =	vsub.f32 v9, v22;
	v15 =	vadd.f32 v17, v15  }
0x485: {  	v16 =	vadd.f32 v19, v16;
	v17 =	vand.u32 $0x7FFFFFFF, v18  }
0x486: {  	v18 =	vand.u32 $0x7FFFFFFF, v20;
	v15 =	vadd.f32 v17, v15  }
0x487: {  	v16 =	vadd.f32 v18, v16  }
0x488: {  	v17 =	vperm.xlane v15, v0  }
0x489: {  	v18 =	vperm.xlane v16, v0  }
0x48a: {  	v15 =	vadd.f32 v15, v17  }
0x48b: {  	v16 =	vadd.f32 v18, v16;
	_ =	sdelay $0x1  }
0x48c: {  	v15 =	vsel vm1, v16, v15  }
0x48d: {  	v15 =	vsub.f32 $1.500000000e+00, v15;
	_ =	sdelay $0x1  }
0x48e: {  	s16 =	sadd.s32 $0x2, s1;
	(xrf2) =	vadd.scan.msk.f32 $0xffff, v15  }
0x48f: {  	v15 =	vmov s16  }
0x490: {  	s16 =	sadd.s32 $0x3, s1;
	v15 =	vshrl.u32 v15, $0x3  }
0x491: {  	v16 =	vmov s16;
	v15 =	vshll.u32 v15, v1  }
0x492: {  	v16 =	vshrl.u32 v16, $0x3;
	v15 =	vadd.s32 v10, v15  }
0x493: {  	v16 =	vshll.u32 v16, v1;
	v15 =	vbroadcast v15, $0x0  }
0x494: {  	v16 =	vadd.s32 v16, v12  }
0x495: {  	v16 =	vbroadcast v16, $0x0;
	v15 =	vor.u32 v3, v15;
	_ =	sdelay $0x2  }
0x496: {  	v17, _, _ =	vpop (xrf2)  }
0x497: {  	v18 =	vsub.f32 $0.0e+00, v17  }
0x498: {  	[tilespmem:v15+s22+$0x0] =	vst.idx.msk vm2, v17  }
0x499: {  	[tilespmem:v16+s22+$0x0] =	vst.idx.add.f32.msk vm0, v18  }
0x49a: {  	v15 =	vld [tilespmem:s0+$0x50]  }
0x49b: {  	v16 =	vld [tilespmem:s0+$0x0]  }
0x49c: {  	v17 =	vld [tilespmem:s0+$0x10]  }
0x49d: {  	v18 =	vld [tilespmem:s0+$0x40]  }
0x49e: {  	v19 =	vld [tilespmem:s0+$0x20]  }
0x49f: {  	v20 =	vld [tilespmem:s0+$0x60];
	v15 =	vsub.f32 v7, v15  }
0x4a0: {  	v21 =	vld [tilespmem:s0+$0x30];
	v16 =	vsub.f32 v6, v16  }
0x4a1: {  	v17 =	vsub.f32 v7, v17;
	v22 =	vld [tilespmem:s0+$0x70]  }
0x4a2: {  	v15 =	vand.u32 $0x7FFFFFFF, v15;
	v18 =	vsub.f32 v6, v18  }
0x4a3: {  	v16 =	vand.u32 $0x7FFFFFFF, v16;
	v17 =	vand.u32 $0x7FFFFFFF, v17;
	v19 =	vsub.f32 v8, v19  }
0x4a4: {  	v16 =	vadd.f32 v17, v16;
	v17 =	vand.u32 $0x7FFFFFFF, v18;
	v18 =	vsub.f32 v8, v20  }
0x4a5: {  	v19 =	vand.u32 $0x7FFFFFFF, v19;
	v20 =	vsub.f32 v9, v21;
	v15 =	vadd.f32 v15, v17  }
0x4a6: {  	v16 =	vadd.f32 v19, v16;
	v17 =	vand.u32 $0x7FFFFFFF, v18;
	v18 =	vsub.f32 v9, v22  }
0x4a7: {  	v19 =	vand.u32 $0x7FFFFFFF, v20;
	v15 =	vadd.f32 v17, v15  }
0x4a8: {  	v16 =	vadd.f32 v19, v16;
	v17 =	vand.u32 $0x7FFFFFFF, v18  }
0x4a9: {  	v15 =	vadd.f32 v17, v15  }
0x4aa: {  	v17 =	vperm.xlane v16, v0  }
0x4ab: {  	v18 =	vperm.xlane v15, v0  }
0x4ac: {  	v16 =	vadd.f32 v17, v16  }
0x4ad: {  	v15 =	vadd.f32 v15, v18;
	_ =	sdelay $0x1  }
0x4ae: {  	v15 =	vsel vm1, v16, v15  }
0x4af: {  	v15 =	vsub.f32 $1.500000000e+00, v15  }
0x4b0: {  	s16 =	sadd.s32 $0x4, s1  }
0x4b1: {  	v16 =	vmov s16;
	(xrf2) =	vadd.scan.msk.f32 $0xffff, v15  }
0x4b2: {  	v15 =	vshrl.u32 v16, $0x3  }
0x4b3: {  	s16 =	sadd.s32 $0x5, s1;
	v15 =	vshll.u32 v15, v1  }
0x4b4: {  	v16 =	vmov s16;
	v15 =	vadd.s32 v10, v15  }
0x4b5: {  	v16 =	vshrl.u32 v16, $0x3;
	v15 =	vbroadcast v15, $0x0  }
0x4b6: {  	v16 =	vshll.u32 v16, v1  }
0x4b7: {  	v16 =	vadd.s32 v16, v13;
	v15 =	vor.u32 v4, v15  }
0x4b8: {  	v16 =	vbroadcast v16, $0x0;
	_ =	sdelay $0x2  }
0x4b9: {  	v17, _, _ =	vpop (xrf2)  }
0x4ba: {  	[tilespmem:v15+s22+$0x0] =	vst.idx.msk vm2, v17;
	v15 =	vsub.f32 $0.0e+00, v17;
	_ =	sdelay $0x1  }
0x4bb: {  	[tilespmem:v16+s22+$0x0] =	vst.idx.add.f32.msk vm0, v15  }
0x4bc: {  	v15 =	vld [tilespmem:s0+$0xA0]  }
0x4bd: {  	v16 =	vld [tilespmem:s0+$0x80]  }
0x4be: {  	v17 =	vld [tilespmem:s0+$0xE0]  }
0x4bf: {  	v18 =	vld [tilespmem:s0+$0xD0]  }
0x4c0: {  	v19 =	vld [tilespmem:s0+$0x90]  }
0x4c1: {  	v20 =	vld [tilespmem:s0+$0xC0]  }
0x4c2: {  	v21 =	vld [tilespmem:s0+$0xB0];
	v16 =	vsub.f32 v6, v16  }
0x4c3: {  	v22 =	vld [tilespmem:s0+$0xF0];
	v17 =	vsub.f32 v8, v17  }
0x4c4: {  	v18 =	vsub.f32 v7, v18  }
0x4c5: {  	v15 =	vsub.f32 v8, v15;
	v19 =	vsub.f32 v7, v19  }
0x4c6: {  	v16 =	vand.u32 $0x7FFFFFFF, v16;
	v20 =	vsub.f32 v6, v20;
	v18 =	vand.u32 $0x7FFFFFFF, v18  }
0x4c7: {  	v15 =	vand.u32 $0x7FFFFFFF, v15;
	v19 =	vand.u32 $0x7FFFFFFF, v19;
	v21 =	vsub.f32 v9, v21  }
0x4c8: {  	v16 =	vadd.f32 v19, v16;
	v19 =	vand.u32 $0x7FFFFFFF, v20;
	v20 =	vsub.f32 v9, v22  }
0x4c9: {  	v17 =	vand.u32 $0x7FFFFFFF, v17;
	v18 =	vadd.f32 v18, v19  }
0x4ca: {  	v15 =	vadd.f32 v15, v16  }
0x4cb: {  	v16 =	vand.u32 $0x7FFFFFFF, v21;
	v17 =	vadd.f32 v17, v18;
	v18 =	vand.u32 $0x7FFFFFFF, v20  }
0x4cc: {  	v15 =	vadd.f32 v16, v15  }
0x4cd: {  	v16 =	vadd.f32 v18, v17  }
0x4ce: {  	v17 =	vperm.xlane v15, v0  }
0x4cf: {  	v18 =	vperm.xlane v16, v0  }
0x4d0: {  	v15 =	vadd.f32 v17, v15  }
0x4d1: {  	v16 =	vadd.f32 v16, v18;
	_ =	sdelay $0x1  }
.Ltmp4:
0x4d2: {  	v15 =	vsel vm1, v15, v16;
	(pc) =	sbr.rel @p0 .LBB2_11-.Ltmp4, $4  }
0x4d3: {  	v15 =	vsub.f32 $1.500000000e+00, v15  }
0x4d4: {  	s16 =	sadd.s32 $0x6, s1  }
0x4d5: {  	v16 =	vmov s16;
	(xrf2) =	vadd.scan.msk.f32 $0xffff, v15  }
0x4d6: {  	s16 =	sadd.s32 $0x7, s1;
	v15 =	vshrl.u32 v16, $0x3  }
0x4d7: {  	_ = 	snop  }
0x4d8: {  	v6 =	vshll.u32 v15, v1;
	v7 =	vmov s16  }
0x4d9: {  	v6 =	vadd.s32 v10, v6;
	v7 =	vshrl.u32 v7, $0x3  }
0x4da: {  	v6 =	vbroadcast v6, $0x0;
	v7 =	vshll.u32 v7, v1  }
0x4db: {  	v7 =	vadd.s32 v7, v14  }
0x4dc: {  	s29 =	sadd.s32 $0x1, s29;
	v6 =	vor.u32 v5, v6;
	v7 =	vbroadcast v7, $0x0  }
0x4dd: {  	p0 =	sne.s32 s29, $0x20  }
.Ltmp5:
0x4de: {  	_ = 	snop;
	(pc) =	sbr.rel @p0 .LBB2_4-.Ltmp5, $4  }
0x4df: {  	v8, _, _ =	vpop (xrf2)  }
0x4e0: {  	v9 =	vsub.f32 $0.0e+00, v8  }
0x4e1: {  	[tilespmem:v6+s22+$0x0] =	vst.idx.msk vm2, v8  }
0x4e2: {  	[tilespmem:v7+s22+$0x0] =	vst.idx.add.f32.msk vm0, v9  }
0x4e3: {  	s26 =	sadd.s32 $0x1, s26  }
0x4e4: {  	p0 =	sne.s32 s26, s9  }
.Ltmp6:
0x4e5: {  	_ = 	snop;
	(pc) =	sbr.rel @p0 .LBB2_1-.Ltmp6, $4  }
0x4e6: {  	[hbm4b:s8+s2] =	stream.linear.scatter [tilespmem:s22], [sflag:$0x5], $0x4000, $0x38;
	[tilespmem:$0x14100] =	vst v63  }
0x4e7: {  	_ =	swait.ge [sflag:s11], $0x4000  }
0x4e8: {  	[sflag:s11] =	ssyncset.done $0x0  }
0x4e9: {  	[sflag:s11] =	ssyncadd.s32 $0xFFFFC000  }
0x4ea: {  	_ =	sfence.sel $0x180000  }
0x4eb: {  	[bflag:$0x0] =	sbarrier.arrive $0xFFFF  }
0x4ec: {  	_ =	strace $0x9000004A  }
0x4ed: {  	s0 =	stileid.u32;
	[bflag:$0x2] =	sbarrier.arrive $0xFFFF  }
0x4ee: {  	p0 =	sne.s32 s0, $0x0;
	s0 =	rddreg [dreg:$0x2]  }
0x4ef: {  	s0 =	sadd.s32 @!p0 $0x100000, s0  }
0x4f0: {  	[sflag:s0] =	ssyncadd.tile.s32 @!p0 $0x1;
	_ =	shalt  }
.Lfunc_end2:
_tile_overlayer_lowered:
.L_overlay_start_2:
0x4f1: {  	(tag) =	ssettag $0x2  }
0x4f2: {  	s0 =	rddreg [dreg:$0x0];
	s2 =	stileid.u32  }
0x4f3: {  	s1 =	rddreg [dreg:$0x1];
	p0 =	sne.s32 s2, $0x0  }
0x4f4: {  	s3 =	rddreg [dreg:$0x2];
	[bflag:$0x3] =	sbarrier.arrive $0xFFFF;
	s2 =	simm.s32 @!p0 $0x1C05  }
0x4f5: {  	[timem:s3], [sflag:s2] =	dma.local @!p0 [hbm:s0], s1  }
0x4f6: {  	s0 =	simm.s32 @!p0 $0x5  }
0x4f7: {  	_ =	swait.ge @!p0 [sflag:s0], s1  }
0x4f8: {  	s1 =	ssub.s32 @!p0 $0x0, s1;
	[sflag:s0] =	ssyncset.done @!p0 $0x0  }
0x4f9: {  	[sflag:s0] =	ssyncadd.s32 @!p0 s1  }
0x4fa: {  	[bflag:$0x3] =	sbarrier.arrive $0xFFFF  }
0x4fb: {  	_ =	shalt  }

// kernel: sparse-core-data-format-call.cloned.1.call-start
scs
called_computation_lowered:
.L_overlay_start_0:
0x0: {  	s2 =	sld [smem:$0x3FD9]  }
0x1: {  	s3 =	sld [smem:$0x3FFE];
	_ =	sdelay $0x1  }
0x2: {  	s1 =	srdreg.scid  }
0x3: {  	s0 =	sand.u32 $0x1, s1  }
0x4: {  	s18 =	sshll.u32 s0, $0xA;
	s2 =	sadd.s32 s3, s2  }
0x5: {  	s2 =	sadd.s32 s2, s18  }
0x6: {  	[smem:$0x3FC4] =	sst s2  }
0x7: {  	_ = 	snop  }
0x8: {  	s2 =	sld [smem:$0x3FC7];
	(tm) =	ssettm $0x1  }
0x9: {  	s19 =	sld [smem:$0x3FFB];
	_ =	sdelay $0x3  }
0xa: {  	_ =	strace s19  }
0xb: {  	s3 =	sld [smem:$0x3FFC];
	_ =	sdelay $0x3  }
0xc: {  	_ =	strace s3  }
0xd: {  	s3 =	sld [smem:$0x3FFD];
	_ =	sdelay $0x3  }
0xe: {  	_ =	strace s3  }
0xf: {  	_ =	strace $0x8FFFFFFF  }
0x10: {  	s20 =	sld [smem:$0x3FDB];
	_ =	sdelay $0x1  }
0x11: {  	s4 =	simm.s32 $_scs_section_size  }
0x12: {  	s5 =	simm.s32 $_size__tile_overlayer_lowered;
	s6 =	simm.s32 $_tile_overlayer_lowered  }
0x13: {  	s23 =	simm.s32 $0x1BFF;
	s22 =	sshll.u32 s6, $0x1;
	s3 =	sadd.s32 s4, s20  }
0x14: {  	s7 =	simm.s32 $0x0;
	s21 =	sshll.u32 s5, $0x1;
	s5 =	sadd.s32 s22, s3  }
0x15: {  	[timem:s7], [sflag:s23] =	dma.local [hbm:s5], s21  }
0x16: {  	_ =	swait.ge [sflag:s23], s21  }
0x17: {  	s4 =	ssub.s32 $0x0, s21;
	[sflag:s23] =	ssyncset.done $0x0  }
0x18: {  	[sflag:s23] =	ssyncadd.s32 s4;
	_ =	sdelay $0x1  }
0x19: {  	s24 =	simm.s32 $0x1B8B  }
0x1a: {  	_ =	swait.ge [sflag:s24], $0x1  }
0x1b: {  	[sflag:s24] =	ssyncset.done $0x0  }
0x1c: {  	s26 =	simm.s32 $0x1B8E;
	s25 =	sld [smem:$0x3FFE];
	[sflag:s24] =	ssyncadd.s32 $0xFFFFFFFF  }
0x1d: {  	s27 =	simm.s32 $execute0_lowered;
	[smem:$0x3FD2] =	sst s26  }
0x1e: {  	s5 =	sshll.u32 s27, $0x1;
	_ =	strace $0x80000046;
	[dreg:$0x1] =	wrdreg $0xFFFFFFFF  }
0x1f: {  	s28 =	simm.s32 $_size_execute0_lowered;
	s3 =	sadd.s32 s3, s5;
	[dreg:$0x0] =	wrdreg $0x0  }
0x20: {  	s5 =	sshll.u32 s28, $0x1;
	[dreg:$0x2] =	wrdreg s3  }
0x21: {  	[dreg:$0x3] =	wrdreg s5  }
0x22: {  	[dreg:$0x4] =	wrdreg $0xC0  }
0x23: {  	_ =	task [dreg:s7], $0x5FFFF  }
0x24: {  	[dreg:$0x1] =	wrdreg $0xFFFFFFFF  }
0x25: {  	[dreg:$0x0] =	wrdreg $0x60  }
0x26: {  	[dreg:$0x2] =	wrdreg s2  }
0x27: {  	[dreg:$0x3] =	wrdreg s25  }
0x28: {  	[dreg:$0x4] =	wrdreg $0x9  }
0x29: {  	_ =	task.clear_ibuf [dreg:s7], $0x5FFFF;
	_ =	strace $0x90000046  }
0x2a: {  	s29 =	simm.s32 $0x9;
	_ =	strace $0x80000048  }
0x2b: {  	_ =	swait.ge [sflag:s29], $0x1  }
0x2c: {  	[sflag:s29] =	ssyncadd.s32 $0xFFFFFFFF  }
0x2d: {  	_ =	strace $0x90000048  }
0x2e: {  	_ =	sfence  }
0x2f: {  	s30 =	sld [smem:$0x0];
	_ =	sdelay $0x2  }
0x30: {  	s31 =	sshll.u32 s1, $0xD;
	s1 =	sshrl.u32 s1, $0x2  }
0x31: {  	s3 =	sand.u32 $0x4000, s31;
	s1 =	sadd.s32 s1, s30  }
0x32: {  	s0 =	sor.u32 s3, s0;
	s1 =	sshll.u32 s1, $0x11  }
0x33: {  	s0 =	sor.u32 s1, s0  }
0x34: {  	s0 =	sadd.s32 $0x8F2B, s0  }
0x35: {  	[sflag:s0] =	ssyncadd.remote.s32 $0x1  }
0x36: {  	_ =	sfence.sel $0xFFFF  }
0x37: {  	[dreg:$0x0] =	wrdreg $0xFFFFFFFF;
	(pc) =	sbr.abs _section_cstart, $3  }
0x38: {  	[dreg:$0x1] =	wrdreg $0xFFFFFFFF  }
0x39: {  	_ =	task.clear_ibuf [dreg:s7], $0x2FFFF;
	_ =	strace $0x9FFFFFFF  }
0x3a: {  	(tm) =	ssettm $0x7FFFFFFF  }
0x3b: {  	_ =	shalt  }
tec
execute0_lowered:
.L_overlay_start_1:
0x0: {  	(tag) =	ssettag $0x1  }
0x1: {  	s0 =	srdreg.scid;
	s2 =	rddreg [dreg:$0x0]  }
0x2: {  	s5 =	rddreg [dreg:$0x1];
	s1 =	stileid.u32  }
0x3: {  	s4 =	simm.s32 $0x1;
	s6 =	simm.s32 $0x2;
	s15 =	simm.s32 $0x0  }
0x4: {  	p0 =	por $0x0, $0x0;
	s8 =	simm.s32 $0x80;
	s0 =	sshll.u32 s0, $0x4  }
0x5: {  	s14 =	simm.s32 $0x0;
	s9 =	simm.s32 $0x0;
	s3 =	sand.u32 $0x10, s0  }
.Ltmp0:
0x6: {  	s10 =	simm.s32 $0x0;
	s3 =	sor.u32 s1, s3;
	(pc) =	sbr.rel .LBB1_1-.Ltmp0, $4  }
0x7: {  	s0 =	rddreg [dreg:$0x2];
	_ =	strace $0x80000047;
	s3 =	sshll.u32 s3, $0x7  }
0x8: {  	s12 =	simm.s32 $0x0;
	[sflag:s4] =	ssyncpa.u1 $0x0;
	s7 =	ssub.s32 $0xF4200, s3  }
0x9: {  	s13 =	simm.s32 $0x0;
	[sflag:s6] =	ssyncpa.u1 $0x0;
	s6 =	sshrl.u32 s7, $0xC  }
0xa: {  	s5 =	sadd.s32 $0xE00, s5;
	s11 =	smov.u32 s3;
	s7 =	sadd.s32 $0x2, s6  }
.LBB1_5:
0xb: {  	p1 =	slt.u32 s13, $0x2  }
0xc: {  	s17 =	smov.u32 s15;
	p2 =	sgt.s32 @!p1 s15, $0xF41C0;
	s16 =	sshra.s32 @!p1 s15, $0x1F  }
0xd: {  	p3 =	sgt.s32 @!p1 s14, $0x40;
	s18 =	sshra.s32 @!p1 s14, $0x1F;
	p2 =	por !p2, p1  }
0xe: {  	s15 =	sand.u32 @!p1 s16, s15;
	p3 =	por !p3, p1;
	s16 =	smov.u32 s14  }
0xf: {  	s14 =	sand.u32 @!p1 s18, s14;
	s17 =	simm.s32 @p2 $0xF41C0;
	s16 =	simm.s32 @p3 $0x40  }
0x10: {  	s15 =	ssub.s32 @!p1 s17, s15;
	s14 =	ssub.s32 @!p1 s16, s14  }
0x11: {  	s18 =	smov.u32 s12;
	s16 =	sadd.s32 @!p1 $0xFFF0BE40, s15;
	s17 =	sadd.s32 @!p1 $0xFFFFFFC0, s14  }
0x12: {  	s15 =	ssub.s32 @!p1 $0xF4240, s15;
	p2 =	sgt.s32 @!p1 s16, $0x7F;
	p3 =	sgt.s32 @!p1 s17, $0x3F  }
0x13: {  	s14 =	ssub.s32 @!p1 $0x80, s14;
	p2 =	por !p2, p1;
	p3 =	por !p3, p1  }
0x14: {  	s16 =	sadd.s32 $0x1000, s11;
	s15 =	simm.s32 @!p2 $0x0;
	s14 =	simm.s32 @!p3 $0x0  }
0x15: {  	p2 =	sgt.s32 s16, $0xF423F;
	s14 =	smul.u32 @!p1 s14, s15;
	s15 =	sadd.s32 $0x40, s12  }
0x16: {  	s18 =	smov.u32 @p2 s15  }
0x17: {  	s16 =	smov.u32 @p2 s3;
	p2 =	sgt.s32 s18, $0x3F  }
0x18: {  	s18 =	simm.s32 @p2 $0x0;
	p2 =	sne.s32 s13, s7  }
.Ltmp1:
0x19: {  	p0 =	por !p0, !p0;
	s17 =	simm.s32 @!p1 $0x2;
	(pc) =	sbr.rel @!p2 .LBB1_6-.Ltmp1, $4  }
0x1a: {  	s15 =	smov.u32 s9;
	s9 =	smov.u32 s11;
	s14 =	sand.u32 @!p1 $0x3FFFFFFF, s14  }
0x1b: {  	s11 =	smov.u32 s16;
	_ =	swait.ge @!p1 [sflag:s17], s14;
	s19 =	ssub.s32 @!p1 $0x0, s14  }
0x1c: {  	s14 =	smov.u32 s10;
	s13 =	sadd.s32 $0x1, s13;
	[sflag:s17] =	ssyncset.done @!p1 $0x0  }
0x1d: {  	s10 =	smov.u32 s12;
	s12 =	smov.u32 s18;
	[sflag:s17] =	ssyncadd.s32 @!p1 s19  }
.LBB1_1:
0x1e: {  	p1 =	sgt.u32 s13, s6  }
0x1f: {  	s16 =	sshrl.u32 @!p1 s12, $0x3  }
0x20: {  	s17 =	sshll.u32 @!p1 s11, $0x3;
	s16 =	smul.u32 @!p1 $0x7A1400, s16  }
0x21: {  	s18 =	sshll.u32 @!p1 s12, $0x7;
	s17 =	sand.u32 @!p1 $0xFFFFFC00, s17  }
0x22: {  	s16 =	sadd.s32 @!p1 s16, s17;
	s17 =	sand.u32 @!p1 $0x380, s18  }
0x23: {  	s18 =	sand.u32 @!p1 $0x7F, s11;
	s16 =	sor.u32 @!p1 s17, s16  }
0x24: {  	s17 =	sor.u32 @!p1 s18, s16  }
0x25: {  	s18 =	smulhi.u32 @!p1 $0x218D6287, s17;
	_ =	sdelay $0x1  }
0x26: {  	s16 =	smulhi.u32 @!p1 $0x218D6287, s16;
	s18 =	sshrl.u32 @!p1 s18, $0x11  }
0x27: {  	s18 =	smul.u32 @!p1 $0xF4280, s18  }
0x28: {  	s19 =	sxor.u32 @!p1 $0xFFFFFFFF, s13;
	s16 =	sshrl.u32 @!p1 s16, $0x11  }
0x29: {  	s19 =	sshll.u32 @!p1 s19, $0xD;
	s16 =	sand.u32 @!p1 $0x3F, s16;
	s17 =	ssub.s32 @!p1 s17, s18  }
0x2a: {  	s16 =	smul.u32 @!p1 $0x1E850, s16;
	s18 =	sshrl.u32 @!p1 s17, $0x3;
	s17 =	sand.u32 @!p1 $0x7, s17  }
0x2b: {  	s19 =	sand.u32 @!p1 $0x2000, s19;
	s18 =	sadd.s32 @!p1 s2, s18;
	s17 =	sshll.u32 @!p1 s17, $0x12  }
0x2c: {  	s16 =	sadd.s32 @!p1 s16, s18;
	s17 =	sor.u32 @!p1 $0x400, s17;
	s18 =	simm.s32 @!p1 $0x7A1400  }
0x2d: {  	[tilespmem:s19], [sflag:$0x1] =	stream.strided.gather @!p1 [hbm4b:s16+s17], $0x2000, s18, s17, $0x38;
	[tilespmem:$0x8100] =	vst v63  }
0x2e: {  	p1 =	seq.s32 s13, $0x0  }
0x2f: {  	p2 =	sge.u32 @!p1 s13, s7  }
0x30: {  	p1 =	por p1, p2  }
.Ltmp2:
0x31: {  	_ = 	snop;
	(pc) =	sbr.rel @p1 .LBB1_5-.Ltmp2, $1  }
0x32: {  	_ =	sdelay $0x3  }
0x33: {  	s16 =	simm.s32 $0x1  }
0x34: {  	_ =	swait.ge [sflag:s4], $0x2000;
	s16 =	simm.s32 @!p0 $0x0  }
0x35: {  	[sflag:s4] =	ssyncset.done $0x0;
	s17 =	sshll.u32 s16, $0xD  }
0x36: {  	[sflag:s4] =	ssyncadd.s32 $0xFFFFE000;
	s17 =	sor.u32 $0x40, s17  }
0x37: {  	s16 =	smul.u32 $0x8200, s16;
	v0 =	vld [tilespmem:s17+$0x30]  }
0x38: {  	v1 =	vld [tilespmem:s17+$0xFFFFFFD0]  }
0x39: {  	s16 =	sshrl.u32 s16, $0x2;
	v5 =	vld [tilespmem:s17+$0xFFFFFFE0]  }
0x3a: {  	v6 =	vld [tilespmem:s17+$0xFFFFFFF0];
	s19 =	sor.u32 $0x4000, s16  }
0x3b: {  	s31 =	sand.u32 $0x1, s13;
	v4 =	vld [tilespmem:s17+$0x0];
	s18 =	sadd.s32 $0x0, s19  }
0x3c: {  	v3 =	vld [tilespmem:s17+$0x10];
	s16 =	smul.u32 $0x8200, s31;
	[tilespmem:s18+$0x1C70 ss:$0x41] =	vst.msk $0xffff, v0  }
0x3d: {  	v2 =	vld [tilespmem:s17+$0x20];
	[tilespmem:s18+$0x410 ss:$0x41] =	vst.msk $0xffff, v1  }
0x3e: {  	s16 =	sshrl.u32 s16, $0x2;
	v1 =	vld [tilespmem:s17+$0xFFFFFFC0];
	[tilespmem:s18+$0x820 ss:$0x41] =	vst.msk $0xffff, v5;
	s17 =	sadd.s32 $0x80, s17  }
0x3f: {  	s20 =	simm.s32 $0x4;
	s21 =	simm.s32 $0x8;
	s16 =	sor.u32 $0x4000, s16;
	[tilespmem:s18+$0xC30 ss:$0x41] =	vst.msk $0xffff, v6;
	v0 =	vld [tilespmem:s17+$0x30]  }
.LBB1_3:
0x40: {  	p1 =	sne.s32 s21, $0xFC;
	v5 =	vld [tilespmem:s17+$0xFFFFFFD0];
	[tilespmem:s18+$0x1040 ss:$0x41] =	vst.msk $0xffff, v4  }
0x41: {  	v6 =	vld [tilespmem:s17+$0xFFFFFFE0];
	[tilespmem:s18+$0x1450 ss:$0x41] =	vst.msk $0xffff, v3  }
0x42: {  	s22 =	sshra.s32 s20, $0x2;
	s20 =	smov.u32 s21;
	v7 =	vld [tilespmem:s17+$0xFFFFFFF0];
	[tilespmem:s18+$0x1860 ss:$0x41] =	vst.msk $0xffff, v2  }
.Ltmp3:
0x43: {  	v4 =	vld [tilespmem:s17+$0x0];
	[tilespmem:s18+$0x0 ss:$0x41] =	vst.msk $0xffff, v1;
	s18 =	sadd.s32 s22, s19;
	(pc) =	sbr.rel @p1 .LBB1_3-.Ltmp3, $4  }
0x44: {  	v3 =	vld [tilespmem:s17+$0x10];
	[tilespmem:s18+$0x1C70 ss:$0x41] =	vst.msk $0xffff, v0  }
0x45: {  	[tilespmem:s18+$0x410 ss:$0x41] =	vst.msk $0xffff, v5;
	v2 =	vld [tilespmem:s17+$0x20]  }
0x46: {  	v1 =	vld [tilespmem:s17+$0xFFFFFFC0];
	[tilespmem:s18+$0x820 ss:$0x41] =	vst.msk $0xffff, v6;
	s17 =	sadd.s32 $0x80, s17  }
0x47: {  	s21 =	sadd.s32 $0x4, s21;
	v0 =	vld [tilespmem:s17+$0x30];
	[tilespmem:s18+$0xC30 ss:$0x41] =	vst.msk $0xffff, v7  }
0x48: {  	s21 =	sshll.u32 s9, $0x7;
	s22 =	sshll.u32 s10, $0x3;
	s20 =	sshra.s32 s20, $0x2  }
0x49: {  	p1 =	sgt.s32 s9, $0xF41C0;
	s30 =	sshra.s32 s9, $0x1F;
	s25 =	sshra.s32 s10, $0x1F  }
0x4a: {  	v5 =	vld [tilespmem:s17+$0xFFFFFFD0];
	s28 =	sshrl.u32 s10, $0x3;
	s23 =	sand.u32 $0xFFFFFC00, s21;
	s22 =	sand.u32 $0xFFFFFC00, s22  }
0x4b: {  	[tilespmem:s18+$0x1040 ss:$0x41] =	vst.msk $0xffff, v4;
	v58 =	vld [tilespmem:s17+$0xFFFFFFE0];
	s21 =	sand.u32 $0x380, s21;
	s19 =	sadd.s32 s20, s19;
	s22 =	sadd.s32 s22, s23  }
0x4c: {  	v59 =	vld [tilespmem:s17+$0xFFFFFFF0];
	[tilespmem:s18+$0x1450 ss:$0x41] =	vst.msk $0xffff, v3;
	s29 =	sor.u32 s21, s22;
	s21 =	smov.u32 s9;
	s22 =	sand.u32 s30, s9  }
0x4d: {  	v60 =	vld [tilespmem:s17+$0x0];
	[tilespmem:s18+$0x1860 ss:$0x41] =	vst.msk $0xffff, v2;
	s30 =	sand.u32 $0x7, s10;
	s20 =	sshrl.u32 s29, $0x7;
	s21 =	simm.s32 @!p1 $0xF41C0  }
0x4e: {  	v61 =	vld [tilespmem:s17+$0x10];
	[tilespmem:s18+$0x0 ss:$0x41] =	vst.msk $0xffff, v1;
	p1 =	sgt.s32 s10, $0x40;
	s24 =	ssub.s32 s21, s22;
	s21 =	smov.u32 s10  }
0x4f: {  	v62 =	vld [tilespmem:s17+$0x20];
	[tilespmem:s19+$0x1C70 ss:$0x41] =	vst.msk $0xffff, v0;
	s31 =	smulhi.u32 $0x218DEF5, s20;
	s22 =	sand.u32 s25, s10;
	s21 =	simm.s32 @!p1 $0x40  }
0x50: {  	v63 =	vld [tilespmem:s17+$0xFFFFFFC0];
	[tilespmem:s19+$0x410 ss:$0x41] =	vst.msk $0xffff, v5;
	s26 =	sadd.s32 $0xFFF0BE40, s24;
	s17 =	ssub.s32 $0xF4240, s24;
	s21 =	ssub.s32 s21, s22  }
0x51: {  	[tilespmem:s19+$0x820 ss:$0x41] =	vst.msk $0xffff, v58;
	s23 =	sshrl.u32 s31, $0xD;
	p1 =	sgt.s32 s26, $0x7F;
	s27 =	sadd.s32 $0xFFFFFFC0, s21  }
0x52: {  	[tilespmem:s19+$0xC30 ss:$0x41] =	vst.msk $0xffff, v59;
	s23 =	smul.u32 $0xF4240, s23;
	s18 =	ssub.s32 $0x80, s21;
	p2 =	sgt.s32 s27, $0x3F  }
.Ltmp4:
0x53: {  	[tilespmem:s19+$0x1040 ss:$0x41] =	vst.msk $0xffff, v60;
	s17 =	simm.s32 @p1 $0x0;
	s18 =	simm.s32 @p2 $0x0;
	(pc) =	sbr.rel .LBB1_5-.Ltmp4, $4  }
0x54: {  	s29 =	sand.u32 $0xF, s28;
	[tilespmem:s19+$0x1450 ss:$0x41] =	vst.msk $0xffff, v61;
	s20 =	ssub.s32 s20, s23;
	s17 =	smul.u32 s18, s17  }
0x55: {  	[tilespmem:s19+$0x1860 ss:$0x41] =	vst.msk $0xffff, v62;
	s21 =	sshll.u32 s30, $0x12;
	s20 =	sshll.u32 s20, $0x4;
	s18 =	sadd.s32 s5, s29  }
0x56: {  	[tilespmem:s19+$0x0 ss:$0x41] =	vst.msk $0xffff, v63;
	s31 =	sor.u32 $0x40, s21;
	s18 =	sadd.s32 s20, s18;
	s17 =	sand.u32 $0x3FFFFFFF, s17  }
0x57: {  	[hbm4b:s18+s31] =	stream.strided.scatter [tilespmem:s16], [sflag:$0x2], s17, s8, s31, $0x18;
	[tilespmem:$0x8100] =	vst v63  }
.LBB1_6:
0x58: {  	_ =	sfence.sel $0x180000  }
0x59: {  	s2 =	simm.s32 $0x1;
	[bflag:$0x0] =	sbarrier.arrive $0xFFFF  }
0x5a: {  	s31 =	simm.s32 $0x2;
	[sflag:s2] =	ssyncpa.u1 $0x1  }
0x5b: {  	[sflag:s31] =	ssyncpa.u1 $0x1  }
0x5c: {  	p0 =	sne.s32 s1, $0x0;
	_ =	strace $0x90000047  }
0x5d: {  	s0 =	sadd.s32 @!p0 $0x100000, s0;
	[bflag:$0x2] =	sbarrier.arrive $0xFFFF  }
0x5e: {  	[sflag:s0] =	ssyncadd.tile.s32 @!p0 $0x1;
	_ =	shalt  }
.Lfunc_end1:
_tile_overlayer_lowered:
.L_overlay_start_2:
0x5f: {  	(tag) =	ssettag $0x2  }
0x60: {  	s0 =	rddreg [dreg:$0x0];
	s2 =	stileid.u32  }
0x61: {  	s1 =	rddreg [dreg:$0x1];
	p0 =	sne.s32 s2, $0x0  }
0x62: {  	s3 =	rddreg [dreg:$0x2];
	[bflag:$0x3] =	sbarrier.arrive $0xFFFF;
	s2 =	simm.s32 @!p0 $0x1C01  }
0x63: {  	[timem:s3], [sflag:s2] =	dma.local @!p0 [hbm:s0], s1  }
0x64: {  	s0 =	simm.s32 @!p0 $0x1  }
0x65: {  	_ =	swait.ge @!p0 [sflag:s0], s1  }
0x66: {  	s1 =	ssub.s32 @!p0 $0x0, s1;
	[sflag:s0] =	ssyncset.done @!p0 $0x0  }
0x67: {  	[sflag:s0] =	ssyncadd.s32 @!p0 s1  }
0x68: {  	[bflag:$0x3] =	sbarrier.arrive $0xFFFF  }
0x69: {  	_ =	shalt  }

</sc_bundles>
